<compile_context>
chip_gen: v7x
topology: tpu7x:2x2x1
jax: 0.10.2.dev20260603
libtpu: 0.0.44.dev20260713+nightly
codegen_flags: <defaults>
</compile_context>

<pallas_src>
import functools

import jax
import jax.numpy as jnp
from jax import lax
from jax.experimental import pallas as pl
from jax.experimental.pallas import tpu as pltpu
from jax.experimental.pallas import tpu_sc as plsc

N = 10000
E = 320000
D = 128
NC = 2
NS = 16
NW = NC * NS
EPW = E // NW
CH = 128
NCH = EPW // CH
TAIL = EPW - NCH * CH
NP = 10240
RPT = NP // NS

_sc_mesh = plsc.VectorSubcoreMesh(core_axis_name="c", subcore_axis_name="s")


@functools.partial(
    pl.kernel,
    out_type=jax.ShapeDtypeStruct((NC, NP), jnp.float32),
    mesh=_sc_mesh,
    compiler_params=pltpu.CompilerParams(needs_layout_passes=False),
    scratch_types=[
        pltpu.VMEM((EPW,), jnp.int32),
        pltpu.VMEM((NP,), jnp.float32),
        pltpu.VMEM((NS, RPT), jnp.float32),
        pltpu.VMEM((RPT,), jnp.float32),
        pltpu.VMEM_SHARED((NS, NP), jnp.float32),
    ],
)
def _deg_kernel(dst_hbm, out_hbm, dsti_v, hist_v, red_v, outv_v, sh):
    cid = lax.axis_index("c")
    sid = lax.axis_index("s")
    wid = cid * NS + sid
    pltpu.sync_copy(dst_hbm.at[pl.ds(wid * EPW, EPW)], dsti_v)

    def z(i, carry):
        hist_v[pl.ds(i * 16, 16)] = jnp.zeros((16,), jnp.float32)
        return carry

    lax.fori_loop(0, NP // 16, z, 0)

    ones16 = jnp.ones((16,), jnp.float32)

    def step(e, carry):
        idx16 = dsti_v[pl.ds(e * 16, 16)]
        plsc.addupdate_scatter(hist_v, [idx16], ones16)
        return carry

    lax.fori_loop(0, EPW // 16, step, 0)

    pltpu.sync_copy(hist_v, sh.at[sid])
    plsc.subcore_barrier()
    for j in range(NS):
        pltpu.sync_copy(sh.at[j, pl.ds(sid * RPT, RPT)], red_v.at[j])

    def rs(cb, carry):
        o = cb * 16
        s = red_v[0, pl.ds(o, 16)]
        for j in range(1, NS):
            s = s + red_v[j, pl.ds(o, 16)]
        outv_v[pl.ds(o, 16)] = s
        return carry

    lax.fori_loop(0, RPT // 16, rs, 0)
    pltpu.sync_copy(outv_v, out_hbm.at[cid, pl.ds(sid * RPT, RPT)])


@functools.partial(
    pl.kernel,
    out_type=jax.ShapeDtypeStruct((NC, NP, D), jnp.float32),
    mesh=_sc_mesh,
    scratch_types=[
        pltpu.VMEM((EPW,), jnp.int32),
        pltpu.VMEM((CH,), jnp.int32),
        pltpu.VMEM((CH,), jnp.int32),
        pltpu.VMEM((2, CH, D), jnp.float32),
        pltpu.VMEM((TAIL,), jnp.int32),
        pltpu.VMEM((TAIL, D), jnp.float32),
        pltpu.VMEM_SHARED((NP, D), jnp.float32),
        pltpu.SemaphoreType.DMA,
        pltpu.SemaphoreType.DMA,
        pltpu.SemaphoreType.DMA,
        pltpu.SemaphoreType.DMA,
        pltpu.SemaphoreType.DMA,
        pltpu.SemaphoreType.DMA,
    ],
)
def _msg_kernel(g_hbm, src_hbm, dst_hbm, zeros_hbm, out_hbm,
                srci_v, dst0_v, dst1_v, rows_v, taild_v, tailr_v, acc_sh,
                semr0, semr1, semi0, semi1, sems0, sems1):
    cid = lax.axis_index("c")
    sid = lax.axis_index("s")
    wid = cid * NS + sid
    pltpu.sync_copy(src_hbm.at[pl.ds(wid * EPW, EPW)], srci_v)
    pltpu.sync_copy(zeros_hbm.at[pl.ds(sid * RPT, RPT)],
                    acc_sh.at[pl.ds(sid * RPT, RPT)])
    plsc.subcore_barrier()

    semr = (semr0, semr1)
    semi = (semi0, semi1)
    sems = (sems0, sems1)
    dstb = (dst0_v, dst1_v)

    def fetch(c, b):
        dr = pltpu.async_copy(g_hbm.at[srci_v.at[pl.ds(c * CH, CH)]],
                              rows_v.at[b], semr[b])
        di = pltpu.async_copy(dst_hbm.at[pl.ds(wid * EPW + c * CH, CH)],
                              dstb[b], semi[b])
        return dr, di

    def wait_fetch(c, b):
        pltpu.make_async_copy(g_hbm.at[srci_v.at[pl.ds(c * CH, CH)]],
                              rows_v.at[b], semr[b]).wait()
        pltpu.make_async_copy(dst_hbm.at[pl.ds(wid * EPW + c * CH, CH)],
                              dstb[b], semi[b]).wait()

    def scatter(b):
        return pltpu.async_copy(rows_v.at[b], acc_sh.at[dstb[b]], sems[b],
                                add=True)

    def drain_scatter(b):
        pltpu.make_async_copy(rows_v.at[b], acc_sh.at[dstb[b]],
                              sems[b]).wait()

    pltpu.async_copy(g_hbm.at[srci_v.at[pl.ds(NCH * CH, TAIL)]],
                     tailr_v, semr0).wait()
    pltpu.async_copy(dst_hbm.at[pl.ds(wid * EPW + NCH * CH, TAIL)],
                     taild_v, semi0).wait()
    pltpu.sync_copy(tailr_v, acc_sh.at[taild_v], add=True)

    fetch(0, 0)
    fetch(1, 1)
    wait_fetch(0, 0)
    scatter(0)
    drain_scatter(0)
    fetch(2, 0)
    wait_fetch(1, 1)
    scatter(1)
    drain_scatter(1)
    fetch(3, 1)
    wait_fetch(2, 0)
    scatter(0)

    def pair(cc, carry):
        c1 = 2 * cc + 4
        drain_scatter(0)
        fetch(c1, 0)
        wait_fetch(c1 - 1, 1)
        scatter(1)
        c2 = c1 + 1
        drain_scatter(1)
        fetch(c2, 1)
        wait_fetch(c2 - 1, 0)
        scatter(0)
        return carry

    lax.fori_loop(0, (NCH - 4) // 2, pair, 0)
    wait_fetch(NCH - 1, 1)
    scatter(1)
    drain_scatter(0)
    drain_scatter(1)
    plsc.subcore_barrier()
    pltpu.sync_copy(acc_sh.at[pl.ds(sid * RPT, RPT)],
                    out_hbm.at[cid, pl.ds(sid * RPT, RPT)])


BN = 2000


def _dinv_from_parts(degp_ref):
    deg = degp_ref[0] + degp_ref[1] + 1.0
    return lax.rsqrt(deg)


def _gw_body(degp_ref, x_ref, w_ref, g_ref):
    h = jnp.dot(x_ref[...], w_ref[...], preferred_element_type=jnp.float32)
    g_ref[...] = h * _dinv_from_parts(degp_ref)


def _fin_body(acc_ref, g_ref, degp_ref, x_ref, b_ref, gam_ref, bet_ref, o_ref):
    dinv = _dinv_from_parts(degp_ref)
    s = (acc_ref[0] + acc_ref[1] + g_ref[...]) * dinv + b_ref[...]
    mean = jnp.mean(s, axis=-1, keepdims=True)
    c = s - mean
    var = jnp.mean(c * c, axis=-1, keepdims=True)
    y = c * lax.rsqrt(var + 1e-5) * gam_ref[...] + bet_ref[...]
    o_ref[...] = jnp.maximum(y, 0.0) + x_ref[...]


def _row_spec(w):
    return pl.BlockSpec((BN, w), lambda i: (i, 0))


def _part_spec(w):
    return pl.BlockSpec((NC, BN, w), lambda i: (0, i, 0))


def _full_spec(shape):
    return pl.BlockSpec(shape, lambda i: tuple(0 for _ in shape))


_gw_call = pl.pallas_call(
    _gw_body,
    grid=(N // BN,),
    in_specs=[_part_spec(1), _row_spec(D), _full_spec((D, D))],
    out_specs=_row_spec(D),
    out_shape=jax.ShapeDtypeStruct((N, D), jnp.float32),
)

_fin_call = pl.pallas_call(
    _fin_body,
    grid=(N // BN,),
    in_specs=[_part_spec(D), _row_spec(D), _part_spec(1), _row_spec(D),
              _full_spec((1, D)), _full_spec((1, D)), _full_spec((1, D))],
    out_specs=_row_spec(D),
    out_shape=jax.ShapeDtypeStruct((N, D), jnp.float32),
)


def kernel(x, edge_index, W, b, gamma, beta):
    src = edge_index[0].astype(jnp.int32)
    dst = edge_index[1].astype(jnp.int32)
    zeros_acc = jnp.zeros((NP, D), jnp.float32)

    degp = _deg_kernel(dst).reshape(NC, NP, 1)
    g = _gw_call(degp, x, W)
    accp = _msg_kernel(g, src, dst, zeros_acc)
    return _fin_call(accp, g, degp, x,
                     b.reshape(1, D), gamma.reshape(1, D), beta.reshape(1, D))

# --- scband reference (transcript-rebuilt; emitter-appended) ---
"""Pipeline reference for scband-graph-convolutional-layer-29918742184184 (READ-ONLY COPY).

The authoritative reference and input builder live on the scoring server;
editing this copy changes nothing except your own understanding.
"""

import jax, jax.numpy as jnp
import numpy as np

N_NODES = 10000
N_EDGES = 320000
D_IN = 128
D_OUT = 128

def setup_inputs(seed: int = 0) -> dict:
    key = jax.random.key(seed)
    k_x, k_ei, k_w, k_b, k_g, k_be = jax.random.split(key, 6)
    x = jax.random.normal(k_x, (N_NODES, D_IN), dtype=jnp.float32)
    edge_index = jax.random.randint(k_ei, (2, N_EDGES), 0, N_NODES, dtype=jnp.int64)
    # GCNConv linear weight (stored as [in, out] for x @ W) + bias
    W = jax.random.normal(k_w, (D_IN, D_OUT), dtype=jnp.float32) * (1.0 / np.sqrt(D_IN))
    b = jax.random.normal(k_b, (D_OUT,), dtype=jnp.float32) * 0.01
    # LayerNorm affine params
    gamma = jnp.ones((D_OUT,), dtype=jnp.float32)
    beta = jnp.zeros((D_OUT,), dtype=jnp.float32)
    return {"x": x, "edge_index": edge_index, "W": W, "b": b, "gamma": gamma, "beta": beta}

def reference(x, edge_index, W, b, gamma, beta):
    N = x.shape[0]
    src = edge_index[0]
    dst = edge_index[1]
    # GCNConv: add self-loops
    loop = jnp.arange(N, dtype=edge_index.dtype)
    src = jnp.concatenate([src, loop])
    dst = jnp.concatenate([dst, loop])
    # symmetric normalization: deg^-1/2[src] * deg^-1/2[dst]
    deg = jnp.zeros((N,), dtype=x.dtype).at[dst].add(1.0)
    deg_inv_sqrt = jnp.where(deg > 0, jax.lax.rsqrt(jnp.maximum(deg, 1e-12)), 0.0)
    norm = deg_inv_sqrt[src] * deg_inv_sqrt[dst]
    # linear transform then propagate (gather from src, scatter-add to dst)
    h = x @ W
    msgs = h[src] * norm[:, None]
    out = jnp.zeros((N, h.shape[1]), dtype=x.dtype).at[dst].add(msgs)
    out = out + b
    # LayerNorm
    mean = jnp.mean(out, axis=-1, keepdims=True)
    var = jnp.mean((out - mean) ** 2, axis=-1, keepdims=True)
    out = (out - mean) * jax.lax.rsqrt(var + 1e-5) * gamma + beta
    # activation
    out = jax.nn.relu(out)
    # residual (in_channels == out_channels -> identity residual)
    out = out + x
    # dropout in eval mode -> identity
    return out

if __name__ == "__main__":
    import jax
    _d = setup_inputs()
    print(jax.jit(kernel)(*tuple(_d.values())))

</pallas_src>

<mosaic_0001>
#map = affine_map<(d0, d1) -> (0)>
#map1 = affine_map<(d0, d1) -> (0, 0)>
module attributes {stable_mosaic.version = 14 : i64} {
  func.func @_deg_kernel(%arg0: i32, %arg1: i32, %arg2: memref<320000xi32, #tpu.memory_space<hbm>>, %arg3: memref<2x10240xf32, #tpu.memory_space<hbm>>, %arg4: memref<10000xi32, #tpu.memory_space<vmem>>, %arg5: memref<10240xf32, #tpu.memory_space<vmem>>, %arg6: memref<16x640xf32, #tpu.memory_space<vmem>>, %arg7: memref<640xf32, #tpu.memory_space<vmem>>, %arg8: memref<16x10240xf32, #tpu.memory_space<vmem_shared>>) attributes {dimension_semantics = [#tpu.dimension_semantics<core_parallel>, #tpu.dimension_semantics<subcore_parallel>], iteration_bounds = array<i64: 2, 16>, scalar_prefetch = 0 : i64, scratch_operands = 5 : i64, tpu.core_type = #tpu.core_type<sc_vector_subcore>, window_params = [{transform_indices = #map}, {transform_indices = #map1}]} {
    %mul3A = arith.constant 16 : i32
    %mul3A_0 = arith.muli %arg0, %mul3A : i32
    %add3A = arith.addi %mul3A_0, %arg1 : i32
    %mul3A_1 = arith.constant 10000 : i32
    %mul3A_2 = arith.muli %add3A, %mul3A_1 : i32
    "tpu.region"() ({
      %run_scoped3A_86 = tpu.sem_alloc : memref<!tpu.dma_semaphore, #tpu.memory_space<semaphore_mem>>
      %dma_start3A = tpu.memref_slice %arg2[%mul3A_2] : memref<320000xi32, #tpu.memory_space<hbm>> -> memref<10000xi32, #tpu.memory_space<hbm>>
      %dma_start3A_87 = tpu.memref_slice %arg2[%mul3A_2] : memref<320000xi32, #tpu.memory_space<hbm>> -> memref<10000xi32, #tpu.memory_space<hbm>>
      tpu.enqueue_dma source(%dma_start3A_87 : memref<10000xi32, #tpu.memory_space<hbm>>) target(%arg4 : memref<10000xi32, #tpu.memory_space<vmem>>) target_semaphore(%run_scoped3A_86 : memref<!tpu.dma_semaphore, #tpu.memory_space<semaphore_mem>>)
      %dma_wait3A = tpu.memref_slice %arg2[%mul3A_2] : memref<320000xi32, #tpu.memory_space<hbm>> -> memref<10000xi32, #tpu.memory_space<hbm>>
      %dma_wait3A_88 = tpu.memref_slice %arg2[%mul3A_2] : memref<320000xi32, #tpu.memory_space<hbm>> -> memref<10000xi32, #tpu.memory_space<hbm>>
      tpu.wait_dma2 semaphore(%run_scoped3A_86 : memref<!tpu.dma_semaphore, #tpu.memory_space<semaphore_mem>>) src(%dma_wait3A_88 : memref<10000xi32, #tpu.memory_space<hbm>>) dst(%arg4 : memref<10000xi32, #tpu.memory_space<vmem>>)
      tpu.yield
    }) : () -> ()
    %scan3A = arith.constant 0 : i32
    %scan3A_3 = arith.constant 0 : i32
    %scan3A_4 = arith.constant 640 : i32
    %scan3A_5 = arith.addi %scan3A_3, %scan3A_4 : i32
    %scan3A_6 = arith.constant 1 : i32
    scf.for %scan3A_86 = %scan3A_3 to %scan3A_5 step %scan3A_6  : i32 {
      %broadcast_in_dim3A_87 = arith.constant 0.000000e+00 : f32
      %broadcast_in_dim3A_88 = vector.broadcast %broadcast_in_dim3A_87 : f32 to vector<16xf32>
      %mul3A_89 = arith.constant 16 : i32
      %mul3A_90 = arith.muli %scan3A_86, %mul3A_89 : i32
      %swap3A = arith.index_cast %mul3A_90 : i32 to index
      %swap3A_91 = tpu.vector_load %arg5[%swap3A] {strides = array<i32>} : memref<10240xf32, #tpu.memory_space<vmem>>, vector<16xf32>,
      tpu.vector_store %arg5[%swap3A], %broadcast_in_dim3A_88 {strides = array<i32>} : memref<10240xf32, #tpu.memory_space<vmem>>, vector<16xf32>,
    }
    %scan3A_7 = arith.constant 640 : i32
    %broadcast_in_dim3A = arith.constant 1.000000e+00 : f32
    %broadcast_in_dim3A_8 = vector.broadcast %broadcast_in_dim3A : f32 to vector<16xf32>
    %scan3A_9 = arith.constant 0 : i32
    %scan3A_10 = arith.constant 0 : i32
    %scan3A_11 = arith.constant 625 : i32
    %scan3A_12 = arith.addi %scan3A_10, %scan3A_11 : i32
    %scan3A_13 = arith.constant 1 : i32
    scf.for %scan3A_86 = %scan3A_10 to %scan3A_12 step %scan3A_13  : i32 {
      %mul3A_87 = arith.constant 16 : i32
      %mul3A_88 = arith.muli %scan3A_86, %mul3A_87 : i32
      %get3A = arith.index_cast %mul3A_88 : i32 to index
      %get3A_89 = tpu.vector_load %arg4[%get3A] {strides = array<i32>} : memref<10000xi32, #tpu.memory_space<vmem>>, vector<16xi32>,
      tpu.vector_store_idx %arg5[%get3A_89], %broadcast_in_dim3A_8 {add = true} : memref<10240xf32, #tpu.memory_space<vmem>>[vector<16xi32>], vector<16xf32>,
    }
    %scan3A_14 = arith.constant 625 : i32
    "tpu.region"() ({
      %run_scoped3A_86 = tpu.sem_alloc : memref<!tpu.dma_semaphore, #tpu.memory_space<semaphore_mem>>
      %dma_start3A = arith.constant 0 : i32
      %dma_start3A_87 = tpu.memref_slice %arg8[%arg1, %dma_start3A] : memref<16x10240xf32, #tpu.memory_space<vmem_shared>> -> memref<1x10240xf32, #tpu.memory_space<vmem_shared>>
      %dma_start3A_88 = tpu.memref_squeeze %dma_start3A_87 : memref<1x10240xf32, #tpu.memory_space<vmem_shared>> -> memref<10240xf32, #tpu.memory_space<vmem_shared>>
      %dma_start3A_89 = arith.constant 0 : i32
      %dma_start3A_90 = tpu.memref_slice %arg8[%arg1, %dma_start3A_89] : memref<16x10240xf32, #tpu.memory_space<vmem_shared>> -> memref<1x10240xf32, #tpu.memory_space<vmem_shared>>
      %dma_start3A_91 = tpu.memref_squeeze %dma_start3A_90 : memref<1x10240xf32, #tpu.memory_space<vmem_shared>> -> memref<10240xf32, #tpu.memory_space<vmem_shared>>
      tpu.enqueue_dma source(%arg5 : memref<10240xf32, #tpu.memory_space<vmem>>) target(%dma_start3A_91 : memref<10240xf32, #tpu.memory_space<vmem_shared>>) target_semaphore(%run_scoped3A_86 : memref<!tpu.dma_semaphore, #tpu.memory_space<semaphore_mem>>)
      %dma_wait3A = arith.constant 0 : i32
      %dma_wait3A_92 = tpu.memref_slice %arg8[%arg1, %dma_wait3A] : memref<16x10240xf32, #tpu.memory_space<vmem_shared>> -> memref<1x10240xf32, #tpu.memory_space<vmem_shared>>
      %dma_wait3A_93 = tpu.memref_squeeze %dma_wait3A_92 : memref<1x10240xf32, #tpu.memory_space<vmem_shared>> -> memref<10240xf32, #tpu.memory_space<vmem_shared>>
      %dma_wait3A_94 = arith.constant 0 : i32
      %dma_wait3A_95 = tpu.memref_slice %arg8[%arg1, %dma_wait3A_94] : memref<16x10240xf32, #tpu.memory_space<vmem_shared>> -> memref<1x10240xf32, #tpu.memory_space<vmem_shared>>
      %dma_wait3A_96 = tpu.memref_squeeze %dma_wait3A_95 : memref<1x10240xf32, #tpu.memory_space<vmem_shared>> -> memref<10240xf32, #tpu.memory_space<vmem_shared>>
      tpu.wait_dma2 semaphore(%run_scoped3A_86 : memref<!tpu.dma_semaphore, #tpu.memory_space<semaphore_mem>>) src(%arg5 : memref<10240xf32, #tpu.memory_space<vmem>>) dst(%dma_wait3A_96 : memref<10240xf32, #tpu.memory_space<vmem_shared>>)
      tpu.yield
    }) : () -> ()
    %barrier3A = arith.constant 0 : index
    tpu.barrier barrier_id(%barrier3A)
    %mul3A_15 = arith.constant 640 : i32
    %mul3A_16 = arith.muli %arg1, %mul3A_15 : i32
    %run_scoped3A = arith.constant 0 : i32
    %run_scoped3A_17 = arith.constant 0 : i32
    "tpu.region"() ({
      %run_scoped3A_86 = tpu.sem_alloc : memref<!tpu.dma_semaphore, #tpu.memory_space<semaphore_mem>>
      %dma_start3A = arith.constant 0 : i32
      %dma_start3A_87 = tpu.memref_slice %arg6[%run_scoped3A_17, %dma_start3A] : memref<16x640xf32, #tpu.memory_space<vmem>> -> memref<1x640xf32, #tpu.memory_space<vmem>>
      %dma_start3A_88 = tpu.memref_squeeze %dma_start3A_87 : memref<1x640xf32, #tpu.memory_space<vmem>> -> memref<640xf32, #tpu.memory_space<vmem>>
      %dma_start3A_89 = tpu.memref_slice %arg8[%run_scoped3A, %mul3A_16] : memref<16x10240xf32, #tpu.memory_space<vmem_shared>> -> memref<1x640xf32, #tpu.memory_space<vmem_shared>>
      %dma_start3A_90 = tpu.memref_squeeze %dma_start3A_89 : memref<1x640xf32, #tpu.memory_space<vmem_shared>> -> memref<640xf32, #tpu.memory_space<vmem_shared>>
      %dma_start3A_91 = arith.constant 0 : i32
      %dma_start3A_92 = tpu.memref_slice %arg6[%run_scoped3A_17, %dma_start3A_91] : memref<16x640xf32, #tpu.memory_space<vmem>> -> memref<1x640xf32, #tpu.memory_space<vmem>>
      %dma_start3A_93 = tpu.memref_squeeze %dma_start3A_92 : memref<1x640xf32, #tpu.memory_space<vmem>> -> memref<640xf32, #tpu.memory_space<vmem>>
      %dma_start3A_94 = tpu.memref_slice %arg8[%run_scoped3A, %mul3A_16] : memref<16x10240xf32, #tpu.memory_space<vmem_shared>> -> memref<1x640xf32, #tpu.memory_space<vmem_shared>>
      %dma_start3A_95 = tpu.memref_squeeze %dma_start3A_94 : memref<1x640xf32, #tpu.memory_space<vmem_shared>> -> memref<640xf32, #tpu.memory_space<vmem_shared>>
      tpu.enqueue_dma source(%dma_start3A_95 : memref<640xf32, #tpu.memory_space<vmem_shared>>) target(%dma_start3A_93 : memref<640xf32, #tpu.memory_space<vmem>>) target_semaphore(%run_scoped3A_86 : memref<!tpu.dma_semaphore, #tpu.memory_space<semaphore_mem>>)
      %dma_wait3A = arith.constant 0 : i32
      %dma_wait3A_96 = tpu.memref_slice %arg6[%run_scoped3A_17, %dma_wait3A] : memref<16x640xf32, #tpu.memory_space<vmem>> -> memref<1x640xf32, #tpu.memory_space<vmem>>
      %dma_wait3A_97 = tpu.memref_squeeze %dma_wait3A_96 : memref<1x640xf32, #tpu.memory_space<vmem>> -> memref<640xf32, #tpu.memory_space<vmem>>
      %dma_wait3A_98 = tpu.memref_slice %arg8[%run_scoped3A, %mul3A_16] : memref<16x10240xf32, #tpu.memory_space<vmem_shared>> -> memref<1x640xf32, #tpu.memory_space<vmem_shared>>
      %dma_wait3A_99 = tpu.memref_squeeze %dma_wait3A_98 : memref<1x640xf32, #tpu.memory_space<vmem_shared>> -> memref<640xf32, #tpu.memory_space<vmem_shared>>
      %dma_wait3A_100 = arith.constant 0 : i32
      %dma_wait3A_101 = tpu.memref_slice %arg6[%run_scoped3A_17, %dma_wait3A_100] : memref<16x640xf32, #tpu.memory_space<vmem>> -> memref<1x640xf32, #tpu.memory_space<vmem>>
      %dma_wait3A_102 = tpu.memref_squeeze %dma_wait3A_101 : memref<1x640xf32, #tpu.memory_space<vmem>> -> memref<640xf32, #tpu.memory_space<vmem>>
      %dma_wait3A_103 = tpu.memref_slice %arg8[%run_scoped3A, %mul3A_16] : memref<16x10240xf32, #tpu.memory_space<vmem_shared>> -> memref<1x640xf32, #tpu.memory_space<vmem_shared>>
      %dma_wait3A_104 = tpu.memref_squeeze %dma_wait3A_103 : memref<1x640xf32, #tpu.memory_space<vmem_shared>> -> memref<640xf32, #tpu.memory_space<vmem_shared>>
      tpu.wait_dma2 semaphore(%run_scoped3A_86 : memref<!tpu.dma_semaphore, #tpu.memory_space<semaphore_mem>>) src(%dma_wait3A_104 : memref<640xf32, #tpu.memory_space<vmem_shared>>) dst(%dma_wait3A_102 : memref<640xf32, #tpu.memory_space<vmem>>)
      tpu.yield
    }) : () -> ()
    %mul3A_18 = arith.constant 640 : i32
    %mul3A_19 = arith.muli %arg1, %mul3A_18 : i32
    %run_scoped3A_20 = arith.constant 1 : i32
    %run_scoped3A_21 = arith.constant 1 : i32
    "tpu.region"() ({
      %run_scoped3A_86 = tpu.sem_alloc : memref<!tpu.dma_semaphore, #tpu.memory_space<semaphore_mem>>
      %dma_start3A = arith.constant 0 : i32
      %dma_start3A_87 = tpu.memref_slice %arg6[%run_scoped3A_21, %dma_start3A] : memref<16x640xf32, #tpu.memory_space<vmem>> -> memref<1x640xf32, #tpu.memory_space<vmem>>
      %dma_start3A_88 = tpu.memref_squeeze %dma_start3A_87 : memref<1x640xf32, #tpu.memory_space<vmem>> -> memref<640xf32, #tpu.memory_space<vmem>>
      %dma_start3A_89 = tpu.memref_slice %arg8[%run_scoped3A_20, %mul3A_19] : memref<16x10240xf32, #tpu.memory_space<vmem_shared>> -> memref<1x640xf32, #tpu.memory_space<vmem_shared>>
      %dma_start3A_90 = tpu.memref_squeeze %dma_start3A_89 : memref<1x640xf32, #tpu.memory_space<vmem_shared>> -> memref<640xf32, #tpu.memory_space<vmem_shared>>
      %dma_start3A_91 = arith.constant 0 : i32
      %dma_start3A_92 = tpu.memref_slice %arg6[%run_scoped3A_21, %dma_start3A_91] : memref<16x640xf32, #tpu.memory_space<vmem>> -> memref<1x640xf32, #tpu.memory_space<vmem>>
      %dma_start3A_93 = tpu.memref_squeeze %dma_start3A_92 : memref<1x640xf32, #tpu.memory_space<vmem>> -> memref<640xf32, #tpu.memory_space<vmem>>
      %dma_start3A_94 = tpu.memref_slice %arg8[%run_scoped3A_20, %mul3A_19] : memref<16x10240xf32, #tpu.memory_space<vmem_shared>> -> memref<1x640xf32, #tpu.memory_space<vmem_shared>>
      %dma_start3A_95 = tpu.memref_squeeze %dma_start3A_94 : memref<1x640xf32, #tpu.memory_space<vmem_shared>> -> memref<640xf32, #tpu.memory_space<vmem_shared>>
      tpu.enqueue_dma source(%dma_start3A_95 : memref<640xf32, #tpu.memory_space<vmem_shared>>) target(%dma_start3A_93 : memref<640xf32, #tpu.memory_space<vmem>>) target_semaphore(%run_scoped3A_86 : memref<!tpu.dma_semaphore, #tpu.memory_space<semaphore_mem>>)
      %dma_wait3A = arith.constant 0 : i32
      %dma_wait3A_96 = tpu.memref_slice %arg6[%run_scoped3A_21, %dma_wait3A] : memref<16x640xf32, #tpu.memory_space<vmem>> -> memref<1x640xf32, #tpu.memory_space<vmem>>
      %dma_wait3A_97 = tpu.memref_squeeze %dma_wait3A_96 : memref<1x640xf32, #tpu.memory_space<vmem>> -> memref<640xf32, #tpu.memory_space<vmem>>
      %dma_wait3A_98 = tpu.memref_slice %arg8[%run_scoped3A_20, %mul3A_19] : memref<16x10240xf32, #tpu.memory_space<vmem_shared>> -> memref<1x640xf32, #tpu.memory_space<vmem_shared>>
      %dma_wait3A_99 = tpu.memref_squeeze %dma_wait3A_98 : memref<1x640xf32, #tpu.memory_space<vmem_shared>> -> memref<640xf32, #tpu.memory_space<vmem_shared>>
      %dma_wait3A_100 = arith.constant 0 : i32
      %dma_wait3A_101 = tpu.memref_slice %arg6[%run_scoped3A_21, %dma_wait3A_100] : memref<16x640xf32, #tpu.memory_space<vmem>> -> memref<1x640xf32, #tpu.memory_space<vmem>>
      %dma_wait3A_102 = tpu.memref_squeeze %dma_wait3A_101 : memref<1x640xf32, #tpu.memory_space<vmem>> -> memref<640xf32, #tpu.memory_space<vmem>>
      %dma_wait3A_103 = tpu.memref_slice %arg8[%run_scoped3A_20, %mul3A_19] : memref<16x10240xf32, #tpu.memory_space<vmem_shared>> -> memref<1x640xf32, #tpu.memory_space<vmem_shared>>
      %dma_wait3A_104 = tpu.memref_squeeze %dma_wait3A_103 : memref<1x640xf32, #tpu.memory_space<vmem_shared>> -> memref<640xf32, #tpu.memory_space<vmem_shared>>
      tpu.wait_dma2 semaphore(%run_scoped3A_86 : memref<!tpu.dma_semaphore, #tpu.memory_space<semaphore_mem>>) src(%dma_wait3A_104 : memref<640xf32, #tpu.memory_space<vmem_shared>>) dst(%dma_wait3A_102 : memref<640xf32, #tpu.memory_space<vmem>>)
      tpu.yield
    }) : () -> ()
    %mul3A_22 = arith.constant 640 : i32
    %mul3A_23 = arith.muli %arg1, %mul3A_22 : i32
    %run_scoped3A_24 = arith.constant 2 : i32
    %run_scoped3A_25 = arith.constant 2 : i32
    "tpu.region"() ({
      %run_scoped3A_86 = tpu.sem_alloc : memref<!tpu.dma_semaphore, #tpu.memory_space<semaphore_mem>>
      %dma_start3A = arith.constant 0 : i32
      %dma_start3A_87 = tpu.memref_slice %arg6[%run_scoped3A_25, %dma_start3A] : memref<16x640xf32, #tpu.memory_space<vmem>> -> memref<1x640xf32, #tpu.memory_space<vmem>>
      %dma_start3A_88 = tpu.memref_squeeze %dma_start3A_87 : memref<1x640xf32, #tpu.memory_space<vmem>> -> memref<640xf32, #tpu.memory_space<vmem>>
      %dma_start3A_89 = tpu.memref_slice %arg8[%run_scoped3A_24, %mul3A_23] : memref<16x10240xf32, #tpu.memory_space<vmem_shared>> -> memref<1x640xf32, #tpu.memory_space<vmem_shared>>
      %dma_start3A_90 = tpu.memref_squeeze %dma_start3A_89 : memref<1x640xf32, #tpu.memory_space<vmem_shared>> -> memref<640xf32, #tpu.memory_space<vmem_shared>>
      %dma_start3A_91 = arith.constant 0 : i32
      %dma_start3A_92 = tpu.memref_slice %arg6[%run_scoped3A_25, %dma_start3A_91] : memref<16x640xf32, #tpu.memory_space<vmem>> -> memref<1x640xf32, #tpu.memory_space<vmem>>
      %dma_start3A_93 = tpu.memref_squeeze %dma_start3A_92 : memref<1x640xf32, #tpu.memory_space<vmem>> -> memref<640xf32, #tpu.memory_space<vmem>>
      %dma_start3A_94 = tpu.memref_slice %arg8[%run_scoped3A_24, %mul3A_23] : memref<16x10240xf32, #tpu.memory_space<vmem_shared>> -> memref<1x640xf32, #tpu.memory_space<vmem_shared>>
      %dma_start3A_95 = tpu.memref_squeeze %dma_start3A_94 : memref<1x640xf32, #tpu.memory_space<vmem_shared>> -> memref<640xf32, #tpu.memory_space<vmem_shared>>
      tpu.enqueue_dma source(%dma_start3A_95 : memref<640xf32, #tpu.memory_space<vmem_shared>>) target(%dma_start3A_93 : memref<640xf32, #tpu.memory_space<vmem>>) target_semaphore(%run_scoped3A_86 : memref<!tpu.dma_semaphore, #tpu.memory_space<semaphore_mem>>)
      %dma_wait3A = arith.constant 0 : i32
      %dma_wait3A_96 = tpu.memref_slice %arg6[%run_scoped3A_25, %dma_wait3A] : memref<16x640xf32, #tpu.memory_space<vmem>> -> memref<1x640xf32, #tpu.memory_space<vmem>>
      %dma_wait3A_97 = tpu.memref_squeeze %dma_wait3A_96 : memref<1x640xf32, #tpu.memory_space<vmem>> -> memref<640xf32, #tpu.memory_space<vmem>>
      %dma_wait3A_98 = tpu.memref_slice %arg8[%run_scoped3A_24, %mul3A_23] : memref<16x10240xf32, #tpu.memory_space<vmem_shared>> -> memref<1x640xf32, #tpu.memory_space<vmem_shared>>
      %dma_wait3A_99 = tpu.memref_squeeze %dma_wait3A_98 : memref<1x640xf32, #tpu.memory_space<vmem_shared>> -> memref<640xf32, #tpu.memory_space<vmem_shared>>
      %dma_wait3A_100 = arith.constant 0 : i32
      %dma_wait3A_101 = tpu.memref_slice %arg6[%run_scoped3A_25, %dma_wait3A_100] : memref<16x640xf32, #tpu.memory_space<vmem>> -> memref<1x640xf32, #tpu.memory_space<vmem>>
      %dma_wait3A_102 = tpu.memref_squeeze %dma_wait3A_101 : memref<1x640xf32, #tpu.memory_space<vmem>> -> memref<640xf32, #tpu.memory_space<vmem>>
      %dma_wait3A_103 = tpu.memref_slice %arg8[%run_scoped3A_24, %mul3A_23] : memref<16x10240xf32, #tpu.memory_space<vmem_shared>> -> memref<1x640xf32, #tpu.memory_space<vmem_shared>>
      %dma_wait3A_104 = tpu.memref_squeeze %dma_wait3A_103 : memref<1x640xf32, #tpu.memory_space<vmem_shared>> -> memref<640xf32, #tpu.memory_space<vmem_shared>>
      tpu.wait_dma2 semaphore(%run_scoped3A_86 : memref<!tpu.dma_semaphore, #tpu.memory_space<semaphore_mem>>) src(%dma_wait3A_104 : memref<640xf32, #tpu.memory_space<vmem_shared>>) dst(%dma_wait3A_102 : memref<640xf32, #tpu.memory_space<vmem>>)
      tpu.yield
    }) : () -> ()
    %mul3A_26 = arith.constant 640 : i32
    %mul3A_27 = arith.muli %arg1, %mul3A_26 : i32
    %run_scoped3A_28 = arith.constant 3 : i32
    %run_scoped3A_29 = arith.constant 3 : i32
    "tpu.region"() ({
      %run_scoped3A_86 = tpu.sem_alloc : memref<!tpu.dma_semaphore, #tpu.memory_space<semaphore_mem>>
      %dma_start3A = arith.constant 0 : i32
      %dma_start3A_87 = tpu.memref_slice %arg6[%run_scoped3A_29, %dma_start3A] : memref<16x640xf32, #tpu.memory_space<vmem>> -> memref<1x640xf32, #tpu.memory_space<vmem>>
      %dma_start3A_88 = tpu.memref_squeeze %dma_start3A_87 : memref<1x640xf32, #tpu.memory_space<vmem>> -> memref<640xf32, #tpu.memory_space<vmem>>
      %dma_start3A_89 = tpu.memref_slice %arg8[%run_scoped3A_28, %mul3A_27] : memref<16x10240xf32, #tpu.memory_space<vmem_shared>> -> memref<1x640xf32, #tpu.memory_space<vmem_shared>>
      %dma_start3A_90 = tpu.memref_squeeze %dma_start3A_89 : memref<1x640xf32, #tpu.memory_space<vmem_shared>> -> memref<640xf32, #tpu.memory_space<vmem_shared>>
      %dma_start3A_91 = arith.constant 0 : i32
      %dma_start3A_92 = tpu.memref_slice %arg6[%run_scoped3A_29, %dma_start3A_91] : memref<16x640xf32, #tpu.memory_space<vmem>> -> memref<1x640xf32, #tpu.memory_space<vmem>>
      %dma_start3A_93 = tpu.memref_squeeze %dma_start3A_92 : memref<1x640xf32, #tpu.memory_space<vmem>> -> memref<640xf32, #tpu.memory_space<vmem>>
      %dma_start3A_94 = tpu.memref_slice %arg8[%run_scoped3A_28, %mul3A_27] : memref<16x10240xf32, #tpu.memory_space<vmem_shared>> -> memref<1x640xf32, #tpu.memory_space<vmem_shared>>
      %dma_start3A_95 = tpu.memref_squeeze %dma_start3A_94 : memref<1x640xf32, #tpu.memory_space<vmem_shared>> -> memref<640xf32, #tpu.memory_space<vmem_shared>>
      tpu.enqueue_dma source(%dma_start3A_95 : memref<640xf32, #tpu.memory_space<vmem_shared>>) target(%dma_start3A_93 : memref<640xf32, #tpu.memory_space<vmem>>) target_semaphore(%run_scoped3A_86 : memref<!tpu.dma_semaphore, #tpu.memory_space<semaphore_mem>>)
      %dma_wait3A = arith.constant 0 : i32
      %dma_wait3A_96 = tpu.memref_slice %arg6[%run_scoped3A_29, %dma_wait3A] : memref<16x640xf32, #tpu.memory_space<vmem>> -> memref<1x640xf32, #tpu.memory_space<vmem>>
      %dma_wait3A_97 = tpu.memref_squeeze %dma_wait3A_96 : memref<1x640xf32, #tpu.memory_space<vmem>> -> memref<640xf32, #tpu.memory_space<vmem>>
      %dma_wait3A_98 = tpu.memref_slice %arg8[%run_scoped3A_28, %mul3A_27] : memref<16x10240xf32, #tpu.memory_space<vmem_shared>> -> memref<1x640xf32, #tpu.memory_space<vmem_shared>>
      %dma_wait3A_99 = tpu.memref_squeeze %dma_wait3A_98 : memref<1x640xf32, #tpu.memory_space<vmem_shared>> -> memref<640xf32, #tpu.memory_space<vmem_shared>>
      %dma_wait3A_100 = arith.constant 0 : i32
      %dma_wait3A_101 = tpu.memref_slice %arg6[%run_scoped3A_29, %dma_wait3A_100] : memref<16x640xf32, #tpu.memory_space<vmem>> -> memref<1x640xf32, #tpu.memory_space<vmem>>
      %dma_wait3A_102 = tpu.memref_squeeze %dma_wait3A_101 : memref<1x640xf32, #tpu.memory_space<vmem>> -> memref<640xf32, #tpu.memory_space<vmem>>
      %dma_wait3A_103 = tpu.memref_slice %arg8[%run_scoped3A_28, %mul3A_27] : memref<16x10240xf32, #tpu.memory_space<vmem_shared>> -> memref<1x640xf32, #tpu.memory_space<vmem_shared>>
      %dma_wait3A_104 = tpu.memref_squeeze %dma_wait3A_103 : memref<1x640xf32, #tpu.memory_space<vmem_shared>> -> memref<640xf32, #tpu.memory_space<vmem_shared>>
      tpu.wait_dma2 semaphore(%run_scoped3A_86 : memref<!tpu.dma_semaphore, #tpu.memory_space<semaphore_mem>>) src(%dma_wait3A_104 : memref<640xf32, #tpu.memory_space<vmem_shared>>) dst(%dma_wait3A_102 : memref<640xf32, #tpu.memory_space<vmem>>)
      tpu.yield
    }) : () -> ()
    %mul3A_30 = arith.constant 640 : i32
    %mul3A_31 = arith.muli %arg1, %mul3A_30 : i32
    %run_scoped3A_32 = arith.constant 4 : i32
    %run_scoped3A_33 = arith.constant 4 : i32
    "tpu.region"() ({
      %run_scoped3A_86 = tpu.sem_alloc : memref<!tpu.dma_semaphore, #tpu.memory_space<semaphore_mem>>
      %dma_start3A = arith.constant 0 : i32
      %dma_start3A_87 = tpu.memref_slice %arg6[%run_scoped3A_33, %dma_start3A] : memref<16x640xf32, #tpu.memory_space<vmem>> -> memref<1x640xf32, #tpu.memory_space<vmem>>
      %dma_start3A_88 = tpu.memref_squeeze %dma_start3A_87 : memref<1x640xf32, #tpu.memory_space<vmem>> -> memref<640xf32, #tpu.memory_space<vmem>>
      %dma_start3A_89 = tpu.memref_slice %arg8[%run_scoped3A_32, %mul3A_31] : memref<16x10240xf32, #tpu.memory_space<vmem_shared>> -> memref<1x640xf32, #tpu.memory_space<vmem_shared>>
      %dma_start3A_90 = tpu.memref_squeeze %dma_start3A_89 : memref<1x640xf32, #tpu.memory_space<vmem_shared>> -> memref<640xf32, #tpu.memory_space<vmem_shared>>
      %dma_start3A_91 = arith.constant 0 : i32
      %dma_start3A_92 = tpu.memref_slice %arg6[%run_scoped3A_33, %dma_start3A_91] : memref<16x640xf32, #tpu.memory_space<vmem>> -> memref<1x640xf32, #tpu.memory_space<vmem>>
      %dma_start3A_93 = tpu.memref_squeeze %dma_start3A_92 : memref<1x640xf32, #tpu.memory_space<vmem>> -> memref<640xf32, #tpu.memory_space<vmem>>
      %dma_start3A_94 = tpu.memref_slice %arg8[%run_scoped3A_32, %mul3A_31] : memref<16x10240xf32, #tpu.memory_space<vmem_shared>> -> memref<1x640xf32, #tpu.memory_space<vmem_shared>>
      %dma_start3A_95 = tpu.memref_squeeze %dma_start3A_94 : memref<1x640xf32, #tpu.memory_space<vmem_shared>> -> memref<640xf32, #tpu.memory_space<vmem_shared>>
      tpu.enqueue_dma source(%dma_start3A_95 : memref<640xf32, #tpu.memory_space<vmem_shared>>) target(%dma_start3A_93 : memref<640xf32, #tpu.memory_space<vmem>>) target_semaphore(%run_scoped3A_86 : memref<!tpu.dma_semaphore, #tpu.memory_space<semaphore_mem>>)
      %dma_wait3A = arith.constant 0 : i32
      %dma_wait3A_96 = tpu.memref_slice %arg6[%run_scoped3A_33, %dma_wait3A] : memref<16x640xf32, #tpu.memory_space<vmem>> -> memref<1x640xf32, #tpu.memory_space<vmem>>
      %dma_wait3A_97 = tpu.memref_squeeze %dma_wait3A_96 : memref<1x640xf32, #tpu.memory_space<vmem>> -> memref<640xf32, #tpu.memory_space<vmem>>
      %dma_wait3A_98 = tpu.memref_slice %arg8[%run_scoped3A_32, %mul3A_31] : memref<16x10240xf32, #tpu.memory_space<vmem_shared>> -> memref<1x640xf32, #tpu.memory_space<vmem_shared>>
      %dma_wait3A_99 = tpu.memref_squeeze %dma_wait3A_98 : memref<1x640xf32, #tpu.memory_space<vmem_shared>> -> memref<640xf32, #tpu.memory_space<vmem_shared>>
      %dma_wait3A_100 = arith.constant 0 : i32
      %dma_wait3A_101 = tpu.memref_slice %arg6[%run_scoped3A_33, %dma_wait3A_100] : memref<16x640xf32, #tpu.memory_space<vmem>> -> memref<1x640xf32, #tpu.memory_space<vmem>>
      %dma_wait3A_102 = tpu.memref_squeeze %dma_wait3A_101 : memref<1x640xf32, #tpu.memory_space<vmem>> -> memref<640xf32, #tpu.memory_space<vmem>>
      %dma_wait3A_103 = tpu.memref_slice %arg8[%run_scoped3A_32, %mul3A_31] : memref<16x10240xf32, #tpu.memory_space<vmem_shared>> -> memref<1x640xf32, #tpu.memory_space<vmem_shared>>
      %dma_wait3A_104 = tpu.memref_squeeze %dma_wait3A_103 : memref<1x640xf32, #tpu.memory_space<vmem_shared>> -> memref<640xf32, #tpu.memory_space<vmem_shared>>
      tpu.wait_dma2 semaphore(%run_scoped3A_86 : memref<!tpu.dma_semaphore, #tpu.memory_space<semaphore_mem>>) src(%dma_wait3A_104 : memref<640xf32, #tpu.memory_space<vmem_shared>>) dst(%dma_wait3A_102 : memref<640xf32, #tpu.memory_space<vmem>>)
      tpu.yield
    }) : () -> ()
    %mul3A_34 = arith.constant 640 : i32
    %mul3A_35 = arith.muli %arg1, %mul3A_34 : i32
    %run_scoped3A_36 = arith.constant 5 : i32
    %run_scoped3A_37 = arith.constant 5 : i32
    "tpu.region"() ({
      %run_scoped3A_86 = tpu.sem_alloc : memref<!tpu.dma_semaphore, #tpu.memory_space<semaphore_mem>>
      %dma_start3A = arith.constant 0 : i32
      %dma_start3A_87 = tpu.memref_slice %arg6[%run_scoped3A_37, %dma_start3A] : memref<16x640xf32, #tpu.memory_space<vmem>> -> memref<1x640xf32, #tpu.memory_space<vmem>>
      %dma_start3A_88 = tpu.memref_squeeze %dma_start3A_87 : memref<1x640xf32, #tpu.memory_space<vmem>> -> memref<640xf32, #tpu.memory_space<vmem>>
      %dma_start3A_89 = tpu.memref_slice %arg8[%run_scoped3A_36, %mul3A_35] : memref<16x10240xf32, #tpu.memory_space<vmem_shared>> -> memref<1x640xf32, #tpu.memory_space<vmem_shared>>
      %dma_start3A_90 = tpu.memref_squeeze %dma_start3A_89 : memref<1x640xf32, #tpu.memory_space<vmem_shared>> -> memref<640xf32, #tpu.memory_space<vmem_shared>>
      %dma_start3A_91 = arith.constant 0 : i32
      %dma_start3A_92 = tpu.memref_slice %arg6[%run_scoped3A_37, %dma_start3A_91] : memref<16x640xf32, #tpu.memory_space<vmem>> -> memref<1x640xf32, #tpu.memory_space<vmem>>
      %dma_start3A_93 = tpu.memref_squeeze %dma_start3A_92 : memref<1x640xf32, #tpu.memory_space<vmem>> -> memref<640xf32, #tpu.memory_space<vmem>>
      %dma_start3A_94 = tpu.memref_slice %arg8[%run_scoped3A_36, %mul3A_35] : memref<16x10240xf32, #tpu.memory_space<vmem_shared>> -> memref<1x640xf32, #tpu.memory_space<vmem_shared>>
      %dma_start3A_95 = tpu.memref_squeeze %dma_start3A_94 : memref<1x640xf32, #tpu.memory_space<vmem_shared>> -> memref<640xf32, #tpu.memory_space<vmem_shared>>
      tpu.enqueue_dma source(%dma_start3A_95 : memref<640xf32, #tpu.memory_space<vmem_shared>>) target(%dma_start3A_93 : memref<640xf32, #tpu.memory_space<vmem>>) target_semaphore(%run_scoped3A_86 : memref<!tpu.dma_semaphore, #tpu.memory_space<semaphore_mem>>)
      %dma_wait3A = arith.constant 0 : i32
      %dma_wait3A_96 = tpu.memref_slice %arg6[%run_scoped3A_37, %dma_wait3A] : memref<16x640xf32, #tpu.memory_space<vmem>> -> memref<1x640xf32, #tpu.memory_space<vmem>>
      %dma_wait3A_97 = tpu.memref_squeeze %dma_wait3A_96 : memref<1x640xf32, #tpu.memory_space<vmem>> -> memref<640xf32, #tpu.memory_space<vmem>>
      %dma_wait3A_98 = tpu.memref_slice %arg8[%run_scoped3A_36, %mul3A_35] : memref<16x10240xf32, #tpu.memory_space<vmem_shared>> -> memref<1x640xf32, #tpu.memory_space<vmem_shared>>
      %dma_wait3A_99 = tpu.memref_squeeze %dma_wait3A_98 : memref<1x640xf32, #tpu.memory_space<vmem_shared>> -> memref<640xf32, #tpu.memory_space<vmem_shared>>
      %dma_wait3A_100 = arith.constant 0 : i32
      %dma_wait3A_101 = tpu.memref_slice %arg6[%run_scoped3A_37, %dma_wait3A_100] : memref<16x640xf32, #tpu.memory_space<vmem>> -> memref<1x640xf32, #tpu.memory_space<vmem>>
      %dma_wait3A_102 = tpu.memref_squeeze %dma_wait3A_101 : memref<1x640xf32, #tpu.memory_space<vmem>> -> memref<640xf32, #tpu.memory_space<vmem>>
      %dma_wait3A_103 = tpu.memref_slice %arg8[%run_scoped3A_36, %mul3A_35] : memref<16x10240xf32, #tpu.memory_space<vmem_shared>> -> memref<1x640xf32, #tpu.memory_space<vmem_shared>>
      %dma_wait3A_104 = tpu.memref_squeeze %dma_wait3A_103 : memref<1x640xf32, #tpu.memory_space<vmem_shared>> -> memref<640xf32, #tpu.memory_space<vmem_shared>>
      tpu.wait_dma2 semaphore(%run_scoped3A_86 : memref<!tpu.dma_semaphore, #tpu.memory_space<semaphore_mem>>) src(%dma_wait3A_104 : memref<640xf32, #tpu.memory_space<vmem_shared>>) dst(%dma_wait3A_102 : memref<640xf32, #tpu.memory_space<vmem>>)
      tpu.yield
    }) : () -> ()
    %mul3A_38 = arith.constant 640 : i32
    %mul3A_39 = arith.muli %arg1, %mul3A_38 : i32
    %run_scoped3A_40 = arith.constant 6 : i32
    %run_scoped3A_41 = arith.constant 6 : i32
    "tpu.region"() ({
      %run_scoped3A_86 = tpu.sem_alloc : memref<!tpu.dma_semaphore, #tpu.memory_space<semaphore_mem>>
      %dma_start3A = arith.constant 0 : i32
      %dma_start3A_87 = tpu.memref_slice %arg6[%run_scoped3A_41, %dma_start3A] : memref<16x640xf32, #tpu.memory_space<vmem>> -> memref<1x640xf32, #tpu.memory_space<vmem>>
      %dma_start3A_88 = tpu.memref_squeeze %dma_start3A_87 : memref<1x640xf32, #tpu.memory_space<vmem>> -> memref<640xf32, #tpu.memory_space<vmem>>
      %dma_start3A_89 = tpu.memref_slice %arg8[%run_scoped3A_40, %mul3A_39] : memref<16x10240xf32, #tpu.memory_space<vmem_shared>> -> memref<1x640xf32, #tpu.memory_space<vmem_shared>>
      %dma_start3A_90 = tpu.memref_squeeze %dma_start3A_89 : memref<1x640xf32, #tpu.memory_space<vmem_shared>> -> memref<640xf32, #tpu.memory_space<vmem_shared>>
      %dma_start3A_91 = arith.constant 0 : i32
      %dma_start3A_92 = tpu.memref_slice %arg6[%run_scoped3A_41, %dma_start3A_91] : memref<16x640xf32, #tpu.memory_space<vmem>> -> memref<1x640xf32, #tpu.memory_space<vmem>>
      %dma_start3A_93 = tpu.memref_squeeze %dma_start3A_92 : memref<1x640xf32, #tpu.memory_space<vmem>> -> memref<640xf32, #tpu.memory_space<vmem>>
      %dma_start3A_94 = tpu.memref_slice %arg8[%run_scoped3A_40, %mul3A_39] : memref<16x10240xf32, #tpu.memory_space<vmem_shared>> -> memref<1x640xf32, #tpu.memory_space<vmem_shared>>
      %dma_start3A_95 = tpu.memref_squeeze %dma_start3A_94 : memref<1x640xf32, #tpu.memory_space<vmem_shared>> -> memref<640xf32, #tpu.memory_space<vmem_shared>>
      tpu.enqueue_dma source(%dma_start3A_95 : memref<640xf32, #tpu.memory_space<vmem_shared>>) target(%dma_start3A_93 : memref<640xf32, #tpu.memory_space<vmem>>) target_semaphore(%run_scoped3A_86 : memref<!tpu.dma_semaphore, #tpu.memory_space<semaphore_mem>>)
      %dma_wait3A = arith.constant 0 : i32
      %dma_wait3A_96 = tpu.memref_slice %arg6[%run_scoped3A_41, %dma_wait3A] : memref<16x640xf32, #tpu.memory_space<vmem>> -> memref<1x640xf32, #tpu.memory_space<vmem>>
      %dma_wait3A_97 = tpu.memref_squeeze %dma_wait3A_96 : memref<1x640xf32, #tpu.memory_space<vmem>> -> memref<640xf32, #tpu.memory_space<vmem>>
      %dma_wait3A_98 = tpu.memref_slice %arg8[%run_scoped3A_40, %mul3A_39] : memref<16x10240xf32, #tpu.memory_space<vmem_shared>> -> memref<1x640xf32, #tpu.memory_space<vmem_shared>>
      %dma_wait3A_99 = tpu.memref_squeeze %dma_wait3A_98 : memref<1x640xf32, #tpu.memory_space<vmem_shared>> -> memref<640xf32, #tpu.memory_space<vmem_shared>>
      %dma_wait3A_100 = arith.constant 0 : i32
      %dma_wait3A_101 = tpu.memref_slice %arg6[%run_scoped3A_41, %dma_wait3A_100] : memref<16x640xf32, #tpu.memory_space<vmem>> -> memref<1x640xf32, #tpu.memory_space<vmem>>
      %dma_wait3A_102 = tpu.memref_squeeze %dma_wait3A_101 : memref<1x640xf32, #tpu.memory_space<vmem>> -> memref<640xf32, #tpu.memory_space<vmem>>
      %dma_wait3A_103 = tpu.memref_slice %arg8[%run_scoped3A_40, %mul3A_39] : memref<16x10240xf32, #tpu.memory_space<vmem_shared>> -> memref<1x640xf32, #tpu.memory_space<vmem_shared>>
      %dma_wait3A_104 = tpu.memref_squeeze %dma_wait3A_103 : memref<1x640xf32, #tpu.memory_space<vmem_shared>> -> memref<640xf32, #tpu.memory_space<vmem_shared>>
      tpu.wait_dma2 semaphore(%run_scoped3A_86 : memref<!tpu.dma_semaphore, #tpu.memory_space<semaphore_mem>>) src(%dma_wait3A_104 : memref<640xf32, #tpu.memory_space<vmem_shared>>) dst(%dma_wait3A_102 : memref<640xf32, #tpu.memory_space<vmem>>)
      tpu.yield
    }) : () -> ()
    %mul3A_42 = arith.constant 640 : i32
    %mul3A_43 = arith.muli %arg1, %mul3A_42 : i32
    %run_scoped3A_44 = arith.constant 7 : i32
    %run_scoped3A_45 = arith.constant 7 : i32
    "tpu.region"() ({
      %run_scoped3A_86 = tpu.sem_alloc : memref<!tpu.dma_semaphore, #tpu.memory_space<semaphore_mem>>
      %dma_start3A = arith.constant 0 : i32
      %dma_start3A_87 = tpu.memref_slice %arg6[%run_scoped3A_45, %dma_start3A] : memref<16x640xf32, #tpu.memory_space<vmem>> -> memref<1x640xf32, #tpu.memory_space<vmem>>
      %dma_start3A_88 = tpu.memref_squeeze %dma_start3A_87 : memref<1x640xf32, #tpu.memory_space<vmem>> -> memref<640xf32, #tpu.memory_space<vmem>>
      %dma_start3A_89 = tpu.memref_slice %arg8[%run_scoped3A_44, %mul3A_43] : memref<16x10240xf32, #tpu.memory_space<vmem_shared>> -> memref<1x640xf32, #tpu.memory_space<vmem_shared>>
      %dma_start3A_90 = tpu.memref_squeeze %dma_start3A_89 : memref<1x640xf32, #tpu.memory_space<vmem_shared>> -> memref<640xf32, #tpu.memory_space<vmem_shared>>
      %dma_start3A_91 = arith.constant 0 : i32
      %dma_start3A_92 = tpu.memref_slice %arg6[%run_scoped3A_45, %dma_start3A_91] : memref<16x640xf32, #tpu.memory_space<vmem>> -> memref<1x640xf32, #tpu.memory_space<vmem>>
      %dma_start3A_93 = tpu.memref_squeeze %dma_start3A_92 : memref<1x640xf32, #tpu.memory_space<vmem>> -> memref<640xf32, #tpu.memory_space<vmem>>
      %dma_start3A_94 = tpu.memref_slice %arg8[%run_scoped3A_44, %mul3A_43] : memref<16x10240xf32, #tpu.memory_space<vmem_shared>> -> memref<1x640xf32, #tpu.memory_space<vmem_shared>>
      %dma_start3A_95 = tpu.memref_squeeze %dma_start3A_94 : memref<1x640xf32, #tpu.memory_space<vmem_shared>> -> memref<640xf32, #tpu.memory_space<vmem_shared>>
      tpu.enqueue_dma source(%dma_start3A_95 : memref<640xf32, #tpu.memory_space<vmem_shared>>) target(%dma_start3A_93 : memref<640xf32, #tpu.memory_space<vmem>>) target_semaphore(%run_scoped3A_86 : memref<!tpu.dma_semaphore, #tpu.memory_space<semaphore_mem>>)
      %dma_wait3A = arith.constant 0 : i32
      %dma_wait3A_96 = tpu.memref_slice %arg6[%run_scoped3A_45, %dma_wait3A] : memref<16x640xf32, #tpu.memory_space<vmem>> -> memref<1x640xf32, #tpu.memory_space<vmem>>
      %dma_wait3A_97 = tpu.memref_squeeze %dma_wait3A_96 : memref<1x640xf32, #tpu.memory_space<vmem>> -> memref<640xf32, #tpu.memory_space<vmem>>
      %dma_wait3A_98 = tpu.memref_slice %arg8[%run_scoped3A_44, %mul3A_43] : memref<16x10240xf32, #tpu.memory_space<vmem_shared>> -> memref<1x640xf32, #tpu.memory_space<vmem_shared>>
      %dma_wait3A_99 = tpu.memref_squeeze %dma_wait3A_98 : memref<1x640xf32, #tpu.memory_space<vmem_shared>> -> memref<640xf32, #tpu.memory_space<vmem_shared>>
      %dma_wait3A_100 = arith.constant 0 : i32
      %dma_wait3A_101 = tpu.memref_slice %arg6[%run_scoped3A_45, %dma_wait3A_100] : memref<16x640xf32, #tpu.memory_space<vmem>> -> memref<1x640xf32, #tpu.memory_space<vmem>>
      %dma_wait3A_102 = tpu.memref_squeeze %dma_wait3A_101 : memref<1x640xf32, #tpu.memory_space<vmem>> -> memref<640xf32, #tpu.memory_space<vmem>>
      %dma_wait3A_103 = tpu.memref_slice %arg8[%run_scoped3A_44, %mul3A_43] : memref<16x10240xf32, #tpu.memory_space<vmem_shared>> -> memref<1x640xf32, #tpu.memory_space<vmem_shared>>
      %dma_wait3A_104 = tpu.memref_squeeze %dma_wait3A_103 : memref<1x640xf32, #tpu.memory_space<vmem_shared>> -> memref<640xf32, #tpu.memory_space<vmem_shared>>
      tpu.wait_dma2 semaphore(%run_scoped3A_86 : memref<!tpu.dma_semaphore, #tpu.memory_space<semaphore_mem>>) src(%dma_wait3A_104 : memref<640xf32, #tpu.memory_space<vmem_shared>>) dst(%dma_wait3A_102 : memref<640xf32, #tpu.memory_space<vmem>>)
      tpu.yield
    }) : () -> ()
    %mul3A_46 = arith.constant 640 : i32
    %mul3A_47 = arith.muli %arg1, %mul3A_46 : i32
    %run_scoped3A_48 = arith.constant 8 : i32
    %run_scoped3A_49 = arith.constant 8 : i32
    "tpu.region"() ({
      %run_scoped3A_86 = tpu.sem_alloc : memref<!tpu.dma_semaphore, #tpu.memory_space<semaphore_mem>>
      %dma_start3A = arith.constant 0 : i32
      %dma_start3A_87 = tpu.memref_slice %arg6[%run_scoped3A_49, %dma_start3A] : memref<16x640xf32, #tpu.memory_space<vmem>> -> memref<1x640xf32, #tpu.memory_space<vmem>>
      %dma_start3A_88 = tpu.memref_squeeze %dma_start3A_87 : memref<1x640xf32, #tpu.memory_space<vmem>> -> memref<640xf32, #tpu.memory_space<vmem>>
      %dma_start3A_89 = tpu.memref_slice %arg8[%run_scoped3A_48, %mul3A_47] : memref<16x10240xf32, #tpu.memory_space<vmem_shared>> -> memref<1x640xf32, #tpu.memory_space<vmem_shared>>
      %dma_start3A_90 = tpu.memref_squeeze %dma_start3A_89 : memref<1x640xf32, #tpu.memory_space<vmem_shared>> -> memref<640xf32, #tpu.memory_space<vmem_shared>>
      %dma_start3A_91 = arith.constant 0 : i32
      %dma_start3A_92 = tpu.memref_slice %arg6[%run_scoped3A_49, %dma_start3A_91] : memref<16x640xf32, #tpu.memory_space<vmem>> -> memref<1x640xf32, #tpu.memory_space<vmem>>
      %dma_start3A_93 = tpu.memref_squeeze %dma_start3A_92 : memref<1x640xf32, #tpu.memory_space<vmem>> -> memref<640xf32, #tpu.memory_space<vmem>>
      %dma_start3A_94 = tpu.memref_slice %arg8[%run_scoped3A_48, %mul3A_47] : memref<16x10240xf32, #tpu.memory_space<vmem_shared>> -> memref<1x640xf32, #tpu.memory_space<vmem_shared>>
      %dma_start3A_95 = tpu.memref_squeeze %dma_start3A_94 : memref<1x640xf32, #tpu.memory_space<vmem_shared>> -> memref<640xf32, #tpu.memory_space<vmem_shared>>
      tpu.enqueue_dma source(%dma_start3A_95 : memref<640xf32, #tpu.memory_space<vmem_shared>>) target(%dma_start3A_93 : memref<640xf32, #tpu.memory_space<vmem>>) target_semaphore(%run_scoped3A_86 : memref<!tpu.dma_semaphore, #tpu.memory_space<semaphore_mem>>)
      %dma_wait3A = arith.constant 0 : i32
      %dma_wait3A_96 = tpu.memref_slice %arg6[%run_scoped3A_49, %dma_wait3A] : memref<16x640xf32, #tpu.memory_space<vmem>> -> memref<1x640xf32, #tpu.memory_space<vmem>>
      %dma_wait3A_97 = tpu.memref_squeeze %dma_wait3A_96 : memref<1x640xf32, #tpu.memory_space<vmem>> -> memref<640xf32, #tpu.memory_space<vmem>>
      %dma_wait3A_98 = tpu.memref_slice %arg8[%run_scoped3A_48, %mul3A_47] : memref<16x10240xf32, #tpu.memory_space<vmem_shared>> -> memref<1x640xf32, #tpu.memory_space<vmem_shared>>
      %dma_wait3A_99 = tpu.memref_squeeze %dma_wait3A_98 : memref<1x640xf32, #tpu.memory_space<vmem_shared>> -> memref<640xf32, #tpu.memory_space<vmem_shared>>
      %dma_wait3A_100 = arith.constant 0 : i32
      %dma_wait3A_101 = tpu.memref_slice %arg6[%run_scoped3A_49, %dma_wait3A_100] : memref<16x640xf32, #tpu.memory_space<vmem>> -> memref<1x640xf32, #tpu.memory_space<vmem>>
      %dma_wait3A_102 = tpu.memref_squeeze %dma_wait3A_101 : memref<1x640xf32, #tpu.memory_space<vmem>> -> memref<640xf32, #tpu.memory_space<vmem>>
      %dma_wait3A_103 = tpu.memref_slice %arg8[%run_scoped3A_48, %mul3A_47] : memref<16x10240xf32, #tpu.memory_space<vmem_shared>> -> memref<1x640xf32, #tpu.memory_space<vmem_shared>>
      %dma_wait3A_104 = tpu.memref_squeeze %dma_wait3A_103 : memref<1x640xf32, #tpu.memory_space<vmem_shared>> -> memref<640xf32, #tpu.memory_space<vmem_shared>>
      tpu.wait_dma2 semaphore(%run_scoped3A_86 : memref<!tpu.dma_semaphore, #tpu.memory_space<semaphore_mem>>) src(%dma_wait3A_104 : memref<640xf32, #tpu.memory_space<vmem_shared>>) dst(%dma_wait3A_102 : memref<640xf32, #tpu.memory_space<vmem>>)
      tpu.yield
    }) : () -> ()
    %mul3A_50 = arith.constant 640 : i32
    %mul3A_51 = arith.muli %arg1, %mul3A_50 : i32
    %run_scoped3A_52 = arith.constant 9 : i32
    %run_scoped3A_53 = arith.constant 9 : i32
    "tpu.region"() ({
      %run_scoped3A_86 = tpu.sem_alloc : memref<!tpu.dma_semaphore, #tpu.memory_space<semaphore_mem>>
      %dma_start3A = arith.constant 0 : i32
      %dma_start3A_87 = tpu.memref_slice %arg6[%run_scoped3A_53, %dma_start3A] : memref<16x640xf32, #tpu.memory_space<vmem>> -> memref<1x640xf32, #tpu.memory_space<vmem>>
      %dma_start3A_88 = tpu.memref_squeeze %dma_start3A_87 : memref<1x640xf32, #tpu.memory_space<vmem>> -> memref<640xf32, #tpu.memory_space<vmem>>
      %dma_start3A_89 = tpu.memref_slice %arg8[%run_scoped3A_52, %mul3A_51] : memref<16x10240xf32, #tpu.memory_space<vmem_shared>> -> memref<1x640xf32, #tpu.memory_space<vmem_shared>>
      %dma_start3A_90 = tpu.memref_squeeze %dma_start3A_89 : memref<1x640xf32, #tpu.memory_space<vmem_shared>> -> memref<640xf32, #tpu.memory_space<vmem_shared>>
      %dma_start3A_91 = arith.constant 0 : i32
      %dma_start3A_92 = tpu.memref_slice %arg6[%run_scoped3A_53, %dma_start3A_91] : memref<16x640xf32, #tpu.memory_space<vmem>> -> memref<1x640xf32, #tpu.memory_space<vmem>>
      %dma_start3A_93 = tpu.memref_squeeze %dma_start3A_92 : memref<1x640xf32, #tpu.memory_space<vmem>> -> memref<640xf32, #tpu.memory_space<vmem>>
      %dma_start3A_94 = tpu.memref_slice %arg8[%run_scoped3A_52, %mul3A_51] : memref<16x10240xf32, #tpu.memory_space<vmem_shared>> -> memref<1x640xf32, #tpu.memory_space<vmem_shared>>
      %dma_start3A_95 = tpu.memref_squeeze %dma_start3A_94 : memref<1x640xf32, #tpu.memory_space<vmem_shared>> -> memref<640xf32, #tpu.memory_space<vmem_shared>>
      tpu.enqueue_dma source(%dma_start3A_95 : memref<640xf32, #tpu.memory_space<vmem_shared>>) target(%dma_start3A_93 : memref<640xf32, #tpu.memory_space<vmem>>) target_semaphore(%run_scoped3A_86 : memref<!tpu.dma_semaphore, #tpu.memory_space<semaphore_mem>>)
      %dma_wait3A = arith.constant 0 : i32
      %dma_wait3A_96 = tpu.memref_slice %arg6[%run_scoped3A_53, %dma_wait3A] : memref<16x640xf32, #tpu.memory_space<vmem>> -> memref<1x640xf32, #tpu.memory_space<vmem>>
      %dma_wait3A_97 = tpu.memref_squeeze %dma_wait3A_96 : memref<1x640xf32, #tpu.memory_space<vmem>> -> memref<640xf32, #tpu.memory_space<vmem>>
      %dma_wait3A_98 = tpu.memref_slice %arg8[%run_scoped3A_52, %mul3A_51] : memref<16x10240xf32, #tpu.memory_space<vmem_shared>> -> memref<1x640xf32, #tpu.memory_space<vmem_shared>>
      %dma_wait3A_99 = tpu.memref_squeeze %dma_wait3A_98 : memref<1x640xf32, #tpu.memory_space<vmem_shared>> -> memref<640xf32, #tpu.memory_space<vmem_shared>>
      %dma_wait3A_100 = arith.constant 0 : i32
      %dma_wait3A_101 = tpu.memref_slice %arg6[%run_scoped3A_53, %dma_wait3A_100] : memref<16x640xf32, #tpu.memory_space<vmem>> -> memref<1x640xf32, #tpu.memory_space<vmem>>
      %dma_wait3A_102 = tpu.memref_squeeze %dma_wait3A_101 : memref<1x640xf32, #tpu.memory_space<vmem>> -> memref<640xf32, #tpu.memory_space<vmem>>
      %dma_wait3A_103 = tpu.memref_slice %arg8[%run_scoped3A_52, %mul3A_51] : memref<16x10240xf32, #tpu.memory_space<vmem_shared>> -> memref<1x640xf32, #tpu.memory_space<vmem_shared>>
      %dma_wait3A_104 = tpu.memref_squeeze %dma_wait3A_103 : memref<1x640xf32, #tpu.memory_space<vmem_shared>> -> memref<640xf32, #tpu.memory_space<vmem_shared>>
      tpu.wait_dma2 semaphore(%run_scoped3A_86 : memref<!tpu.dma_semaphore, #tpu.memory_space<semaphore_mem>>) src(%dma_wait3A_104 : memref<640xf32, #tpu.memory_space<vmem_shared>>) dst(%dma_wait3A_102 : memref<640xf32, #tpu.memory_space<vmem>>)
      tpu.yield
    }) : () -> ()
    %mul3A_54 = arith.constant 640 : i32
    %mul3A_55 = arith.muli %arg1, %mul3A_54 : i32
    %run_scoped3A_56 = arith.constant 10 : i32
    %run_scoped3A_57 = arith.constant 10 : i32
    "tpu.region"() ({
      %run_scoped3A_86 = tpu.sem_alloc : memref<!tpu.dma_semaphore, #tpu.memory_space<semaphore_mem>>
      %dma_start3A = arith.constant 0 : i32
      %dma_start3A_87 = tpu.memref_slice %arg6[%run_scoped3A_57, %dma_start3A] : memref<16x640xf32, #tpu.memory_space<vmem>> -> memref<1x640xf32, #tpu.memory_space<vmem>>
      %dma_start3A_88 = tpu.memref_squeeze %dma_start3A_87 : memref<1x640xf32, #tpu.memory_space<vmem>> -> memref<640xf32, #tpu.memory_space<vmem>>
      %dma_start3A_89 = tpu.memref_slice %arg8[%run_scoped3A_56, %mul3A_55] : memref<16x10240xf32, #tpu.memory_space<vmem_shared>> -> memref<1x640xf32, #tpu.memory_space<vmem_shared>>
      %dma_start3A_90 = tpu.memref_squeeze %dma_start3A_89 : memref<1x640xf32, #tpu.memory_space<vmem_shared>> -> memref<640xf32, #tpu.memory_space<vmem_shared>>
      %dma_start3A_91 = arith.constant 0 : i32
      %dma_start3A_92 = tpu.memref_slice %arg6[%run_scoped3A_57, %dma_start3A_91] : memref<16x640xf32, #tpu.memory_space<vmem>> -> memref<1x640xf32, #tpu.memory_space<vmem>>
      %dma_start3A_93 = tpu.memref_squeeze %dma_start3A_92 : memref<1x640xf32, #tpu.memory_space<vmem>> -> memref<640xf32, #tpu.memory_space<vmem>>
      %dma_start3A_94 = tpu.memref_slice %arg8[%run_scoped3A_56, %mul3A_55] : memref<16x10240xf32, #tpu.memory_space<vmem_shared>> -> memref<1x640xf32, #tpu.memory_space<vmem_shared>>
      %dma_start3A_95 = tpu.memref_squeeze %dma_start3A_94 : memref<1x640xf32, #tpu.memory_space<vmem_shared>> -> memref<640xf32, #tpu.memory_space<vmem_shared>>
      tpu.enqueue_dma source(%dma_start3A_95 : memref<640xf32, #tpu.memory_space<vmem_shared>>) target(%dma_start3A_93 : memref<640xf32, #tpu.memory_space<vmem>>) target_semaphore(%run_scoped3A_86 : memref<!tpu.dma_semaphore, #tpu.memory_space<semaphore_mem>>)
      %dma_wait3A = arith.constant 0 : i32
      %dma_wait3A_96 = tpu.memref_slice %arg6[%run_scoped3A_57, %dma_wait3A] : memref<16x640xf32, #tpu.memory_space<vmem>> -> memref<1x640xf32, #tpu.memory_space<vmem>>
      %dma_wait3A_97 = tpu.memref_squeeze %dma_wait3A_96 : memref<1x640xf32, #tpu.memory_space<vmem>> -> memref<640xf32, #tpu.memory_space<vmem>>
      %dma_wait3A_98 = tpu.memref_slice %arg8[%run_scoped3A_56, %mul3A_55] : memref<16x10240xf32, #tpu.memory_space<vmem_shared>> -> memref<1x640xf32, #tpu.memory_space<vmem_shared>>
      %dma_wait3A_99 = tpu.memref_squeeze %dma_wait3A_98 : memref<1x640xf32, #tpu.memory_space<vmem_shared>> -> memref<640xf32, #tpu.memory_space<vmem_shared>>
      %dma_wait3A_100 = arith.constant 0 : i32
      %dma_wait3A_101 = tpu.memref_slice %arg6[%run_scoped3A_57, %dma_wait3A_100] : memref<16x640xf32, #tpu.memory_space<vmem>> -> memref<1x640xf32, #tpu.memory_space<vmem>>
      %dma_wait3A_102 = tpu.memref_squeeze %dma_wait3A_101 : memref<1x640xf32, #tpu.memory_space<vmem>> -> memref<640xf32, #tpu.memory_space<vmem>>
      %dma_wait3A_103 = tpu.memref_slice %arg8[%run_scoped3A_56, %mul3A_55] : memref<16x10240xf32, #tpu.memory_space<vmem_shared>> -> memref<1x640xf32, #tpu.memory_space<vmem_shared>>
      %dma_wait3A_104 = tpu.memref_squeeze %dma_wait3A_103 : memref<1x640xf32, #tpu.memory_space<vmem_shared>> -> memref<640xf32, #tpu.memory_space<vmem_shared>>
      tpu.wait_dma2 semaphore(%run_scoped3A_86 : memref<!tpu.dma_semaphore, #tpu.memory_space<semaphore_mem>>) src(%dma_wait3A_104 : memref<640xf32, #tpu.memory_space<vmem_shared>>) dst(%dma_wait3A_102 : memref<640xf32, #tpu.memory_space<vmem>>)
      tpu.yield
    }) : () -> ()
    %mul3A_58 = arith.constant 640 : i32
    %mul3A_59 = arith.muli %arg1, %mul3A_58 : i32
    %run_scoped3A_60 = arith.constant 11 : i32
    %run_scoped3A_61 = arith.constant 11 : i32
    "tpu.region"() ({
      %run_scoped3A_86 = tpu.sem_alloc : memref<!tpu.dma_semaphore, #tpu.memory_space<semaphore_mem>>
      %dma_start3A = arith.constant 0 : i32
      %dma_start3A_87 = tpu.memref_slice %arg6[%run_scoped3A_61, %dma_start3A] : memref<16x640xf32, #tpu.memory_space<vmem>> -> memref<1x640xf32, #tpu.memory_space<vmem>>
      %dma_start3A_88 = tpu.memref_squeeze %dma_start3A_87 : memref<1x640xf32, #tpu.memory_space<vmem>> -> memref<640xf32, #tpu.memory_space<vmem>>
      %dma_start3A_89 = tpu.memref_slice %arg8[%run_scoped3A_60, %mul3A_59] : memref<16x10240xf32, #tpu.memory_space<vmem_shared>> -> memref<1x640xf32, #tpu.memory_space<vmem_shared>>
      %dma_start3A_90 = tpu.memref_squeeze %dma_start3A_89 : memref<1x640xf32, #tpu.memory_space<vmem_shared>> -> memref<640xf32, #tpu.memory_space<vmem_shared>>
      %dma_start3A_91 = arith.constant 0 : i32
      %dma_start3A_92 = tpu.memref_slice %arg6[%run_scoped3A_61, %dma_start3A_91] : memref<16x640xf32, #tpu.memory_space<vmem>> -> memref<1x640xf32, #tpu.memory_space<vmem>>
      %dma_start3A_93 = tpu.memref_squeeze %dma_start3A_92 : memref<1x640xf32, #tpu.memory_space<vmem>> -> memref<640xf32, #tpu.memory_space<vmem>>
      %dma_start3A_94 = tpu.memref_slice %arg8[%run_scoped3A_60, %mul3A_59] : memref<16x10240xf32, #tpu.memory_space<vmem_shared>> -> memref<1x640xf32, #tpu.memory_space<vmem_shared>>
      %dma_start3A_95 = tpu.memref_squeeze %dma_start3A_94 : memref<1x640xf32, #tpu.memory_space<vmem_shared>> -> memref<640xf32, #tpu.memory_space<vmem_shared>>
      tpu.enqueue_dma source(%dma_start3A_95 : memref<640xf32, #tpu.memory_space<vmem_shared>>) target(%dma_start3A_93 : memref<640xf32, #tpu.memory_space<vmem>>) target_semaphore(%run_scoped3A_86 : memref<!tpu.dma_semaphore, #tpu.memory_space<semaphore_mem>>)
      %dma_wait3A = arith.constant 0 : i32
      %dma_wait3A_96 = tpu.memref_slice %arg6[%run_scoped3A_61, %dma_wait3A] : memref<16x640xf32, #tpu.memory_space<vmem>> -> memref<1x640xf32, #tpu.memory_space<vmem>>
      %dma_wait3A_97 = tpu.memref_squeeze %dma_wait3A_96 : memref<1x640xf32, #tpu.memory_space<vmem>> -> memref<640xf32, #tpu.memory_space<vmem>>
      %dma_wait3A_98 = tpu.memref_slice %arg8[%run_scoped3A_60, %mul3A_59] : memref<16x10240xf32, #tpu.memory_space<vmem_shared>> -> memref<1x640xf32, #tpu.memory_space<vmem_shared>>
      %dma_wait3A_99 = tpu.memref_squeeze %dma_wait3A_98 : memref<1x640xf32, #tpu.memory_space<vmem_shared>> -> memref<640xf32, #tpu.memory_space<vmem_shared>>
      %dma_wait3A_100 = arith.constant 0 : i32
      %dma_wait3A_101 = tpu.memref_slice %arg6[%run_scoped3A_61, %dma_wait3A_100] : memref<16x640xf32, #tpu.memory_space<vmem>> -> memref<1x640xf32, #tpu.memory_space<vmem>>
      %dma_wait3A_102 = tpu.memref_squeeze %dma_wait3A_101 : memref<1x640xf32, #tpu.memory_space<vmem>> -> memref<640xf32, #tpu.memory_space<vmem>>
      %dma_wait3A_103 = tpu.memref_slice %arg8[%run_scoped3A_60, %mul3A_59] : memref<16x10240xf32, #tpu.memory_space<vmem_shared>> -> memref<1x640xf32, #tpu.memory_space<vmem_shared>>
      %dma_wait3A_104 = tpu.memref_squeeze %dma_wait3A_103 : memref<1x640xf32, #tpu.memory_space<vmem_shared>> -> memref<640xf32, #tpu.memory_space<vmem_shared>>
      tpu.wait_dma2 semaphore(%run_scoped3A_86 : memref<!tpu.dma_semaphore, #tpu.memory_space<semaphore_mem>>) src(%dma_wait3A_104 : memref<640xf32, #tpu.memory_space<vmem_shared>>) dst(%dma_wait3A_102 : memref<640xf32, #tpu.memory_space<vmem>>)
      tpu.yield
    }) : () -> ()
    %mul3A_62 = arith.constant 640 : i32
    %mul3A_63 = arith.muli %arg1, %mul3A_62 : i32
    %run_scoped3A_64 = arith.constant 12 : i32
    %run_scoped3A_65 = arith.constant 12 : i32
    "tpu.region"() ({
      %run_scoped3A_86 = tpu.sem_alloc : memref<!tpu.dma_semaphore, #tpu.memory_space<semaphore_mem>>
      %dma_start3A = arith.constant 0 : i32
      %dma_start3A_87 = tpu.memref_slice %arg6[%run_scoped3A_65, %dma_start3A] : memref<16x640xf32, #tpu.memory_space<vmem>> -> memref<1x640xf32, #tpu.memory_space<vmem>>
      %dma_start3A_88 = tpu.memref_squeeze %dma_start3A_87 : memref<1x640xf32, #tpu.memory_space<vmem>> -> memref<640xf32, #tpu.memory_space<vmem>>
      %dma_start3A_89 = tpu.memref_slice %arg8[%run_scoped3A_64, %mul3A_63] : memref<16x10240xf32, #tpu.memory_space<vmem_shared>> -> memref<1x640xf32, #tpu.memory_space<vmem_shared>>
      %dma_start3A_90 = tpu.memref_squeeze %dma_start3A_89 : memref<1x640xf32, #tpu.memory_space<vmem_shared>> -> memref<640xf32, #tpu.memory_space<vmem_shared>>
      %dma_start3A_91 = arith.constant 0 : i32
      %dma_start3A_92 = tpu.memref_slice %arg6[%run_scoped3A_65, %dma_start3A_91] : memref<16x640xf32, #tpu.memory_space<vmem>> -> memref<1x640xf32, #tpu.memory_space<vmem>>
      %dma_start3A_93 = tpu.memref_squeeze %dma_start3A_92 : memref<1x640xf32, #tpu.memory_space<vmem>> -> memref<640xf32, #tpu.memory_space<vmem>>
      %dma_start3A_94 = tpu.memref_slice %arg8[%run_scoped3A_64, %mul3A_63] : memref<16x10240xf32, #tpu.memory_space<vmem_shared>> -> memref<1x640xf32, #tpu.memory_space<vmem_shared>>
      %dma_start3A_95 = tpu.memref_squeeze %dma_start3A_94 : memref<1x640xf32, #tpu.memory_space<vmem_shared>> -> memref<640xf32, #tpu.memory_space<vmem_shared>>
      tpu.enqueue_dma source(%dma_start3A_95 : memref<640xf32, #tpu.memory_space<vmem_shared>>) target(%dma_start3A_93 : memref<640xf32, #tpu.memory_space<vmem>>) target_semaphore(%run_scoped3A_86 : memref<!tpu.dma_semaphore, #tpu.memory_space<semaphore_mem>>)
      %dma_wait3A = arith.constant 0 : i32
      %dma_wait3A_96 = tpu.memref_slice %arg6[%run_scoped3A_65, %dma_wait3A] : memref<16x640xf32, #tpu.memory_space<vmem>> -> memref<1x640xf32, #tpu.memory_space<vmem>>
      %dma_wait3A_97 = tpu.memref_squeeze %dma_wait3A_96 : memref<1x640xf32, #tpu.memory_space<vmem>> -> memref<640xf32, #tpu.memory_space<vmem>>
      %dma_wait3A_98 = tpu.memref_slice %arg8[%run_scoped3A_64, %mul3A_63] : memref<16x10240xf32, #tpu.memory_space<vmem_shared>> -> memref<1x640xf32, #tpu.memory_space<vmem_shared>>
      %dma_wait3A_99 = tpu.memref_squeeze %dma_wait3A_98 : memref<1x640xf32, #tpu.memory_space<vmem_shared>> -> memref<640xf32, #tpu.memory_space<vmem_shared>>
      %dma_wait3A_100 = arith.constant 0 : i32
      %dma_wait3A_101 = tpu.memref_slice %arg6[%run_scoped3A_65, %dma_wait3A_100] : memref<16x640xf32, #tpu.memory_space<vmem>> -> memref<1x640xf32, #tpu.memory_space<vmem>>
      %dma_wait3A_102 = tpu.memref_squeeze %dma_wait3A_101 : memref<1x640xf32, #tpu.memory_space<vmem>> -> memref<640xf32, #tpu.memory_space<vmem>>
      %dma_wait3A_103 = tpu.memref_slice %arg8[%run_scoped3A_64, %mul3A_63] : memref<16x10240xf32, #tpu.memory_space<vmem_shared>> -> memref<1x640xf32, #tpu.memory_space<vmem_shared>>
      %dma_wait3A_104 = tpu.memref_squeeze %dma_wait3A_103 : memref<1x640xf32, #tpu.memory_space<vmem_shared>> -> memref<640xf32, #tpu.memory_space<vmem_shared>>
      tpu.wait_dma2 semaphore(%run_scoped3A_86 : memref<!tpu.dma_semaphore, #tpu.memory_space<semaphore_mem>>) src(%dma_wait3A_104 : memref<640xf32, #tpu.memory_space<vmem_shared>>) dst(%dma_wait3A_102 : memref<640xf32, #tpu.memory_space<vmem>>)
      tpu.yield
    }) : () -> ()
    %mul3A_66 = arith.constant 640 : i32
    %mul3A_67 = arith.muli %arg1, %mul3A_66 : i32
    %run_scoped3A_68 = arith.constant 13 : i32
    %run_scoped3A_69 = arith.constant 13 : i32
    "tpu.region"() ({
      %run_scoped3A_86 = tpu.sem_alloc : memref<!tpu.dma_semaphore, #tpu.memory_space<semaphore_mem>>
      %dma_start3A = arith.constant 0 : i32
      %dma_start3A_87 = tpu.memref_slice %arg6[%run_scoped3A_69, %dma_start3A] : memref<16x640xf32, #tpu.memory_space<vmem>> -> memref<1x640xf32, #tpu.memory_space<vmem>>
      %dma_start3A_88 = tpu.memref_squeeze %dma_start3A_87 : memref<1x640xf32, #tpu.memory_space<vmem>> -> memref<640xf32, #tpu.memory_space<vmem>>
      %dma_start3A_89 = tpu.memref_slice %arg8[%run_scoped3A_68, %mul3A_67] : memref<16x10240xf32, #tpu.memory_space<vmem_shared>> -> memref<1x640xf32, #tpu.memory_space<vmem_shared>>
      %dma_start3A_90 = tpu.memref_squeeze %dma_start3A_89 : memref<1x640xf32, #tpu.memory_space<vmem_shared>> -> memref<640xf32, #tpu.memory_space<vmem_shared>>
      %dma_start3A_91 = arith.constant 0 : i32
      %dma_start3A_92 = tpu.memref_slice %arg6[%run_scoped3A_69, %dma_start3A_91] : memref<16x640xf32, #tpu.memory_space<vmem>> -> memref<1x640xf32, #tpu.memory_space<vmem>>
      %dma_start3A_93 = tpu.memref_squeeze %dma_start3A_92 : memref<1x640xf32, #tpu.memory_space<vmem>> -> memref<640xf32, #tpu.memory_space<vmem>>
      %dma_start3A_94 = tpu.memref_slice %arg8[%run_scoped3A_68, %mul3A_67] : memref<16x10240xf32, #tpu.memory_space<vmem_shared>> -> memref<1x640xf32, #tpu.memory_space<vmem_shared>>
      %dma_start3A_95 = tpu.memref_squeeze %dma_start3A_94 : memref<1x640xf32, #tpu.memory_space<vmem_shared>> -> memref<640xf32, #tpu.memory_space<vmem_shared>>
      tpu.enqueue_dma source(%dma_start3A_95 : memref<640xf32, #tpu.memory_space<vmem_shared>>) target(%dma_start3A_93 : memref<640xf32, #tpu.memory_space<vmem>>) target_semaphore(%run_scoped3A_86 : memref<!tpu.dma_semaphore, #tpu.memory_space<semaphore_mem>>)
      %dma_wait3A = arith.constant 0 : i32
      %dma_wait3A_96 = tpu.memref_slice %arg6[%run_scoped3A_69, %dma_wait3A] : memref<16x640xf32, #tpu.memory_space<vmem>> -> memref<1x640xf32, #tpu.memory_space<vmem>>
      %dma_wait3A_97 = tpu.memref_squeeze %dma_wait3A_96 : memref<1x640xf32, #tpu.memory_space<vmem>> -> memref<640xf32, #tpu.memory_space<vmem>>
      %dma_wait3A_98 = tpu.memref_slice %arg8[%run_scoped3A_68, %mul3A_67] : memref<16x10240xf32, #tpu.memory_space<vmem_shared>> -> memref<1x640xf32, #tpu.memory_space<vmem_shared>>
      %dma_wait3A_99 = tpu.memref_squeeze %dma_wait3A_98 : memref<1x640xf32, #tpu.memory_space<vmem_shared>> -> memref<640xf32, #tpu.memory_space<vmem_shared>>
      %dma_wait3A_100 = arith.constant 0 : i32
      %dma_wait3A_101 = tpu.memref_slice %arg6[%run_scoped3A_69, %dma_wait3A_100] : memref<16x640xf32, #tpu.memory_space<vmem>> -> memref<1x640xf32, #tpu.memory_space<vmem>>
      %dma_wait3A_102 = tpu.memref_squeeze %dma_wait3A_101 : memref<1x640xf32, #tpu.memory_space<vmem>> -> memref<640xf32, #tpu.memory_space<vmem>>
      %dma_wait3A_103 = tpu.memref_slice %arg8[%run_scoped3A_68, %mul3A_67] : memref<16x10240xf32, #tpu.memory_space<vmem_shared>> -> memref<1x640xf32, #tpu.memory_space<vmem_shared>>
      %dma_wait3A_104 = tpu.memref_squeeze %dma_wait3A_103 : memref<1x640xf32, #tpu.memory_space<vmem_shared>> -> memref<640xf32, #tpu.memory_space<vmem_shared>>
      tpu.wait_dma2 semaphore(%run_scoped3A_86 : memref<!tpu.dma_semaphore, #tpu.memory_space<semaphore_mem>>) src(%dma_wait3A_104 : memref<640xf32, #tpu.memory_space<vmem_shared>>) dst(%dma_wait3A_102 : memref<640xf32, #tpu.memory_space<vmem>>)
      tpu.yield
    }) : () -> ()
    %mul3A_70 = arith.constant 640 : i32
    %mul3A_71 = arith.muli %arg1, %mul3A_70 : i32
    %run_scoped3A_72 = arith.constant 14 : i32
    %run_scoped3A_73 = arith.constant 14 : i32
    "tpu.region"() ({
      %run_scoped3A_86 = tpu.sem_alloc : memref<!tpu.dma_semaphore, #tpu.memory_space<semaphore_mem>>
      %dma_start3A = arith.constant 0 : i32
      %dma_start3A_87 = tpu.memref_slice %arg6[%run_scoped3A_73, %dma_start3A] : memref<16x640xf32, #tpu.memory_space<vmem>> -> memref<1x640xf32, #tpu.memory_space<vmem>>
      %dma_start3A_88 = tpu.memref_squeeze %dma_start3A_87 : memref<1x640xf32, #tpu.memory_space<vmem>> -> memref<640xf32, #tpu.memory_space<vmem>>
      %dma_start3A_89 = tpu.memref_slice %arg8[%run_scoped3A_72, %mul3A_71] : memref<16x10240xf32, #tpu.memory_space<vmem_shared>> -> memref<1x640xf32, #tpu.memory_space<vmem_shared>>
      %dma_start3A_90 = tpu.memref_squeeze %dma_start3A_89 : memref<1x640xf32, #tpu.memory_space<vmem_shared>> -> memref<640xf32, #tpu.memory_space<vmem_shared>>
      %dma_start3A_91 = arith.constant 0 : i32
      %dma_start3A_92 = tpu.memref_slice %arg6[%run_scoped3A_73, %dma_start3A_91] : memref<16x640xf32, #tpu.memory_space<vmem>> -> memref<1x640xf32, #tpu.memory_space<vmem>>
      %dma_start3A_93 = tpu.memref_squeeze %dma_start3A_92 : memref<1x640xf32, #tpu.memory_space<vmem>> -> memref<640xf32, #tpu.memory_space<vmem>>
      %dma_start3A_94 = tpu.memref_slice %arg8[%run_scoped3A_72, %mul3A_71] : memref<16x10240xf32, #tpu.memory_space<vmem_shared>> -> memref<1x640xf32, #tpu.memory_space<vmem_shared>>
      %dma_start3A_95 = tpu.memref_squeeze %dma_start3A_94 : memref<1x640xf32, #tpu.memory_space<vmem_shared>> -> memref<640xf32, #tpu.memory_space<vmem_shared>>
      tpu.enqueue_dma source(%dma_start3A_95 : memref<640xf32, #tpu.memory_space<vmem_shared>>) target(%dma_start3A_93 : memref<640xf32, #tpu.memory_space<vmem>>) target_semaphore(%run_scoped3A_86 : memref<!tpu.dma_semaphore, #tpu.memory_space<semaphore_mem>>)
      %dma_wait3A = arith.constant 0 : i32
      %dma_wait3A_96 = tpu.memref_slice %arg6[%run_scoped3A_73, %dma_wait3A] : memref<16x640xf32, #tpu.memory_space<vmem>> -> memref<1x640xf32, #tpu.memory_space<vmem>>
      %dma_wait3A_97 = tpu.memref_squeeze %dma_wait3A_96 : memref<1x640xf32, #tpu.memory_space<vmem>> -> memref<640xf32, #tpu.memory_space<vmem>>
      %dma_wait3A_98 = tpu.memref_slice %arg8[%run_scoped3A_72, %mul3A_71] : memref<16x10240xf32, #tpu.memory_space<vmem_shared>> -> memref<1x640xf32, #tpu.memory_space<vmem_shared>>
      %dma_wait3A_99 = tpu.memref_squeeze %dma_wait3A_98 : memref<1x640xf32, #tpu.memory_space<vmem_shared>> -> memref<640xf32, #tpu.memory_space<vmem_shared>>
      %dma_wait3A_100 = arith.constant 0 : i32
      %dma_wait3A_101 = tpu.memref_slice %arg6[%run_scoped3A_73, %dma_wait3A_100] : memref<16x640xf32, #tpu.memory_space<vmem>> -> memref<1x640xf32, #tpu.memory_space<vmem>>
      %dma_wait3A_102 = tpu.memref_squeeze %dma_wait3A_101 : memref<1x640xf32, #tpu.memory_space<vmem>> -> memref<640xf32, #tpu.memory_space<vmem>>
      %dma_wait3A_103 = tpu.memref_slice %arg8[%run_scoped3A_72, %mul3A_71] : memref<16x10240xf32, #tpu.memory_space<vmem_shared>> -> memref<1x640xf32, #tpu.memory_space<vmem_shared>>
      %dma_wait3A_104 = tpu.memref_squeeze %dma_wait3A_103 : memref<1x640xf32, #tpu.memory_space<vmem_shared>> -> memref<640xf32, #tpu.memory_space<vmem_shared>>
      tpu.wait_dma2 semaphore(%run_scoped3A_86 : memref<!tpu.dma_semaphore, #tpu.memory_space<semaphore_mem>>) src(%dma_wait3A_104 : memref<640xf32, #tpu.memory_space<vmem_shared>>) dst(%dma_wait3A_102 : memref<640xf32, #tpu.memory_space<vmem>>)
      tpu.yield
    }) : () -> ()
    %mul3A_74 = arith.constant 640 : i32
    %mul3A_75 = arith.muli %arg1, %mul3A_74 : i32
    %run_scoped3A_76 = arith.constant 15 : i32
    %run_scoped3A_77 = arith.constant 15 : i32
    "tpu.region"() ({
      %run_scoped3A_86 = tpu.sem_alloc : memref<!tpu.dma_semaphore, #tpu.memory_space<semaphore_mem>>
      %dma_start3A = arith.constant 0 : i32
      %dma_start3A_87 = tpu.memref_slice %arg6[%run_scoped3A_77, %dma_start3A] : memref<16x640xf32, #tpu.memory_space<vmem>> -> memref<1x640xf32, #tpu.memory_space<vmem>>
      %dma_start3A_88 = tpu.memref_squeeze %dma_start3A_87 : memref<1x640xf32, #tpu.memory_space<vmem>> -> memref<640xf32, #tpu.memory_space<vmem>>
      %dma_start3A_89 = tpu.memref_slice %arg8[%run_scoped3A_76, %mul3A_75] : memref<16x10240xf32, #tpu.memory_space<vmem_shared>> -> memref<1x640xf32, #tpu.memory_space<vmem_shared>>
      %dma_start3A_90 = tpu.memref_squeeze %dma_start3A_89 : memref<1x640xf32, #tpu.memory_space<vmem_shared>> -> memref<640xf32, #tpu.memory_space<vmem_shared>>
      %dma_start3A_91 = arith.constant 0 : i32
      %dma_start3A_92 = tpu.memref_slice %arg6[%run_scoped3A_77, %dma_start3A_91] : memref<16x640xf32, #tpu.memory_space<vmem>> -> memref<1x640xf32, #tpu.memory_space<vmem>>
      %dma_start3A_93 = tpu.memref_squeeze %dma_start3A_92 : memref<1x640xf32, #tpu.memory_space<vmem>> -> memref<640xf32, #tpu.memory_space<vmem>>
      %dma_start3A_94 = tpu.memref_slice %arg8[%run_scoped3A_76, %mul3A_75] : memref<16x10240xf32, #tpu.memory_space<vmem_shared>> -> memref<1x640xf32, #tpu.memory_space<vmem_shared>>
      %dma_start3A_95 = tpu.memref_squeeze %dma_start3A_94 : memref<1x640xf32, #tpu.memory_space<vmem_shared>> -> memref<640xf32, #tpu.memory_space<vmem_shared>>
      tpu.enqueue_dma source(%dma_start3A_95 : memref<640xf32, #tpu.memory_space<vmem_shared>>) target(%dma_start3A_93 : memref<640xf32, #tpu.memory_space<vmem>>) target_semaphore(%run_scoped3A_86 : memref<!tpu.dma_semaphore, #tpu.memory_space<semaphore_mem>>)
      %dma_wait3A = arith.constant 0 : i32
      %dma_wait3A_96 = tpu.memref_slice %arg6[%run_scoped3A_77, %dma_wait3A] : memref<16x640xf32, #tpu.memory_space<vmem>> -> memref<1x640xf32, #tpu.memory_space<vmem>>
      %dma_wait3A_97 = tpu.memref_squeeze %dma_wait3A_96 : memref<1x640xf32, #tpu.memory_space<vmem>> -> memref<640xf32, #tpu.memory_space<vmem>>
      %dma_wait3A_98 = tpu.memref_slice %arg8[%run_scoped3A_76, %mul3A_75] : memref<16x10240xf32, #tpu.memory_space<vmem_shared>> -> memref<1x640xf32, #tpu.memory_space<vmem_shared>>
      %dma_wait3A_99 = tpu.memref_squeeze %dma_wait3A_98 : memref<1x640xf32, #tpu.memory_space<vmem_shared>> -> memref<640xf32, #tpu.memory_space<vmem_shared>>
      %dma_wait3A_100 = arith.constant 0 : i32
      %dma_wait3A_101 = tpu.memref_slice %arg6[%run_scoped3A_77, %dma_wait3A_100] : memref<16x640xf32, #tpu.memory_space<vmem>> -> memref<1x640xf32, #tpu.memory_space<vmem>>
      %dma_wait3A_102 = tpu.memref_squeeze %dma_wait3A_101 : memref<1x640xf32, #tpu.memory_space<vmem>> -> memref<640xf32, #tpu.memory_space<vmem>>
      %dma_wait3A_103 = tpu.memref_slice %arg8[%run_scoped3A_76, %mul3A_75] : memref<16x10240xf32, #tpu.memory_space<vmem_shared>> -> memref<1x640xf32, #tpu.memory_space<vmem_shared>>
      %dma_wait3A_104 = tpu.memref_squeeze %dma_wait3A_103 : memref<1x640xf32, #tpu.memory_space<vmem_shared>> -> memref<640xf32, #tpu.memory_space<vmem_shared>>
      tpu.wait_dma2 semaphore(%run_scoped3A_86 : memref<!tpu.dma_semaphore, #tpu.memory_space<semaphore_mem>>) src(%dma_wait3A_104 : memref<640xf32, #tpu.memory_space<vmem_shared>>) dst(%dma_wait3A_102 : memref<640xf32, #tpu.memory_space<vmem>>)
      tpu.yield
    }) : () -> ()
    %scan3A_78 = arith.constant 0 : i32
    %scan3A_79 = arith.constant 0 : i32
    %scan3A_80 = arith.constant 40 : i32
    %scan3A_81 = arith.addi %scan3A_79, %scan3A_80 : i32
    %scan3A_82 = arith.constant 1 : i32
    scf.for %scan3A_86 = %scan3A_79 to %scan3A_81 step %scan3A_82  : i32 {
      %mul3A_87 = arith.constant 16 : i32
      %mul3A_88 = arith.muli %scan3A_86, %mul3A_87 : i32
      %get3A = arith.constant 0 : i32
      %get3A_89 = arith.index_cast %get3A : i32 to index
      %get3A_90 = arith.index_cast %mul3A_88 : i32 to index
      %get3A_91 = tpu.vector_load %arg6[%get3A_89, %get3A_90] {strides = array<i32>} : memref<16x640xf32, #tpu.memory_space<vmem>>, vector<16xf32>,
      %get3A_92 = arith.constant 1 : i32
      %get3A_93 = arith.index_cast %get3A_92 : i32 to index
      %get3A_94 = arith.index_cast %mul3A_88 : i32 to index
      %get3A_95 = tpu.vector_load %arg6[%get3A_93, %get3A_94] {strides = array<i32>} : memref<16x640xf32, #tpu.memory_space<vmem>>, vector<16xf32>,
      %add3A_96 = arith.addf %get3A_91, %get3A_95 : vector<16xf32>
      %get3A_97 = arith.constant 2 : i32
      %get3A_98 = arith.index_cast %get3A_97 : i32 to index
      %get3A_99 = arith.index_cast %mul3A_88 : i32 to index
      %get3A_100 = tpu.vector_load %arg6[%get3A_98, %get3A_99] {strides = array<i32>} : memref<16x640xf32, #tpu.memory_space<vmem>>, vector<16xf32>,
      %add3A_101 = arith.addf %add3A_96, %get3A_100 : vector<16xf32>
      %get3A_102 = arith.constant 3 : i32
      %get3A_103 = arith.index_cast %get3A_102 : i32 to index
      %get3A_104 = arith.index_cast %mul3A_88 : i32 to index
      %get3A_105 = tpu.vector_load %arg6[%get3A_103, %get3A_104] {strides = array<i32>} : memref<16x640xf32, #tpu.memory_space<vmem>>, vector<16xf32>,
      %add3A_106 = arith.addf %add3A_101, %get3A_105 : vector<16xf32>
      %get3A_107 = arith.constant 4 : i32
      %get3A_108 = arith.index_cast %get3A_107 : i32 to index
      %get3A_109 = arith.index_cast %mul3A_88 : i32 to index
      %get3A_110 = tpu.vector_load %arg6[%get3A_108, %get3A_109] {strides = array<i32>} : memref<16x640xf32, #tpu.memory_space<vmem>>, vector<16xf32>,
      %add3A_111 = arith.addf %add3A_106, %get3A_110 : vector<16xf32>
      %get3A_112 = arith.constant 5 : i32
      %get3A_113 = arith.index_cast %get3A_112 : i32 to index
      %get3A_114 = arith.index_cast %mul3A_88 : i32 to index
      %get3A_115 = tpu.vector_load %arg6[%get3A_113, %get3A_114] {strides = array<i32>} : memref<16x640xf32, #tpu.memory_space<vmem>>, vector<16xf32>,
      %add3A_116 = arith.addf %add3A_111, %get3A_115 : vector<16xf32>
      %get3A_117 = arith.constant 6 : i32
      %get3A_118 = arith.index_cast %get3A_117 : i32 to index
      %get3A_119 = arith.index_cast %mul3A_88 : i32 to index
      %get3A_120 = tpu.vector_load %arg6[%get3A_118, %get3A_119] {strides = array<i32>} : memref<16x640xf32, #tpu.memory_space<vmem>>, vector<16xf32>,
      %add3A_121 = arith.addf %add3A_116, %get3A_120 : vector<16xf32>
      %get3A_122 = arith.constant 7 : i32
      %get3A_123 = arith.index_cast %get3A_122 : i32 to index
      %get3A_124 = arith.index_cast %mul3A_88 : i32 to index
      %get3A_125 = tpu.vector_load %arg6[%get3A_123, %get3A_124] {strides = array<i32>} : memref<16x640xf32, #tpu.memory_space<vmem>>, vector<16xf32>,
      %add3A_126 = arith.addf %add3A_121, %get3A_125 : vector<16xf32>
      %get3A_127 = arith.constant 8 : i32
      %get3A_128 = arith.index_cast %get3A_127 : i32 to index
      %get3A_129 = arith.index_cast %mul3A_88 : i32 to index
      %get3A_130 = tpu.vector_load %arg6[%get3A_128, %get3A_129] {strides = array<i32>} : memref<16x640xf32, #tpu.memory_space<vmem>>, vector<16xf32>,
      %add3A_131 = arith.addf %add3A_126, %get3A_130 : vector<16xf32>
      %get3A_132 = arith.constant 9 : i32
      %get3A_133 = arith.index_cast %get3A_132 : i32 to index
      %get3A_134 = arith.index_cast %mul3A_88 : i32 to index
      %get3A_135 = tpu.vector_load %arg6[%get3A_133, %get3A_134] {strides = array<i32>} : memref<16x640xf32, #tpu.memory_space<vmem>>, vector<16xf32>,
      %add3A_136 = arith.addf %add3A_131, %get3A_135 : vector<16xf32>
      %get3A_137 = arith.constant 10 : i32
      %get3A_138 = arith.index_cast %get3A_137 : i32 to index
      %get3A_139 = arith.index_cast %mul3A_88 : i32 to index
      %get3A_140 = tpu.vector_load %arg6[%get3A_138, %get3A_139] {strides = array<i32>} : memref<16x640xf32, #tpu.memory_space<vmem>>, vector<16xf32>,
      %add3A_141 = arith.addf %add3A_136, %get3A_140 : vector<16xf32>
      %get3A_142 = arith.constant 11 : i32
      %get3A_143 = arith.index_cast %get3A_142 : i32 to index
      %get3A_144 = arith.index_cast %mul3A_88 : i32 to index
      %get3A_145 = tpu.vector_load %arg6[%get3A_143, %get3A_144] {strides = array<i32>} : memref<16x640xf32, #tpu.memory_space<vmem>>, vector<16xf32>,
      %add3A_146 = arith.addf %add3A_141, %get3A_145 : vector<16xf32>
      %get3A_147 = arith.constant 12 : i32
      %get3A_148 = arith.index_cast %get3A_147 : i32 to index
      %get3A_149 = arith.index_cast %mul3A_88 : i32 to index
      %get3A_150 = tpu.vector_load %arg6[%get3A_148, %get3A_149] {strides = array<i32>} : memref<16x640xf32, #tpu.memory_space<vmem>>, vector<16xf32>,
      %add3A_151 = arith.addf %add3A_146, %get3A_150 : vector<16xf32>
      %get3A_152 = arith.constant 13 : i32
      %get3A_153 = arith.index_cast %get3A_152 : i32 to index
      %get3A_154 = arith.index_cast %mul3A_88 : i32 to index
      %get3A_155 = tpu.vector_load %arg6[%get3A_153, %get3A_154] {strides = array<i32>} : memref<16x640xf32, #tpu.memory_space<vmem>>, vector<16xf32>,
      %add3A_156 = arith.addf %add3A_151, %get3A_155 : vector<16xf32>
      %get3A_157 = arith.constant 14 : i32
      %get3A_158 = arith.index_cast %get3A_157 : i32 to index
      %get3A_159 = arith.index_cast %mul3A_88 : i32 to index
      %get3A_160 = tpu.vector_load %arg6[%get3A_158, %get3A_159] {strides = array<i32>} : memref<16x640xf32, #tpu.memory_space<vmem>>, vector<16xf32>,
      %add3A_161 = arith.addf %add3A_156, %get3A_160 : vector<16xf32>
      %get3A_162 = arith.constant 15 : i32
      %get3A_163 = arith.index_cast %get3A_162 : i32 to index
      %get3A_164 = arith.index_cast %mul3A_88 : i32 to index
      %get3A_165 = tpu.vector_load %arg6[%get3A_163, %get3A_164] {strides = array<i32>} : memref<16x640xf32, #tpu.memory_space<vmem>>, vector<16xf32>,
      %add3A_166 = arith.addf %add3A_161, %get3A_165 : vector<16xf32>
      %swap3A = arith.index_cast %mul3A_88 : i32 to index
      %swap3A_167 = tpu.vector_load %arg7[%swap3A] {strides = array<i32>} : memref<640xf32, #tpu.memory_space<vmem>>, vector<16xf32>,
      tpu.vector_store %arg7[%swap3A], %add3A_166 {strides = array<i32>} : memref<640xf32, #tpu.memory_space<vmem>>, vector<16xf32>,
    }
    %scan3A_83 = arith.constant 40 : i32
    %mul3A_84 = arith.constant 640 : i32
    %mul3A_85 = arith.muli %arg1, %mul3A_84 : i32
    "tpu.region"() ({
      %run_scoped3A_86 = tpu.sem_alloc : memref<!tpu.dma_semaphore, #tpu.memory_space<semaphore_mem>>
      %dma_start3A = tpu.memref_slice %arg3[%arg0, %mul3A_85] : memref<2x10240xf32, #tpu.memory_space<hbm>> -> memref<1x640xf32, #tpu.memory_space<hbm>>
      %dma_start3A_87 = tpu.memref_squeeze %dma_start3A : memref<1x640xf32, #tpu.memory_space<hbm>> -> memref<640xf32, #tpu.memory_space<hbm>>
      %dma_start3A_88 = tpu.memref_slice %arg3[%arg0, %mul3A_85] : memref<2x10240xf32, #tpu.memory_space<hbm>> -> memref<1x640xf32, #tpu.memory_space<hbm>>
      %dma_start3A_89 = tpu.memref_squeeze %dma_start3A_88 : memref<1x640xf32, #tpu.memory_space<hbm>> -> memref<640xf32, #tpu.memory_space<hbm>>
      tpu.enqueue_dma source(%arg7 : memref<640xf32, #tpu.memory_space<vmem>>) target(%dma_start3A_89 : memref<640xf32, #tpu.memory_space<hbm>>) target_semaphore(%run_scoped3A_86 : memref<!tpu.dma_semaphore, #tpu.memory_space<semaphore_mem>>)
      %dma_wait3A = tpu.memref_slice %arg3[%arg0, %mul3A_85] : memref<2x10240xf32, #tpu.memory_space<hbm>> -> memref<1x640xf32, #tpu.memory_space<hbm>>
      %dma_wait3A_90 = tpu.memref_squeeze %dma_wait3A : memref<1x640xf32, #tpu.memory_space<hbm>> -> memref<640xf32, #tpu.memory_space<hbm>>
      %dma_wait3A_91 = tpu.memref_slice %arg3[%arg0, %mul3A_85] : memref<2x10240xf32, #tpu.memory_space<hbm>> -> memref<1x640xf32, #tpu.memory_space<hbm>>
      %dma_wait3A_92 = tpu.memref_squeeze %dma_wait3A_91 : memref<1x640xf32, #tpu.memory_space<hbm>> -> memref<640xf32, #tpu.memory_space<hbm>>
      tpu.wait_dma2 semaphore(%run_scoped3A_86 : memref<!tpu.dma_semaphore, #tpu.memory_space<semaphore_mem>>) src(%arg7 : memref<640xf32, #tpu.memory_space<vmem>>) dst(%dma_wait3A_92 : memref<640xf32, #tpu.memory_space<hbm>>)
      tpu.yield
    }) : () -> ()
    return
  }
}

#map = affine_map<(d0, d1) -> (0, 0)>
#map1 = affine_map<(d0, d1) -> (0)>
#map2 = affine_map<(d0, d1) -> (0, 0, 0)>
module attributes {stable_mosaic.version = 14 : i64} {
  func.func @_msg_kernel(%arg0: i32, %arg1: i32, %arg2: memref<10000x128xf32, #tpu.memory_space<hbm>>, %arg3: memref<320000xi32, #tpu.memory_space<hbm>>, %arg4: memref<320000xi32, #tpu.memory_space<hbm>>, %arg5: memref<10240x128xf32, #tpu.memory_space<hbm>>, %arg6: memref<2x10240x128xf32, #tpu.memory_space<hbm>>, %arg7: memref<10000xi32, #tpu.memory_space<vmem>>, %arg8: memref<128xi32, #tpu.memory_space<vmem>>, %arg9: memref<128xi32, #tpu.memory_space<vmem>>, %arg10: memref<2x128x128xf32, #tpu.memory_space<vmem>>, %arg11: memref<16xi32, #tpu.memory_space<vmem>>, %arg12: memref<16x128xf32, #tpu.memory_space<vmem>>, %arg13: memref<10240x128xf32, #tpu.memory_space<vmem_shared>>, %arg14: memref<!tpu.dma_semaphore, #tpu.memory_space<semaphore_mem>>, %arg15: memref<!tpu.dma_semaphore, #tpu.memory_space<semaphore_mem>>, %arg16: memref<!tpu.dma_semaphore, #tpu.memory_space<semaphore_mem>>, %arg17: memref<!tpu.dma_semaphore, #tpu.memory_space<semaphore_mem>>, %arg18: memref<!tpu.dma_semaphore, #tpu.memory_space<semaphore_mem>>, %arg19: memref<!tpu.dma_semaphore, #tpu.memory_space<semaphore_mem>>) attributes {dimension_semantics = [#tpu.dimension_semantics<core_parallel>, #tpu.dimension_semantics<subcore_parallel>], iteration_bounds = array<i64: 2, 16>, scalar_prefetch = 0 : i64, scratch_operands = 13 : i64, tpu.core_type = #tpu.core_type<sc_vector_subcore>, window_params = [{transform_indices = #map}, {transform_indices = #map1}, {transform_indices = #map1}, {transform_indices = #map}, {transform_indices = #map2}]} {
    %mul3A = arith.constant 16 : i32
    %mul3A_0 = arith.muli %arg0, %mul3A : i32
    %add3A = arith.addi %mul3A_0, %arg1 : i32
    %mul3A_1 = arith.constant 10000 : i32
    %mul3A_2 = arith.muli %add3A, %mul3A_1 : i32
    "tpu.region"() ({
      %run_scoped3A = tpu.sem_alloc : memref<!tpu.dma_semaphore, #tpu.memory_space<semaphore_mem>>
      %dma_start3A_225 = tpu.memref_slice %arg3[%mul3A_2] : memref<320000xi32, #tpu.memory_space<hbm>> -> memref<10000xi32, #tpu.memory_space<hbm>>
      %dma_start3A_226 = tpu.memref_slice %arg3[%mul3A_2] : memref<320000xi32, #tpu.memory_space<hbm>> -> memref<10000xi32, #tpu.memory_space<hbm>>
      tpu.enqueue_dma source(%dma_start3A_226 : memref<10000xi32, #tpu.memory_space<hbm>>) target(%arg7 : memref<10000xi32, #tpu.memory_space<vmem>>) target_semaphore(%run_scoped3A : memref<!tpu.dma_semaphore, #tpu.memory_space<semaphore_mem>>)
      %dma_wait3A_227 = tpu.memref_slice %arg3[%mul3A_2] : memref<320000xi32, #tpu.memory_space<hbm>> -> memref<10000xi32, #tpu.memory_space<hbm>>
      %dma_wait3A_228 = tpu.memref_slice %arg3[%mul3A_2] : memref<320000xi32, #tpu.memory_space<hbm>> -> memref<10000xi32, #tpu.memory_space<hbm>>
      tpu.wait_dma2 semaphore(%run_scoped3A : memref<!tpu.dma_semaphore, #tpu.memory_space<semaphore_mem>>) src(%dma_wait3A_228 : memref<10000xi32, #tpu.memory_space<hbm>>) dst(%arg7 : memref<10000xi32, #tpu.memory_space<vmem>>)
      tpu.yield
    }) : () -> ()
    %mul3A_3 = arith.constant 640 : i32
    %mul3A_4 = arith.muli %arg1, %mul3A_3 : i32
    %mul3A_5 = arith.constant 640 : i32
    %mul3A_6 = arith.muli %arg1, %mul3A_5 : i32
    "tpu.region"() ({
      %run_scoped3A = tpu.sem_alloc : memref<!tpu.dma_semaphore, #tpu.memory_space<semaphore_mem>>
      %dma_start3A_225 = arith.constant 0 : i32
      %dma_start3A_226 = tpu.memref_slice %arg13[%mul3A_6, %dma_start3A_225] : memref<10240x128xf32, #tpu.memory_space<vmem_shared>> -> memref<640x128xf32, #tpu.memory_space<vmem_shared>>
      %dma_start3A_227 = arith.constant 0 : i32
      %dma_start3A_228 = tpu.memref_slice %arg5[%mul3A_4, %dma_start3A_227] : memref<10240x128xf32, #tpu.memory_space<hbm>> -> memref<640x128xf32, #tpu.memory_space<hbm>>
      tpu.enqueue_dma source(%dma_start3A_228 : memref<640x128xf32, #tpu.memory_space<hbm>>) target(%dma_start3A_226 : memref<640x128xf32, #tpu.memory_space<vmem_shared>>) target_semaphore(%run_scoped3A : memref<!tpu.dma_semaphore, #tpu.memory_space<semaphore_mem>>)
      %dma_wait3A_229 = arith.constant 0 : i32
      %dma_wait3A_230 = tpu.memref_slice %arg13[%mul3A_6, %dma_wait3A_229] : memref<10240x128xf32, #tpu.memory_space<vmem_shared>> -> memref<640x128xf32, #tpu.memory_space<vmem_shared>>
      %dma_wait3A_231 = arith.constant 0 : i32
      %dma_wait3A_232 = tpu.memref_slice %arg5[%mul3A_4, %dma_wait3A_231] : memref<10240x128xf32, #tpu.memory_space<hbm>> -> memref<640x128xf32, #tpu.memory_space<hbm>>
      tpu.wait_dma2 semaphore(%run_scoped3A : memref<!tpu.dma_semaphore, #tpu.memory_space<semaphore_mem>>) src(%dma_wait3A_232 : memref<640x128xf32, #tpu.memory_space<hbm>>) dst(%dma_wait3A_230 : memref<640x128xf32, #tpu.memory_space<vmem_shared>>)
      tpu.yield
    }) : () -> ()
    %barrier3A = arith.constant 0 : index
    tpu.barrier barrier_id(%barrier3A)
    %dma_start3A = arith.constant 9984 : i32
    %dma_start3A_7 = tpu.memref_slice %arg7[%dma_start3A] : memref<10000xi32, #tpu.memory_space<vmem>> -> memref<16xi32, #tpu.memory_space<vmem>>
    %dma_start3A_8 = arith.constant 0 : i32
    %dma_start3A_9 = arith.constant 0 : i32
    %dma_start3A_10 = tpu.memref_slice %arg2[%dma_start3A_8, %dma_start3A_9] : memref<10000x128xf32, #tpu.memory_space<hbm>> -> memref<10000x128xf32, #tpu.memory_space<hbm>>
    tpu.enqueue_indirect_dma source(%dma_start3A_10 : memref<10000x128xf32, #tpu.memory_space<hbm>>) target(%arg12 : memref<16x128xf32, #tpu.memory_space<vmem>>) offsets(%dma_start3A_7 : memref<16xi32, #tpu.memory_space<vmem>>) semaphore(%arg14 : memref<!tpu.dma_semaphore, #tpu.memory_space<semaphore_mem>>)
    %dma_wait3A = arith.constant 9984 : i32
    %dma_wait3A_11 = tpu.memref_slice %arg7[%dma_wait3A] : memref<10000xi32, #tpu.memory_space<vmem>> -> memref<16xi32, #tpu.memory_space<vmem>>
    %dma_wait3A_12 = arith.constant 0 : i32
    %dma_wait3A_13 = arith.constant 0 : i32
    %dma_wait3A_14 = tpu.memref_slice %arg2[%dma_wait3A_12, %dma_wait3A_13] : memref<10000x128xf32, #tpu.memory_space<hbm>> -> memref<10000x128xf32, #tpu.memory_space<hbm>>
    tpu.wait_indirect_dma semaphore(%arg14 : memref<!tpu.dma_semaphore, #tpu.memory_space<semaphore_mem>>) src(%dma_wait3A_14 : memref<10000x128xf32, #tpu.memory_space<hbm>>) dst(%arg12 : memref<16x128xf32, #tpu.memory_space<vmem>>)
    %mul3A_15 = arith.constant 10000 : i32
    %mul3A_16 = arith.muli %add3A, %mul3A_15 : i32
    %add3A_17 = arith.constant 9984 : i32
    %add3A_18 = arith.addi %mul3A_16, %add3A_17 : i32
    %dma_start3A_19 = tpu.memref_slice %arg4[%add3A_18] : memref<320000xi32, #tpu.memory_space<hbm>> -> memref<16xi32, #tpu.memory_space<hbm>>
    %dma_start3A_20 = tpu.memref_slice %arg4[%add3A_18] : memref<320000xi32, #tpu.memory_space<hbm>> -> memref<16xi32, #tpu.memory_space<hbm>>
    tpu.enqueue_dma source(%dma_start3A_20 : memref<16xi32, #tpu.memory_space<hbm>>) target(%arg11 : memref<16xi32, #tpu.memory_space<vmem>>) target_semaphore(%arg16 : memref<!tpu.dma_semaphore, #tpu.memory_space<semaphore_mem>>)
    %dma_wait3A_21 = tpu.memref_slice %arg4[%add3A_18] : memref<320000xi32, #tpu.memory_space<hbm>> -> memref<16xi32, #tpu.memory_space<hbm>>
    %dma_wait3A_22 = tpu.memref_slice %arg4[%add3A_18] : memref<320000xi32, #tpu.memory_space<hbm>> -> memref<16xi32, #tpu.memory_space<hbm>>
    tpu.wait_dma2 semaphore(%arg16 : memref<!tpu.dma_semaphore, #tpu.memory_space<semaphore_mem>>) src(%dma_wait3A_22 : memref<16xi32, #tpu.memory_space<hbm>>) dst(%arg11 : memref<16xi32, #tpu.memory_space<vmem>>)
    "tpu.region"() ({
      %run_scoped3A = tpu.sem_alloc : memref<!tpu.dma_semaphore, #tpu.memory_space<semaphore_mem>>
      %dma_start3A_225 = arith.constant 0 : i32
      %dma_start3A_226 = arith.constant 0 : i32
      %dma_start3A_227 = tpu.memref_slice %arg13[%dma_start3A_225, %dma_start3A_226] : memref<10240x128xf32, #tpu.memory_space<vmem_shared>> -> memref<10240x128xf32, #tpu.memory_space<vmem_shared>>
      tpu.enqueue_indirect_dma source(%arg12 : memref<16x128xf32, #tpu.memory_space<vmem>>) target(%dma_start3A_227 : memref<10240x128xf32, #tpu.memory_space<vmem_shared>>) offsets(%arg11 : memref<16xi32, #tpu.memory_space<vmem>>) semaphore(%run_scoped3A : memref<!tpu.dma_semaphore, #tpu.memory_space<semaphore_mem>>) {add = true}
      %dma_wait3A_228 = arith.constant 0 : i32
      %dma_wait3A_229 = arith.constant 0 : i32
      %dma_wait3A_230 = tpu.memref_slice %arg13[%dma_wait3A_228, %dma_wait3A_229] : memref<10240x128xf32, #tpu.memory_space<vmem_shared>> -> memref<10240x128xf32, #tpu.memory_space<vmem_shared>>
      tpu.wait_indirect_dma semaphore(%run_scoped3A : memref<!tpu.dma_semaphore, #tpu.memory_space<semaphore_mem>>) src(%arg12 : memref<16x128xf32, #tpu.memory_space<vmem>>) dst(%dma_wait3A_230 : memref<10240x128xf32, #tpu.memory_space<vmem_shared>>)
      tpu.yield
    }) : () -> ()
    %dma_start3A_23 = arith.constant 0 : i32
    %dma_start3A_24 = arith.constant 0 : i32
    %dma_start3A_25 = arith.constant 0 : i32
    %dma_start3A_26 = tpu.memref_slice %arg10[%dma_start3A_23, %dma_start3A_24, %dma_start3A_25] : memref<2x128x128xf32, #tpu.memory_space<vmem>> -> memref<1x128x128xf32, #tpu.memory_space<vmem>>
    %dma_start3A_27 = tpu.memref_squeeze %dma_start3A_26 : memref<1x128x128xf32, #tpu.memory_space<vmem>> -> memref<128x128xf32, #tpu.memory_space<vmem>>
    %dma_start3A_28 = arith.constant 0 : i32
    %dma_start3A_29 = tpu.memref_slice %arg7[%dma_start3A_28] : memref<10000xi32, #tpu.memory_space<vmem>> -> memref<128xi32, #tpu.memory_space<vmem>>
    %dma_start3A_30 = arith.constant 0 : i32
    %dma_start3A_31 = arith.constant 0 : i32
    %dma_start3A_32 = tpu.memref_slice %arg2[%dma_start3A_30, %dma_start3A_31] : memref<10000x128xf32, #tpu.memory_space<hbm>> -> memref<10000x128xf32, #tpu.memory_space<hbm>>
    tpu.enqueue_indirect_dma source(%dma_start3A_32 : memref<10000x128xf32, #tpu.memory_space<hbm>>) target(%dma_start3A_27 : memref<128x128xf32, #tpu.memory_space<vmem>>) offsets(%dma_start3A_29 : memref<128xi32, #tpu.memory_space<vmem>>) semaphore(%arg14 : memref<!tpu.dma_semaphore, #tpu.memory_space<semaphore_mem>>)
    %mul3A_33 = arith.constant 10000 : i32
    %mul3A_34 = arith.muli %add3A, %mul3A_33 : i32
    %add3A_35 = arith.constant 0 : i32
    %add3A_36 = arith.addi %mul3A_34, %add3A_35 : i32
    %dma_start3A_37 = tpu.memref_slice %arg4[%add3A_36] : memref<320000xi32, #tpu.memory_space<hbm>> -> memref<128xi32, #tpu.memory_space<hbm>>
    %dma_start3A_38 = tpu.memref_slice %arg4[%add3A_36] : memref<320000xi32, #tpu.memory_space<hbm>> -> memref<128xi32, #tpu.memory_space<hbm>>
    tpu.enqueue_dma source(%dma_start3A_38 : memref<128xi32, #tpu.memory_space<hbm>>) target(%arg8 : memref<128xi32, #tpu.memory_space<vmem>>) target_semaphore(%arg16 : memref<!tpu.dma_semaphore, #tpu.memory_space<semaphore_mem>>)
    %dma_start3A_39 = arith.constant 1 : i32
    %dma_start3A_40 = arith.constant 0 : i32
    %dma_start3A_41 = arith.constant 0 : i32
    %dma_start3A_42 = tpu.memref_slice %arg10[%dma_start3A_39, %dma_start3A_40, %dma_start3A_41] : memref<2x128x128xf32, #tpu.memory_space<vmem>> -> memref<1x128x128xf32, #tpu.memory_space<vmem>>
    %dma_start3A_43 = tpu.memref_squeeze %dma_start3A_42 : memref<1x128x128xf32, #tpu.memory_space<vmem>> -> memref<128x128xf32, #tpu.memory_space<vmem>>
    %dma_start3A_44 = arith.constant 128 : i32
    %dma_start3A_45 = tpu.memref_slice %arg7[%dma_start3A_44] : memref<10000xi32, #tpu.memory_space<vmem>> -> memref<128xi32, #tpu.memory_space<vmem>>
    %dma_start3A_46 = arith.constant 0 : i32
    %dma_start3A_47 = arith.constant 0 : i32
    %dma_start3A_48 = tpu.memref_slice %arg2[%dma_start3A_46, %dma_start3A_47] : memref<10000x128xf32, #tpu.memory_space<hbm>> -> memref<10000x128xf32, #tpu.memory_space<hbm>>
    tpu.enqueue_indirect_dma source(%dma_start3A_48 : memref<10000x128xf32, #tpu.memory_space<hbm>>) target(%dma_start3A_43 : memref<128x128xf32, #tpu.memory_space<vmem>>) offsets(%dma_start3A_45 : memref<128xi32, #tpu.memory_space<vmem>>) semaphore(%arg15 : memref<!tpu.dma_semaphore, #tpu.memory_space<semaphore_mem>>)
    %mul3A_49 = arith.constant 10000 : i32
    %mul3A_50 = arith.muli %add3A, %mul3A_49 : i32
    %add3A_51 = arith.constant 128 : i32
    %add3A_52 = arith.addi %mul3A_50, %add3A_51 : i32
    %dma_start3A_53 = tpu.memref_slice %arg4[%add3A_52] : memref<320000xi32, #tpu.memory_space<hbm>> -> memref<128xi32, #tpu.memory_space<hbm>>
    %dma_start3A_54 = tpu.memref_slice %arg4[%add3A_52] : memref<320000xi32, #tpu.memory_space<hbm>> -> memref<128xi32, #tpu.memory_space<hbm>>
    tpu.enqueue_dma source(%dma_start3A_54 : memref<128xi32, #tpu.memory_space<hbm>>) target(%arg9 : memref<128xi32, #tpu.memory_space<vmem>>) target_semaphore(%arg17 : memref<!tpu.dma_semaphore, #tpu.memory_space<semaphore_mem>>)
    %dma_wait3A_55 = arith.constant 0 : i32
    %dma_wait3A_56 = arith.constant 0 : i32
    %dma_wait3A_57 = arith.constant 0 : i32
    %dma_wait3A_58 = tpu.memref_slice %arg10[%dma_wait3A_55, %dma_wait3A_56, %dma_wait3A_57] : memref<2x128x128xf32, #tpu.memory_space<vmem>> -> memref<1x128x128xf32, #tpu.memory_space<vmem>>
    %dma_wait3A_59 = tpu.memref_squeeze %dma_wait3A_58 : memref<1x128x128xf32, #tpu.memory_space<vmem>> -> memref<128x128xf32, #tpu.memory_space<vmem>>
    %dma_wait3A_60 = arith.constant 0 : i32
    %dma_wait3A_61 = tpu.memref_slice %arg7[%dma_wait3A_60] : memref<10000xi32, #tpu.memory_space<vmem>> -> memref<128xi32, #tpu.memory_space<vmem>>
    %dma_wait3A_62 = arith.constant 0 : i32
    %dma_wait3A_63 = arith.constant 0 : i32
    %dma_wait3A_64 = tpu.memref_slice %arg2[%dma_wait3A_62, %dma_wait3A_63] : memref<10000x128xf32, #tpu.memory_space<hbm>> -> memref<10000x128xf32, #tpu.memory_space<hbm>>
    tpu.wait_indirect_dma semaphore(%arg14 : memref<!tpu.dma_semaphore, #tpu.memory_space<semaphore_mem>>) src(%dma_wait3A_64 : memref<10000x128xf32, #tpu.memory_space<hbm>>) dst(%dma_wait3A_59 : memref<128x128xf32, #tpu.memory_space<vmem>>)
    %mul3A_65 = arith.constant 10000 : i32
    %mul3A_66 = arith.muli %add3A, %mul3A_65 : i32
    %add3A_67 = arith.constant 0 : i32
    %add3A_68 = arith.addi %mul3A_66, %add3A_67 : i32
    %dma_wait3A_69 = tpu.memref_slice %arg4[%add3A_68] : memref<320000xi32, #tpu.memory_space<hbm>> -> memref<128xi32, #tpu.memory_space<hbm>>
    %dma_wait3A_70 = tpu.memref_slice %arg4[%add3A_68] : memref<320000xi32, #tpu.memory_space<hbm>> -> memref<128xi32, #tpu.memory_space<hbm>>
    tpu.wait_dma2 semaphore(%arg16 : memref<!tpu.dma_semaphore, #tpu.memory_space<semaphore_mem>>) src(%dma_wait3A_70 : memref<128xi32, #tpu.memory_space<hbm>>) dst(%arg8 : memref<128xi32, #tpu.memory_space<vmem>>)
    %dma_start3A_71 = arith.constant 0 : i32
    %dma_start3A_72 = arith.constant 0 : i32
    %dma_start3A_73 = arith.constant 0 : i32
    %dma_start3A_74 = tpu.memref_slice %arg10[%dma_start3A_71, %dma_start3A_72, %dma_start3A_73] : memref<2x128x128xf32, #tpu.memory_space<vmem>> -> memref<1x128x128xf32, #tpu.memory_space<vmem>>
    %dma_start3A_75 = tpu.memref_squeeze %dma_start3A_74 : memref<1x128x128xf32, #tpu.memory_space<vmem>> -> memref<128x128xf32, #tpu.memory_space<vmem>>
    %dma_start3A_76 = arith.constant 0 : i32
    %dma_start3A_77 = arith.constant 0 : i32
    %dma_start3A_78 = tpu.memref_slice %arg13[%dma_start3A_76, %dma_start3A_77] : memref<10240x128xf32, #tpu.memory_space<vmem_shared>> -> memref<10240x128xf32, #tpu.memory_space<vmem_shared>>
    tpu.enqueue_indirect_dma source(%dma_start3A_75 : memref<128x128xf32, #tpu.memory_space<vmem>>) target(%dma_start3A_78 : memref<10240x128xf32, #tpu.memory_space<vmem_shared>>) offsets(%arg8 : memref<128xi32, #tpu.memory_space<vmem>>) semaphore(%arg18 : memref<!tpu.dma_semaphore, #tpu.memory_space<semaphore_mem>>) {add = true}
    %dma_wait3A_79 = arith.constant 0 : i32
    %dma_wait3A_80 = arith.constant 0 : i32
    %dma_wait3A_81 = arith.constant 0 : i32
    %dma_wait3A_82 = tpu.memref_slice %arg10[%dma_wait3A_79, %dma_wait3A_80, %dma_wait3A_81] : memref<2x128x128xf32, #tpu.memory_space<vmem>> -> memref<1x128x128xf32, #tpu.memory_space<vmem>>
    %dma_wait3A_83 = tpu.memref_squeeze %dma_wait3A_82 : memref<1x128x128xf32, #tpu.memory_space<vmem>> -> memref<128x128xf32, #tpu.memory_space<vmem>>
    %dma_wait3A_84 = arith.constant 0 : i32
    %dma_wait3A_85 = arith.constant 0 : i32
    %dma_wait3A_86 = tpu.memref_slice %arg13[%dma_wait3A_84, %dma_wait3A_85] : memref<10240x128xf32, #tpu.memory_space<vmem_shared>> -> memref<10240x128xf32, #tpu.memory_space<vmem_shared>>
    tpu.wait_indirect_dma semaphore(%arg18 : memref<!tpu.dma_semaphore, #tpu.memory_space<semaphore_mem>>) src(%dma_wait3A_83 : memref<128x128xf32, #tpu.memory_space<vmem>>) dst(%dma_wait3A_86 : memref<10240x128xf32, #tpu.memory_space<vmem_shared>>)
    %dma_start3A_87 = arith.constant 0 : i32
    %dma_start3A_88 = arith.constant 0 : i32
    %dma_start3A_89 = arith.constant 0 : i32
    %dma_start3A_90 = tpu.memref_slice %arg10[%dma_start3A_87, %dma_start3A_88, %dma_start3A_89] : memref<2x128x128xf32, #tpu.memory_space<vmem>> -> memref<1x128x128xf32, #tpu.memory_space<vmem>>
    %dma_start3A_91 = tpu.memref_squeeze %dma_start3A_90 : memref<1x128x128xf32, #tpu.memory_space<vmem>> -> memref<128x128xf32, #tpu.memory_space<vmem>>
    %dma_start3A_92 = arith.constant 256 : i32
    %dma_start3A_93 = tpu.memref_slice %arg7[%dma_start3A_92] : memref<10000xi32, #tpu.memory_space<vmem>> -> memref<128xi32, #tpu.memory_space<vmem>>
    %dma_start3A_94 = arith.constant 0 : i32
    %dma_start3A_95 = arith.constant 0 : i32
    %dma_start3A_96 = tpu.memref_slice %arg2[%dma_start3A_94, %dma_start3A_95] : memref<10000x128xf32, #tpu.memory_space<hbm>> -> memref<10000x128xf32, #tpu.memory_space<hbm>>
    tpu.enqueue_indirect_dma source(%dma_start3A_96 : memref<10000x128xf32, #tpu.memory_space<hbm>>) target(%dma_start3A_91 : memref<128x128xf32, #tpu.memory_space<vmem>>) offsets(%dma_start3A_93 : memref<128xi32, #tpu.memory_space<vmem>>) semaphore(%arg14 : memref<!tpu.dma_semaphore, #tpu.memory_space<semaphore_mem>>)
    %mul3A_97 = arith.constant 10000 : i32
    %mul3A_98 = arith.muli %add3A, %mul3A_97 : i32
    %add3A_99 = arith.constant 256 : i32
    %add3A_100 = arith.addi %mul3A_98, %add3A_99 : i32
    %dma_start3A_101 = tpu.memref_slice %arg4[%add3A_100] : memref<320000xi32, #tpu.memory_space<hbm>> -> memref<128xi32, #tpu.memory_space<hbm>>
    %dma_start3A_102 = tpu.memref_slice %arg4[%add3A_100] : memref<320000xi32, #tpu.memory_space<hbm>> -> memref<128xi32, #tpu.memory_space<hbm>>
    tpu.enqueue_dma source(%dma_start3A_102 : memref<128xi32, #tpu.memory_space<hbm>>) target(%arg8 : memref<128xi32, #tpu.memory_space<vmem>>) target_semaphore(%arg16 : memref<!tpu.dma_semaphore, #tpu.memory_space<semaphore_mem>>)
    %dma_wait3A_103 = arith.constant 1 : i32
    %dma_wait3A_104 = arith.constant 0 : i32
    %dma_wait3A_105 = arith.constant 0 : i32
    %dma_wait3A_106 = tpu.memref_slice %arg10[%dma_wait3A_103, %dma_wait3A_104, %dma_wait3A_105] : memref<2x128x128xf32, #tpu.memory_space<vmem>> -> memref<1x128x128xf32, #tpu.memory_space<vmem>>
    %dma_wait3A_107 = tpu.memref_squeeze %dma_wait3A_106 : memref<1x128x128xf32, #tpu.memory_space<vmem>> -> memref<128x128xf32, #tpu.memory_space<vmem>>
    %dma_wait3A_108 = arith.constant 128 : i32
    %dma_wait3A_109 = tpu.memref_slice %arg7[%dma_wait3A_108] : memref<10000xi32, #tpu.memory_space<vmem>> -> memref<128xi32, #tpu.memory_space<vmem>>
    %dma_wait3A_110 = arith.constant 0 : i32
    %dma_wait3A_111 = arith.constant 0 : i32
    %dma_wait3A_112 = tpu.memref_slice %arg2[%dma_wait3A_110, %dma_wait3A_111] : memref<10000x128xf32, #tpu.memory_space<hbm>> -> memref<10000x128xf32, #tpu.memory_space<hbm>>
    tpu.wait_indirect_dma semaphore(%arg15 : memref<!tpu.dma_semaphore, #tpu.memory_space<semaphore_mem>>) src(%dma_wait3A_112 : memref<10000x128xf32, #tpu.memory_space<hbm>>) dst(%dma_wait3A_107 : memref<128x128xf32, #tpu.memory_space<vmem>>)
    %mul3A_113 = arith.constant 10000 : i32
    %mul3A_114 = arith.muli %add3A, %mul3A_113 : i32
    %add3A_115 = arith.constant 128 : i32
    %add3A_116 = arith.addi %mul3A_114, %add3A_115 : i32
    %dma_wait3A_117 = tpu.memref_slice %arg4[%add3A_116] : memref<320000xi32, #tpu.memory_space<hbm>> -> memref<128xi32, #tpu.memory_space<hbm>>
    %dma_wait3A_118 = tpu.memref_slice %arg4[%add3A_116] : memref<320000xi32, #tpu.memory_space<hbm>> -> memref<128xi32, #tpu.memory_space<hbm>>
    tpu.wait_dma2 semaphore(%arg17 : memref<!tpu.dma_semaphore, #tpu.memory_space<semaphore_mem>>) src(%dma_wait3A_118 : memref<128xi32, #tpu.memory_space<hbm>>) dst(%arg9 : memref<128xi32, #tpu.memory_space<vmem>>)
    %dma_start3A_119 = arith.constant 1 : i32
    %dma_start3A_120 = arith.constant 0 : i32
    %dma_start3A_121 = arith.constant 0 : i32
    %dma_start3A_122 = tpu.memref_slice %arg10[%dma_start3A_119, %dma_start3A_120, %dma_start3A_121] : memref<2x128x128xf32, #tpu.memory_space<vmem>> -> memref<1x128x128xf32, #tpu.memory_space<vmem>>
    %dma_start3A_123 = tpu.memref_squeeze %dma_start3A_122 : memref<1x128x128xf32, #tpu.memory_space<vmem>> -> memref<128x128xf32, #tpu.memory_space<vmem>>
    %dma_start3A_124 = arith.constant 0 : i32
    %dma_start3A_125 = arith.constant 0 : i32
    %dma_start3A_126 = tpu.memref_slice %arg13[%dma_start3A_124, %dma_start3A_125] : memref<10240x128xf32, #tpu.memory_space<vmem_shared>> -> memref<10240x128xf32, #tpu.memory_space<vmem_shared>>
    tpu.enqueue_indirect_dma source(%dma_start3A_123 : memref<128x128xf32, #tpu.memory_space<vmem>>) target(%dma_start3A_126 : memref<10240x128xf32, #tpu.memory_space<vmem_shared>>) offsets(%arg9 : memref<128xi32, #tpu.memory_space<vmem>>) semaphore(%arg19 : memref<!tpu.dma_semaphore, #tpu.memory_space<semaphore_mem>>) {add = true}
    %dma_wait3A_127 = arith.constant 1 : i32
    %dma_wait3A_128 = arith.constant 0 : i32
    %dma_wait3A_129 = arith.constant 0 : i32
    %dma_wait3A_130 = tpu.memref_slice %arg10[%dma_wait3A_127, %dma_wait3A_128, %dma_wait3A_129] : memref<2x128x128xf32, #tpu.memory_space<vmem>> -> memref<1x128x128xf32, #tpu.memory_space<vmem>>
    %dma_wait3A_131 = tpu.memref_squeeze %dma_wait3A_130 : memref<1x128x128xf32, #tpu.memory_space<vmem>> -> memref<128x128xf32, #tpu.memory_space<vmem>>
    %dma_wait3A_132 = arith.constant 0 : i32
    %dma_wait3A_133 = arith.constant 0 : i32
    %dma_wait3A_134 = tpu.memref_slice %arg13[%dma_wait3A_132, %dma_wait3A_133] : memref<10240x128xf32, #tpu.memory_space<vmem_shared>> -> memref<10240x128xf32, #tpu.memory_space<vmem_shared>>
    tpu.wait_indirect_dma semaphore(%arg19 : memref<!tpu.dma_semaphore, #tpu.memory_space<semaphore_mem>>) src(%dma_wait3A_131 : memref<128x128xf32, #tpu.memory_space<vmem>>) dst(%dma_wait3A_134 : memref<10240x128xf32, #tpu.memory_space<vmem_shared>>)
    %dma_start3A_135 = arith.constant 1 : i32
    %dma_start3A_136 = arith.constant 0 : i32
    %dma_start3A_137 = arith.constant 0 : i32
    %dma_start3A_138 = tpu.memref_slice %arg10[%dma_start3A_135, %dma_start3A_136, %dma_start3A_137] : memref<2x128x128xf32, #tpu.memory_space<vmem>> -> memref<1x128x128xf32, #tpu.memory_space<vmem>>
    %dma_start3A_139 = tpu.memref_squeeze %dma_start3A_138 : memref<1x128x128xf32, #tpu.memory_space<vmem>> -> memref<128x128xf32, #tpu.memory_space<vmem>>
    %dma_start3A_140 = arith.constant 384 : i32
    %dma_start3A_141 = tpu.memref_slice %arg7[%dma_start3A_140] : memref<10000xi32, #tpu.memory_space<vmem>> -> memref<128xi32, #tpu.memory_space<vmem>>
    %dma_start3A_142 = arith.constant 0 : i32
    %dma_start3A_143 = arith.constant 0 : i32
    %dma_start3A_144 = tpu.memref_slice %arg2[%dma_start3A_142, %dma_start3A_143] : memref<10000x128xf32, #tpu.memory_space<hbm>> -> memref<10000x128xf32, #tpu.memory_space<hbm>>
    tpu.enqueue_indirect_dma source(%dma_start3A_144 : memref<10000x128xf32, #tpu.memory_space<hbm>>) target(%dma_start3A_139 : memref<128x128xf32, #tpu.memory_space<vmem>>) offsets(%dma_start3A_141 : memref<128xi32, #tpu.memory_space<vmem>>) semaphore(%arg15 : memref<!tpu.dma_semaphore, #tpu.memory_space<semaphore_mem>>)
    %mul3A_145 = arith.constant 10000 : i32
    %mul3A_146 = arith.muli %add3A, %mul3A_145 : i32
    %add3A_147 = arith.constant 384 : i32
    %add3A_148 = arith.addi %mul3A_146, %add3A_147 : i32
    %dma_start3A_149 = tpu.memref_slice %arg4[%add3A_148] : memref<320000xi32, #tpu.memory_space<hbm>> -> memref<128xi32, #tpu.memory_space<hbm>>
    %dma_start3A_150 = tpu.memref_slice %arg4[%add3A_148] : memref<320000xi32, #tpu.memory_space<hbm>> -> memref<128xi32, #tpu.memory_space<hbm>>
    tpu.enqueue_dma source(%dma_start3A_150 : memref<128xi32, #tpu.memory_space<hbm>>) target(%arg9 : memref<128xi32, #tpu.memory_space<vmem>>) target_semaphore(%arg17 : memref<!tpu.dma_semaphore, #tpu.memory_space<semaphore_mem>>)
    %dma_wait3A_151 = arith.constant 0 : i32
    %dma_wait3A_152 = arith.constant 0 : i32
    %dma_wait3A_153 = arith.constant 0 : i32
    %dma_wait3A_154 = tpu.memref_slice %arg10[%dma_wait3A_151, %dma_wait3A_152, %dma_wait3A_153] : memref<2x128x128xf32, #tpu.memory_space<vmem>> -> memref<1x128x128xf32, #tpu.memory_space<vmem>>
    %dma_wait3A_155 = tpu.memref_squeeze %dma_wait3A_154 : memref<1x128x128xf32, #tpu.memory_space<vmem>> -> memref<128x128xf32, #tpu.memory_space<vmem>>
    %dma_wait3A_156 = arith.constant 256 : i32
    %dma_wait3A_157 = tpu.memref_slice %arg7[%dma_wait3A_156] : memref<10000xi32, #tpu.memory_space<vmem>> -> memref<128xi32, #tpu.memory_space<vmem>>
    %dma_wait3A_158 = arith.constant 0 : i32
    %dma_wait3A_159 = arith.constant 0 : i32
    %dma_wait3A_160 = tpu.memref_slice %arg2[%dma_wait3A_158, %dma_wait3A_159] : memref<10000x128xf32, #tpu.memory_space<hbm>> -> memref<10000x128xf32, #tpu.memory_space<hbm>>
    tpu.wait_indirect_dma semaphore(%arg14 : memref<!tpu.dma_semaphore, #tpu.memory_space<semaphore_mem>>) src(%dma_wait3A_160 : memref<10000x128xf32, #tpu.memory_space<hbm>>) dst(%dma_wait3A_155 : memref<128x128xf32, #tpu.memory_space<vmem>>)
    %mul3A_161 = arith.constant 10000 : i32
    %mul3A_162 = arith.muli %add3A, %mul3A_161 : i32
    %add3A_163 = arith.constant 256 : i32
    %add3A_164 = arith.addi %mul3A_162, %add3A_163 : i32
    %dma_wait3A_165 = tpu.memref_slice %arg4[%add3A_164] : memref<320000xi32, #tpu.memory_space<hbm>> -> memref<128xi32, #tpu.memory_space<hbm>>
    %dma_wait3A_166 = tpu.memref_slice %arg4[%add3A_164] : memref<320000xi32, #tpu.memory_space<hbm>> -> memref<128xi32, #tpu.memory_space<hbm>>
    tpu.wait_dma2 semaphore(%arg16 : memref<!tpu.dma_semaphore, #tpu.memory_space<semaphore_mem>>) src(%dma_wait3A_166 : memref<128xi32, #tpu.memory_space<hbm>>) dst(%arg8 : memref<128xi32, #tpu.memory_space<vmem>>)
    %dma_start3A_167 = arith.constant 0 : i32
    %dma_start3A_168 = arith.constant 0 : i32
    %dma_start3A_169 = arith.constant 0 : i32
    %dma_start3A_170 = tpu.memref_slice %arg10[%dma_start3A_167, %dma_start3A_168, %dma_start3A_169] : memref<2x128x128xf32, #tpu.memory_space<vmem>> -> memref<1x128x128xf32, #tpu.memory_space<vmem>>
    %dma_start3A_171 = tpu.memref_squeeze %dma_start3A_170 : memref<1x128x128xf32, #tpu.memory_space<vmem>> -> memref<128x128xf32, #tpu.memory_space<vmem>>
    %dma_start3A_172 = arith.constant 0 : i32
    %dma_start3A_173 = arith.constant 0 : i32
    %dma_start3A_174 = tpu.memref_slice %arg13[%dma_start3A_172, %dma_start3A_173] : memref<10240x128xf32, #tpu.memory_space<vmem_shared>> -> memref<10240x128xf32, #tpu.memory_space<vmem_shared>>
    tpu.enqueue_indirect_dma source(%dma_start3A_171 : memref<128x128xf32, #tpu.memory_space<vmem>>) target(%dma_start3A_174 : memref<10240x128xf32, #tpu.memory_space<vmem_shared>>) offsets(%arg8 : memref<128xi32, #tpu.memory_space<vmem>>) semaphore(%arg18 : memref<!tpu.dma_semaphore, #tpu.memory_space<semaphore_mem>>) {add = true}
    %scan3A = arith.constant 0 : i32
    %scan3A_175 = arith.constant 0 : i32
    %scan3A_176 = arith.constant 37 : i32
    %scan3A_177 = arith.addi %scan3A_175, %scan3A_176 : i32
    %scan3A_178 = arith.constant 1 : i32
    scf.for %scan3A_225 = %scan3A_175 to %scan3A_177 step %scan3A_178  : i32 {
      %mul3A_226 = arith.constant 2 : i32
      %mul3A_227 = arith.muli %mul3A_226, %scan3A_225 : i32
      %add3A_228 = arith.constant 4 : i32
      %add3A_229 = arith.addi %mul3A_227, %add3A_228 : i32
      %dma_wait3A_230 = arith.constant 0 : i32
      %dma_wait3A_231 = arith.constant 0 : i32
      %dma_wait3A_232 = arith.constant 0 : i32
      %dma_wait3A_233 = tpu.memref_slice %arg10[%dma_wait3A_230, %dma_wait3A_231, %dma_wait3A_232] : memref<2x128x128xf32, #tpu.memory_space<vmem>> -> memref<1x128x128xf32, #tpu.memory_space<vmem>>
      %dma_wait3A_234 = tpu.memref_squeeze %dma_wait3A_233 : memref<1x128x128xf32, #tpu.memory_space<vmem>> -> memref<128x128xf32, #tpu.memory_space<vmem>>
      %dma_wait3A_235 = arith.constant 0 : i32
      %dma_wait3A_236 = arith.constant 0 : i32
      %dma_wait3A_237 = tpu.memref_slice %arg13[%dma_wait3A_235, %dma_wait3A_236] : memref<10240x128xf32, #tpu.memory_space<vmem_shared>> -> memref<10240x128xf32, #tpu.memory_space<vmem_shared>>
      tpu.wait_indirect_dma semaphore(%arg18 : memref<!tpu.dma_semaphore, #tpu.memory_space<semaphore_mem>>) src(%dma_wait3A_234 : memref<128x128xf32, #tpu.memory_space<vmem>>) dst(%dma_wait3A_237 : memref<10240x128xf32, #tpu.memory_space<vmem_shared>>)
      %mul3A_238 = arith.constant 128 : i32
      %mul3A_239 = arith.muli %add3A_229, %mul3A_238 : i32
      %dma_start3A_240 = arith.constant 0 : i32
      %dma_start3A_241 = arith.constant 0 : i32
      %dma_start3A_242 = arith.constant 0 : i32
      %dma_start3A_243 = tpu.memref_slice %arg10[%dma_start3A_240, %dma_start3A_241, %dma_start3A_242] : memref<2x128x128xf32, #tpu.memory_space<vmem>> -> memref<1x128x128xf32, #tpu.memory_space<vmem>>
      %dma_start3A_244 = tpu.memref_squeeze %dma_start3A_243 : memref<1x128x128xf32, #tpu.memory_space<vmem>> -> memref<128x128xf32, #tpu.memory_space<vmem>>
      %dma_start3A_245 = tpu.memref_slice %arg7[%mul3A_239] : memref<10000xi32, #tpu.memory_space<vmem>> -> memref<128xi32, #tpu.memory_space<vmem>>
      %dma_start3A_246 = arith.constant 0 : i32
      %dma_start3A_247 = arith.constant 0 : i32
      %dma_start3A_248 = tpu.memref_slice %arg2[%dma_start3A_246, %dma_start3A_247] : memref<10000x128xf32, #tpu.memory_space<hbm>> -> memref<10000x128xf32, #tpu.memory_space<hbm>>
      tpu.enqueue_indirect_dma source(%dma_start3A_248 : memref<10000x128xf32, #tpu.memory_space<hbm>>) target(%dma_start3A_244 : memref<128x128xf32, #tpu.memory_space<vmem>>) offsets(%dma_start3A_245 : memref<128xi32, #tpu.memory_space<vmem>>) semaphore(%arg14 : memref<!tpu.dma_semaphore, #tpu.memory_space<semaphore_mem>>)
      %mul3A_249 = arith.constant 10000 : i32
      %mul3A_250 = arith.muli %add3A, %mul3A_249 : i32
      %mul3A_251 = arith.constant 128 : i32
      %mul3A_252 = arith.muli %add3A_229, %mul3A_251 : i32
      %add3A_253 = arith.addi %mul3A_250, %mul3A_252 : i32
      %dma_start3A_254 = tpu.memref_slice %arg4[%add3A_253] : memref<320000xi32, #tpu.memory_space<hbm>> -> memref<128xi32, #tpu.memory_space<hbm>>
      %dma_start3A_255 = tpu.memref_slice %arg4[%add3A_253] : memref<320000xi32, #tpu.memory_space<hbm>> -> memref<128xi32, #tpu.memory_space<hbm>>
      tpu.enqueue_dma source(%dma_start3A_255 : memref<128xi32, #tpu.memory_space<hbm>>) target(%arg8 : memref<128xi32, #tpu.memory_space<vmem>>) target_semaphore(%arg16 : memref<!tpu.dma_semaphore, #tpu.memory_space<semaphore_mem>>)
      %sub3A = arith.constant 1 : i32
      %sub3A_256 = arith.subi %add3A_229, %sub3A : i32
      %mul3A_257 = arith.constant 128 : i32
      %mul3A_258 = arith.muli %sub3A_256, %mul3A_257 : i32
      %dma_wait3A_259 = arith.constant 1 : i32
      %dma_wait3A_260 = arith.constant 0 : i32
      %dma_wait3A_261 = arith.constant 0 : i32
      %dma_wait3A_262 = tpu.memref_slice %arg10[%dma_wait3A_259, %dma_wait3A_260, %dma_wait3A_261] : memref<2x128x128xf32, #tpu.memory_space<vmem>> -> memref<1x128x128xf32, #tpu.memory_space<vmem>>
      %dma_wait3A_263 = tpu.memref_squeeze %dma_wait3A_262 : memref<1x128x128xf32, #tpu.memory_space<vmem>> -> memref<128x128xf32, #tpu.memory_space<vmem>>
      %dma_wait3A_264 = tpu.memref_slice %arg7[%mul3A_258] : memref<10000xi32, #tpu.memory_space<vmem>> -> memref<128xi32, #tpu.memory_space<vmem>>
      %dma_wait3A_265 = arith.constant 0 : i32
      %dma_wait3A_266 = arith.constant 0 : i32
      %dma_wait3A_267 = tpu.memref_slice %arg2[%dma_wait3A_265, %dma_wait3A_266] : memref<10000x128xf32, #tpu.memory_space<hbm>> -> memref<10000x128xf32, #tpu.memory_space<hbm>>
      tpu.wait_indirect_dma semaphore(%arg15 : memref<!tpu.dma_semaphore, #tpu.memory_space<semaphore_mem>>) src(%dma_wait3A_267 : memref<10000x128xf32, #tpu.memory_space<hbm>>) dst(%dma_wait3A_263 : memref<128x128xf32, #tpu.memory_space<vmem>>)
      %mul3A_268 = arith.constant 10000 : i32
      %mul3A_269 = arith.muli %add3A, %mul3A_268 : i32
      %mul3A_270 = arith.constant 128 : i32
      %mul3A_271 = arith.muli %sub3A_256, %mul3A_270 : i32
      %add3A_272 = arith.addi %mul3A_269, %mul3A_271 : i32
      %dma_wait3A_273 = tpu.memref_slice %arg4[%add3A_272] : memref<320000xi32, #tpu.memory_space<hbm>> -> memref<128xi32, #tpu.memory_space<hbm>>
      %dma_wait3A_274 = tpu.memref_slice %arg4[%add3A_272] : memref<320000xi32, #tpu.memory_space<hbm>> -> memref<128xi32, #tpu.memory_space<hbm>>
      tpu.wait_dma2 semaphore(%arg17 : memref<!tpu.dma_semaphore, #tpu.memory_space<semaphore_mem>>) src(%dma_wait3A_274 : memref<128xi32, #tpu.memory_space<hbm>>) dst(%arg9 : memref<128xi32, #tpu.memory_space<vmem>>)
      %dma_start3A_275 = arith.constant 1 : i32
      %dma_start3A_276 = arith.constant 0 : i32
      %dma_start3A_277 = arith.constant 0 : i32
      %dma_start3A_278 = tpu.memref_slice %arg10[%dma_start3A_275, %dma_start3A_276, %dma_start3A_277] : memref<2x128x128xf32, #tpu.memory_space<vmem>> -> memref<1x128x128xf32, #tpu.memory_space<vmem>>
      %dma_start3A_279 = tpu.memref_squeeze %dma_start3A_278 : memref<1x128x128xf32, #tpu.memory_space<vmem>> -> memref<128x128xf32, #tpu.memory_space<vmem>>
      %dma_start3A_280 = arith.constant 0 : i32
      %dma_start3A_281 = arith.constant 0 : i32
      %dma_start3A_282 = tpu.memref_slice %arg13[%dma_start3A_280, %dma_start3A_281] : memref<10240x128xf32, #tpu.memory_space<vmem_shared>> -> memref<10240x128xf32, #tpu.memory_space<vmem_shared>>
      tpu.enqueue_indirect_dma source(%dma_start3A_279 : memref<128x128xf32, #tpu.memory_space<vmem>>) target(%dma_start3A_282 : memref<10240x128xf32, #tpu.memory_space<vmem_shared>>) offsets(%arg9 : memref<128xi32, #tpu.memory_space<vmem>>) semaphore(%arg19 : memref<!tpu.dma_semaphore, #tpu.memory_space<semaphore_mem>>) {add = true}
      %add3A_283 = arith.constant 1 : i32
      %add3A_284 = arith.addi %add3A_229, %add3A_283 : i32
      %dma_wait3A_285 = arith.constant 1 : i32
      %dma_wait3A_286 = arith.constant 0 : i32
      %dma_wait3A_287 = arith.constant 0 : i32
      %dma_wait3A_288 = tpu.memref_slice %arg10[%dma_wait3A_285, %dma_wait3A_286, %dma_wait3A_287] : memref<2x128x128xf32, #tpu.memory_space<vmem>> -> memref<1x128x128xf32, #tpu.memory_space<vmem>>
      %dma_wait3A_289 = tpu.memref_squeeze %dma_wait3A_288 : memref<1x128x128xf32, #tpu.memory_space<vmem>> -> memref<128x128xf32, #tpu.memory_space<vmem>>
      %dma_wait3A_290 = arith.constant 0 : i32
      %dma_wait3A_291 = arith.constant 0 : i32
      %dma_wait3A_292 = tpu.memref_slice %arg13[%dma_wait3A_290, %dma_wait3A_291] : memref<10240x128xf32, #tpu.memory_space<vmem_shared>> -> memref<10240x128xf32, #tpu.memory_space<vmem_shared>>
      tpu.wait_indirect_dma semaphore(%arg19 : memref<!tpu.dma_semaphore, #tpu.memory_space<semaphore_mem>>) src(%dma_wait3A_289 : memref<128x128xf32, #tpu.memory_space<vmem>>) dst(%dma_wait3A_292 : memref<10240x128xf32, #tpu.memory_space<vmem_shared>>)
      %mul3A_293 = arith.constant 128 : i32
      %mul3A_294 = arith.muli %add3A_284, %mul3A_293 : i32
      %dma_start3A_295 = arith.constant 1 : i32
      %dma_start3A_296 = arith.constant 0 : i32
      %dma_start3A_297 = arith.constant 0 : i32
      %dma_start3A_298 = tpu.memref_slice %arg10[%dma_start3A_295, %dma_start3A_296, %dma_start3A_297] : memref<2x128x128xf32, #tpu.memory_space<vmem>> -> memref<1x128x128xf32, #tpu.memory_space<vmem>>
      %dma_start3A_299 = tpu.memref_squeeze %dma_start3A_298 : memref<1x128x128xf32, #tpu.memory_space<vmem>> -> memref<128x128xf32, #tpu.memory_space<vmem>>
      %dma_start3A_300 = tpu.memref_slice %arg7[%mul3A_294] : memref<10000xi32, #tpu.memory_space<vmem>> -> memref<128xi32, #tpu.memory_space<vmem>>
      %dma_start3A_301 = arith.constant 0 : i32
      %dma_start3A_302 = arith.constant 0 : i32
      %dma_start3A_303 = tpu.memref_slice %arg2[%dma_start3A_301, %dma_start3A_302] : memref<10000x128xf32, #tpu.memory_space<hbm>> -> memref<10000x128xf32, #tpu.memory_space<hbm>>
      tpu.enqueue_indirect_dma source(%dma_start3A_303 : memref<10000x128xf32, #tpu.memory_space<hbm>>) target(%dma_start3A_299 : memref<128x128xf32, #tpu.memory_space<vmem>>) offsets(%dma_start3A_300 : memref<128xi32, #tpu.memory_space<vmem>>) semaphore(%arg15 : memref<!tpu.dma_semaphore, #tpu.memory_space<semaphore_mem>>)
      %mul3A_304 = arith.constant 10000 : i32
      %mul3A_305 = arith.muli %add3A, %mul3A_304 : i32
      %mul3A_306 = arith.constant 128 : i32
      %mul3A_307 = arith.muli %add3A_284, %mul3A_306 : i32
      %add3A_308 = arith.addi %mul3A_305, %mul3A_307 : i32
      %dma_start3A_309 = tpu.memref_slice %arg4[%add3A_308] : memref<320000xi32, #tpu.memory_space<hbm>> -> memref<128xi32, #tpu.memory_space<hbm>>
      %dma_start3A_310 = tpu.memref_slice %arg4[%add3A_308] : memref<320000xi32, #tpu.memory_space<hbm>> -> memref<128xi32, #tpu.memory_space<hbm>>
      tpu.enqueue_dma source(%dma_start3A_310 : memref<128xi32, #tpu.memory_space<hbm>>) target(%arg9 : memref<128xi32, #tpu.memory_space<vmem>>) target_semaphore(%arg17 : memref<!tpu.dma_semaphore, #tpu.memory_space<semaphore_mem>>)
      %sub3A_311 = arith.constant 1 : i32
      %sub3A_312 = arith.subi %add3A_284, %sub3A_311 : i32
      %mul3A_313 = arith.constant 128 : i32
      %mul3A_314 = arith.muli %sub3A_312, %mul3A_313 : i32
      %dma_wait3A_315 = arith.constant 0 : i32
      %dma_wait3A_316 = arith.constant 0 : i32
      %dma_wait3A_317 = arith.constant 0 : i32
      %dma_wait3A_318 = tpu.memref_slice %arg10[%dma_wait3A_315, %dma_wait3A_316, %dma_wait3A_317] : memref<2x128x128xf32, #tpu.memory_space<vmem>> -> memref<1x128x128xf32, #tpu.memory_space<vmem>>
      %dma_wait3A_319 = tpu.memref_squeeze %dma_wait3A_318 : memref<1x128x128xf32, #tpu.memory_space<vmem>> -> memref<128x128xf32, #tpu.memory_space<vmem>>
      %dma_wait3A_320 = tpu.memref_slice %arg7[%mul3A_314] : memref<10000xi32, #tpu.memory_space<vmem>> -> memref<128xi32, #tpu.memory_space<vmem>>
      %dma_wait3A_321 = arith.constant 0 : i32
      %dma_wait3A_322 = arith.constant 0 : i32
      %dma_wait3A_323 = tpu.memref_slice %arg2[%dma_wait3A_321, %dma_wait3A_322] : memref<10000x128xf32, #tpu.memory_space<hbm>> -> memref<10000x128xf32, #tpu.memory_space<hbm>>
      tpu.wait_indirect_dma semaphore(%arg14 : memref<!tpu.dma_semaphore, #tpu.memory_space<semaphore_mem>>) src(%dma_wait3A_323 : memref<10000x128xf32, #tpu.memory_space<hbm>>) dst(%dma_wait3A_319 : memref<128x128xf32, #tpu.memory_space<vmem>>)
      %mul3A_324 = arith.constant 10000 : i32
      %mul3A_325 = arith.muli %add3A, %mul3A_324 : i32
      %mul3A_326 = arith.constant 128 : i32
      %mul3A_327 = arith.muli %sub3A_312, %mul3A_326 : i32
      %add3A_328 = arith.addi %mul3A_325, %mul3A_327 : i32
      %dma_wait3A_329 = tpu.memref_slice %arg4[%add3A_328] : memref<320000xi32, #tpu.memory_space<hbm>> -> memref<128xi32, #tpu.memory_space<hbm>>
      %dma_wait3A_330 = tpu.memref_slice %arg4[%add3A_328] : memref<320000xi32, #tpu.memory_space<hbm>> -> memref<128xi32, #tpu.memory_space<hbm>>
      tpu.wait_dma2 semaphore(%arg16 : memref<!tpu.dma_semaphore, #tpu.memory_space<semaphore_mem>>) src(%dma_wait3A_330 : memref<128xi32, #tpu.memory_space<hbm>>) dst(%arg8 : memref<128xi32, #tpu.memory_space<vmem>>)
      %dma_start3A_331 = arith.constant 0 : i32
      %dma_start3A_332 = arith.constant 0 : i32
      %dma_start3A_333 = arith.constant 0 : i32
      %dma_start3A_334 = tpu.memref_slice %arg10[%dma_start3A_331, %dma_start3A_332, %dma_start3A_333] : memref<2x128x128xf32, #tpu.memory_space<vmem>> -> memref<1x128x128xf32, #tpu.memory_space<vmem>>
      %dma_start3A_335 = tpu.memref_squeeze %dma_start3A_334 : memref<1x128x128xf32, #tpu.memory_space<vmem>> -> memref<128x128xf32, #tpu.memory_space<vmem>>
      %dma_start3A_336 = arith.constant 0 : i32
      %dma_start3A_337 = arith.constant 0 : i32
      %dma_start3A_338 = tpu.memref_slice %arg13[%dma_start3A_336, %dma_start3A_337] : memref<10240x128xf32, #tpu.memory_space<vmem_shared>> -> memref<10240x128xf32, #tpu.memory_space<vmem_shared>>
      tpu.enqueue_indirect_dma source(%dma_start3A_335 : memref<128x128xf32, #tpu.memory_space<vmem>>) target(%dma_start3A_338 : memref<10240x128xf32, #tpu.memory_space<vmem_shared>>) offsets(%arg8 : memref<128xi32, #tpu.memory_space<vmem>>) semaphore(%arg18 : memref<!tpu.dma_semaphore, #tpu.memory_space<semaphore_mem>>) {add = true}
    }
    %scan3A_179 = arith.constant 37 : i32
    %dma_wait3A_180 = arith.constant 1 : i32
    %dma_wait3A_181 = arith.constant 0 : i32
    %dma_wait3A_182 = arith.constant 0 : i32
    %dma_wait3A_183 = tpu.memref_slice %arg10[%dma_wait3A_180, %dma_wait3A_181, %dma_wait3A_182] : memref<2x128x128xf32, #tpu.memory_space<vmem>> -> memref<1x128x128xf32, #tpu.memory_space<vmem>>
    %dma_wait3A_184 = tpu.memref_squeeze %dma_wait3A_183 : memref<1x128x128xf32, #tpu.memory_space<vmem>> -> memref<128x128xf32, #tpu.memory_space<vmem>>
    %dma_wait3A_185 = arith.constant 9856 : i32
    %dma_wait3A_186 = tpu.memref_slice %arg7[%dma_wait3A_185] : memref<10000xi32, #tpu.memory_space<vmem>> -> memref<128xi32, #tpu.memory_space<vmem>>
    %dma_wait3A_187 = arith.constant 0 : i32
    %dma_wait3A_188 = arith.constant 0 : i32
    %dma_wait3A_189 = tpu.memref_slice %arg2[%dma_wait3A_187, %dma_wait3A_188] : memref<10000x128xf32, #tpu.memory_space<hbm>> -> memref<10000x128xf32, #tpu.memory_space<hbm>>
    tpu.wait_indirect_dma semaphore(%arg15 : memref<!tpu.dma_semaphore, #tpu.memory_space<semaphore_mem>>) src(%dma_wait3A_189 : memref<10000x128xf32, #tpu.memory_space<hbm>>) dst(%dma_wait3A_184 : memref<128x128xf32, #tpu.memory_space<vmem>>)
    %mul3A_190 = arith.constant 10000 : i32
    %mul3A_191 = arith.muli %add3A, %mul3A_190 : i32
    %add3A_192 = arith.constant 9856 : i32
    %add3A_193 = arith.addi %mul3A_191, %add3A_192 : i32
    %dma_wait3A_194 = tpu.memref_slice %arg4[%add3A_193] : memref<320000xi32, #tpu.memory_space<hbm>> -> memref<128xi32, #tpu.memory_space<hbm>>
    %dma_wait3A_195 = tpu.memref_slice %arg4[%add3A_193] : memref<320000xi32, #tpu.memory_space<hbm>> -> memref<128xi32, #tpu.memory_space<hbm>>
    tpu.wait_dma2 semaphore(%arg17 : memref<!tpu.dma_semaphore, #tpu.memory_space<semaphore_mem>>) src(%dma_wait3A_195 : memref<128xi32, #tpu.memory_space<hbm>>) dst(%arg9 : memref<128xi32, #tpu.memory_space<vmem>>)
    %dma_start3A_196 = arith.constant 1 : i32
    %dma_start3A_197 = arith.constant 0 : i32
    %dma_start3A_198 = arith.constant 0 : i32
    %dma_start3A_199 = tpu.memref_slice %arg10[%dma_start3A_196, %dma_start3A_197, %dma_start3A_198] : memref<2x128x128xf32, #tpu.memory_space<vmem>> -> memref<1x128x128xf32, #tpu.memory_space<vmem>>
    %dma_start3A_200 = tpu.memref_squeeze %dma_start3A_199 : memref<1x128x128xf32, #tpu.memory_space<vmem>> -> memref<128x128xf32, #tpu.memory_space<vmem>>
    %dma_start3A_201 = arith.constant 0 : i32
    %dma_start3A_202 = arith.constant 0 : i32
    %dma_start3A_203 = tpu.memref_slice %arg13[%dma_start3A_201, %dma_start3A_202] : memref<10240x128xf32, #tpu.memory_space<vmem_shared>> -> memref<10240x128xf32, #tpu.memory_space<vmem_shared>>
    tpu.enqueue_indirect_dma source(%dma_start3A_200 : memref<128x128xf32, #tpu.memory_space<vmem>>) target(%dma_start3A_203 : memref<10240x128xf32, #tpu.memory_space<vmem_shared>>) offsets(%arg9 : memref<128xi32, #tpu.memory_space<vmem>>) semaphore(%arg19 : memref<!tpu.dma_semaphore, #tpu.memory_space<semaphore_mem>>) {add = true}
    %dma_wait3A_204 = arith.constant 0 : i32
    %dma_wait3A_205 = arith.constant 0 : i32
    %dma_wait3A_206 = arith.constant 0 : i32
    %dma_wait3A_207 = tpu.memref_slice %arg10[%dma_wait3A_204, %dma_wait3A_205, %dma_wait3A_206] : memref<2x128x128xf32, #tpu.memory_space<vmem>> -> memref<1x128x128xf32, #tpu.memory_space<vmem>>
    %dma_wait3A_208 = tpu.memref_squeeze %dma_wait3A_207 : memref<1x128x128xf32, #tpu.memory_space<vmem>> -> memref<128x128xf32, #tpu.memory_space<vmem>>
    %dma_wait3A_209 = arith.constant 0 : i32
    %dma_wait3A_210 = arith.constant 0 : i32
    %dma_wait3A_211 = tpu.memref_slice %arg13[%dma_wait3A_209, %dma_wait3A_210] : memref<10240x128xf32, #tpu.memory_space<vmem_shared>> -> memref<10240x128xf32, #tpu.memory_space<vmem_shared>>
    tpu.wait_indirect_dma semaphore(%arg18 : memref<!tpu.dma_semaphore, #tpu.memory_space<semaphore_mem>>) src(%dma_wait3A_208 : memref<128x128xf32, #tpu.memory_space<vmem>>) dst(%dma_wait3A_211 : memref<10240x128xf32, #tpu.memory_space<vmem_shared>>)
    %dma_wait3A_212 = arith.constant 1 : i32
    %dma_wait3A_213 = arith.constant 0 : i32
    %dma_wait3A_214 = arith.constant 0 : i32
    %dma_wait3A_215 = tpu.memref_slice %arg10[%dma_wait3A_212, %dma_wait3A_213, %dma_wait3A_214] : memref<2x128x128xf32, #tpu.memory_space<vmem>> -> memref<1x128x128xf32, #tpu.memory_space<vmem>>
    %dma_wait3A_216 = tpu.memref_squeeze %dma_wait3A_215 : memref<1x128x128xf32, #tpu.memory_space<vmem>> -> memref<128x128xf32, #tpu.memory_space<vmem>>
    %dma_wait3A_217 = arith.constant 0 : i32
    %dma_wait3A_218 = arith.constant 0 : i32
    %dma_wait3A_219 = tpu.memref_slice %arg13[%dma_wait3A_217, %dma_wait3A_218] : memref<10240x128xf32, #tpu.memory_space<vmem_shared>> -> memref<10240x128xf32, #tpu.memory_space<vmem_shared>>
    tpu.wait_indirect_dma semaphore(%arg19 : memref<!tpu.dma_semaphore, #tpu.memory_space<semaphore_mem>>) src(%dma_wait3A_216 : memref<128x128xf32, #tpu.memory_space<vmem>>) dst(%dma_wait3A_219 : memref<10240x128xf32, #tpu.memory_space<vmem_shared>>)
    %barrier3A_220 = arith.constant 0 : index
    tpu.barrier barrier_id(%barrier3A_220)
    %mul3A_221 = arith.constant 640 : i32
    %mul3A_222 = arith.muli %arg1, %mul3A_221 : i32
    %mul3A_223 = arith.constant 640 : i32
    %mul3A_224 = arith.muli %arg1, %mul3A_223 : i32
    "tpu.region"() ({
      %run_scoped3A = tpu.sem_alloc : memref<!tpu.dma_semaphore, #tpu.memory_space<semaphore_mem>>
      %dma_start3A_225 = arith.constant 0 : i32
      %dma_start3A_226 = tpu.memref_slice %arg6[%arg0, %mul3A_224, %dma_start3A_225] : memref<2x10240x128xf32, #tpu.memory_space<hbm>> -> memref<1x640x128xf32, #tpu.memory_space<hbm>>
      %dma_start3A_227 = tpu.memref_squeeze %dma_start3A_226 : memref<1x640x128xf32, #tpu.memory_space<hbm>> -> memref<640x128xf32, #tpu.memory_space<hbm>>
      %dma_start3A_228 = arith.constant 0 : i32
      %dma_start3A_229 = tpu.memref_slice %arg13[%mul3A_222, %dma_start3A_228] : memref<10240x128xf32, #tpu.memory_space<vmem_shared>> -> memref<640x128xf32, #tpu.memory_space<vmem_shared>>
      tpu.enqueue_dma source(%dma_start3A_229 : memref<640x128xf32, #tpu.memory_space<vmem_shared>>) target(%dma_start3A_227 : memref<640x128xf32, #tpu.memory_space<hbm>>) target_semaphore(%run_scoped3A : memref<!tpu.dma_semaphore, #tpu.memory_space<semaphore_mem>>)
      %dma_wait3A_230 = arith.constant 0 : i32
      %dma_wait3A_231 = tpu.memref_slice %arg6[%arg0, %mul3A_224, %dma_wait3A_230] : memref<2x10240x128xf32, #tpu.memory_space<hbm>> -> memref<1x640x128xf32, #tpu.memory_space<hbm>>
      %dma_wait3A_232 = tpu.memref_squeeze %dma_wait3A_231 : memref<1x640x128xf32, #tpu.memory_space<hbm>> -> memref<640x128xf32, #tpu.memory_space<hbm>>
      %dma_wait3A_233 = arith.constant 0 : i32
      %dma_wait3A_234 = tpu.memref_slice %arg13[%mul3A_222, %dma_wait3A_233] : memref<10240x128xf32, #tpu.memory_space<vmem_shared>> -> memref<640x128xf32, #tpu.memory_space<vmem_shared>>
      tpu.wait_dma2 semaphore(%run_scoped3A : memref<!tpu.dma_semaphore, #tpu.memory_space<semaphore_mem>>) src(%dma_wait3A_234 : memref<640x128xf32, #tpu.memory_space<vmem_shared>>) dst(%dma_wait3A_232 : memref<640x128xf32, #tpu.memory_space<hbm>>)
      tpu.yield
    }) : () -> ()
    return
  }
}

module attributes {stable_mosaic.version = 14 : i64} {
  func.func @_gw_body(%arg0: i32, %arg1: memref<2x2000x1xf32, #tpu.memory_space<vmem>>, %arg2: memref<2000x128xf32, #tpu.memory_space<vmem>>, %arg3: memref<128x128xf32, #tpu.memory_space<vmem>>, %arg4: memref<2000x128xf32, #tpu.memory_space<vmem>>) attributes {dimension_semantics = [#tpu.dimension_semantics<arbitrary>], iteration_bounds = array<i64: 5>, scalar_prefetch = 0 : i64, scratch_operands = 0 : i64, tpu.core_type = #tpu.core_type<tc>, window_params = [{transform_indices = @transform_0, window_bounds = array<i64: 2, 2000, 1>}, {transform_indices = @transform_1, window_bounds = array<i64: 2000, 128>}, {pipeline_mode = #tpu.pipeline_mode<synchronous>, transform_indices = @transform_2, window_bounds = array<i64: 128, 128>}, {transform_indices = @transform_3, window_bounds = array<i64: 2000, 128>}]} {
    %get3A = arith.constant 0 : index
    %get3A_0 = arith.constant 0 : index
    %get3A_1 = vector.load %arg2[%get3A, %get3A_0] : memref<2000x128xf32, #tpu.memory_space<vmem>>, vector<2000x128xf32>
    %get3A_2 = arith.constant 0 : index
    %get3A_3 = arith.constant 0 : index
    %get3A_4 = vector.load %arg3[%get3A_2, %get3A_3] : memref<128x128xf32, #tpu.memory_space<vmem>>, vector<128x128xf32>
    %dot_general3A = arith.constant dense<0.000000e+00> : vector<2000x128xf32>
    %dot_general3A_5 = tpu.matmul %get3A_1, %get3A_4, %dot_general3A {dimension_numbers = #tpu.dot_dimension_numbers<[1], [0], [0], [1], [0, 0, 1, 1], [], []>, transpose_lhs_hint = false} : vector<2000x128xf32>, vector<128x128xf32>, vector<2000x128xf32> -> vector<2000x128xf32>
    %get3A_6 = arith.constant 0 : index
    %get3A_7 = arith.constant 0 : index
    %get3A_8 = arith.constant 0 : index
    %get3A_9 = vector.load %arg1[%get3A_6, %get3A_7, %get3A_8] : memref<2x2000x1xf32, #tpu.memory_space<vmem>>, vector<1x2000x1xf32>
    %get3A_10 = vector.shape_cast %get3A_9 : vector<1x2000x1xf32> to vector<2000x1xf32>
    %get3A_11 = arith.constant 1 : index
    %get3A_12 = arith.constant 0 : index
    %get3A_13 = arith.constant 0 : index
    %get3A_14 = vector.load %arg1[%get3A_11, %get3A_12, %get3A_13] : memref<2x2000x1xf32, #tpu.memory_space<vmem>>, vector<1x2000x1xf32>
    %get3A_15 = vector.shape_cast %get3A_14 : vector<1x2000x1xf32> to vector<2000x1xf32>
    %add3A = arith.addf %get3A_10, %get3A_15 : vector<2000x1xf32>
    %add3A_16 = arith.constant 1.000000e+00 : f32
    %add3A_17 = vector.broadcast %add3A_16 : f32 to vector<2000x1xf32>
    %add3A_18 = arith.addf %add3A, %add3A_17 : vector<2000x1xf32>
    %rsqrt3A = math.rsqrt %add3A_18 : vector<2000x1xf32>
    %mul3A = vector.broadcast %rsqrt3A : vector<2000x1xf32> to vector<2000x128xf32>
    %mul3A_19 = arith.mulf %dot_general3A_5, %mul3A : vector<2000x128xf32>
    %swap3A = arith.constant 0 : index
    %swap3A_20 = arith.constant 0 : index
    %swap3A_21 = vector.load %arg4[%swap3A, %swap3A_20] : memref<2000x128xf32, #tpu.memory_space<vmem>>, vector<2000x128xf32>
    tpu.vector_store %arg4[%swap3A, %swap3A_20], %mul3A_19 {strides = array<i32>} : memref<2000x128xf32, #tpu.memory_space<vmem>>, vector<2000x128xf32>,
    return
  }
  func.func @transform_0(%arg0: i32) -> (i32, i32, i32) {
    %c0_i32 = arith.constant 0 : i32
    %c0_i32_0 = arith.constant 0 : i32
    %c0_i32_1 = arith.constant 0 : i32
    return %c0_i32, %arg0, %c0_i32_0 : i32, i32, i32
  }
  func.func @transform_1(%arg0: i32) -> (i32, i32) {
    %c0_i32 = arith.constant 0 : i32
    %c0_i32_0 = arith.constant 0 : i32
    return %arg0, %c0_i32 : i32, i32
  }
  func.func @transform_2(%arg0: i32) -> (i32, i32) {
    %c0_i32 = arith.constant 0 : i32
    %c0_i32_0 = arith.constant 0 : i32
    %c0_i32_1 = arith.constant 0 : i32
    return %c0_i32, %c0_i32_0 : i32, i32
  }
  func.func @transform_3(%arg0: i32) -> (i32, i32) {
    %c0_i32 = arith.constant 0 : i32
    %c0_i32_0 = arith.constant 0 : i32
    return %arg0, %c0_i32 : i32, i32
  }
}

module attributes {stable_mosaic.version = 14 : i64} {
  func.func @_fin_body(%arg0: i32, %arg1: memref<2x2000x128xf32, #tpu.memory_space<vmem>>, %arg2: memref<2000x128xf32, #tpu.memory_space<vmem>>, %arg3: memref<2x2000x1xf32, #tpu.memory_space<vmem>>, %arg4: memref<2000x128xf32, #tpu.memory_space<vmem>>, %arg5: memref<1x128xf32, #tpu.memory_space<vmem>>, %arg6: memref<1x128xf32, #tpu.memory_space<vmem>>, %arg7: memref<1x128xf32, #tpu.memory_space<vmem>>, %arg8: memref<2000x128xf32, #tpu.memory_space<vmem>>) attributes {dimension_semantics = [#tpu.dimension_semantics<arbitrary>], iteration_bounds = array<i64: 5>, scalar_prefetch = 0 : i64, scratch_operands = 0 : i64, tpu.core_type = #tpu.core_type<tc>, window_params = [{transform_indices = @transform_0, window_bounds = array<i64: 2, 2000, 128>}, {transform_indices = @transform_1, window_bounds = array<i64: 2000, 128>}, {transform_indices = @transform_2, window_bounds = array<i64: 2, 2000, 1>}, {transform_indices = @transform_3, window_bounds = array<i64: 2000, 128>}, {pipeline_mode = #tpu.pipeline_mode<synchronous>, transform_indices = @transform_4, window_bounds = array<i64: 1, 128>}, {pipeline_mode = #tpu.pipeline_mode<synchronous>, transform_indices = @transform_5, window_bounds = array<i64: 1, 128>}, {pipeline_mode = #tpu.pipeline_mode<synchronous>, transform_indices = @transform_6, window_bounds = array<i64: 1, 128>}, {transform_indices = @transform_7, window_bounds = array<i64: 2000, 128>}]} {
    %get3A = arith.constant 0 : index
    %get3A_0 = arith.constant 0 : index
    %get3A_1 = arith.constant 0 : index
    %get3A_2 = vector.load %arg3[%get3A, %get3A_0, %get3A_1] : memref<2x2000x1xf32, #tpu.memory_space<vmem>>, vector<1x2000x1xf32>
    %get3A_3 = vector.shape_cast %get3A_2 : vector<1x2000x1xf32> to vector<2000x1xf32>
    %get3A_4 = arith.constant 1 : index
    %get3A_5 = arith.constant 0 : index
    %get3A_6 = arith.constant 0 : index
    %get3A_7 = vector.load %arg3[%get3A_4, %get3A_5, %get3A_6] : memref<2x2000x1xf32, #tpu.memory_space<vmem>>, vector<1x2000x1xf32>
    %get3A_8 = vector.shape_cast %get3A_7 : vector<1x2000x1xf32> to vector<2000x1xf32>
    %add3A = arith.addf %get3A_3, %get3A_8 : vector<2000x1xf32>
    %add3A_9 = arith.constant 1.000000e+00 : f32
    %add3A_10 = vector.broadcast %add3A_9 : f32 to vector<2000x1xf32>
    %add3A_11 = arith.addf %add3A, %add3A_10 : vector<2000x1xf32>
    %rsqrt3A = math.rsqrt %add3A_11 : vector<2000x1xf32>
    %get3A_12 = arith.constant 0 : index
    %get3A_13 = arith.constant 0 : index
    %get3A_14 = arith.constant 0 : index
    %get3A_15 = vector.load %arg1[%get3A_12, %get3A_13, %get3A_14] : memref<2x2000x128xf32, #tpu.memory_space<vmem>>, vector<1x2000x128xf32>
    %get3A_16 = vector.shape_cast %get3A_15 : vector<1x2000x128xf32> to vector<2000x128xf32>
    %get3A_17 = arith.constant 1 : index
    %get3A_18 = arith.constant 0 : index
    %get3A_19 = arith.constant 0 : index
    %get3A_20 = vector.load %arg1[%get3A_17, %get3A_18, %get3A_19] : memref<2x2000x128xf32, #tpu.memory_space<vmem>>, vector<1x2000x128xf32>
    %get3A_21 = vector.shape_cast %get3A_20 : vector<1x2000x128xf32> to vector<2000x128xf32>
    %add3A_22 = arith.addf %get3A_16, %get3A_21 : vector<2000x128xf32>
    %get3A_23 = arith.constant 0 : index
    %get3A_24 = arith.constant 0 : index
    %get3A_25 = vector.load %arg2[%get3A_23, %get3A_24] : memref<2000x128xf32, #tpu.memory_space<vmem>>, vector<2000x128xf32>
    %add3A_26 = arith.addf %add3A_22, %get3A_25 : vector<2000x128xf32>
    %mul3A = vector.broadcast %rsqrt3A : vector<2000x1xf32> to vector<2000x128xf32>
    %mul3A_27 = arith.mulf %add3A_26, %mul3A : vector<2000x128xf32>
    %get3A_28 = arith.constant 0 : index
    %get3A_29 = arith.constant 0 : index
    %get3A_30 = vector.load %arg5[%get3A_28, %get3A_29] : memref<1x128xf32, #tpu.memory_space<vmem>>, vector<1x128xf32>
    %add3A_31 = vector.broadcast %get3A_30 : vector<1x128xf32> to vector<2000x128xf32>
    %add3A_32 = arith.addf %mul3A_27, %add3A_31 : vector<2000x128xf32>
    %reduce_sum3A = arith.constant dense<0.000000e+00> : vector<2000xf32>
    %reduce_sum3A_33 = vector.multi_reduction <add>, %add3A_32, %reduce_sum3A [1] : vector<2000x128xf32> to vector<2000xf32>
    %broadcast_in_dim3A = vector.shape_cast %reduce_sum3A_33 : vector<2000xf32> to vector<2000x1xf32>
    %div3A = arith.constant 1.280000e+02 : f32
    %div3A_34 = vector.broadcast %div3A : f32 to vector<2000x1xf32>
    %div3A_35 = arith.divf %broadcast_in_dim3A, %div3A_34 : vector<2000x1xf32>
    %sub3A = vector.broadcast %div3A_35 : vector<2000x1xf32> to vector<2000x128xf32>
    %sub3A_36 = arith.subf %add3A_32, %sub3A : vector<2000x128xf32>
    %mul3A_37 = arith.mulf %sub3A_36, %sub3A_36 : vector<2000x128xf32>
    %reduce_sum3A_38 = arith.constant dense<0.000000e+00> : vector<2000xf32>
    %reduce_sum3A_39 = vector.multi_reduction <add>, %mul3A_37, %reduce_sum3A_38 [1] : vector<2000x128xf32> to vector<2000xf32>
    %broadcast_in_dim3A_40 = vector.shape_cast %reduce_sum3A_39 : vector<2000xf32> to vector<2000x1xf32>
    %div3A_41 = arith.constant 1.280000e+02 : f32
    %div3A_42 = vector.broadcast %div3A_41 : f32 to vector<2000x1xf32>
    %div3A_43 = arith.divf %broadcast_in_dim3A_40, %div3A_42 : vector<2000x1xf32>
    %add3A_44 = arith.constant 9.99999974E-6 : f32
    %add3A_45 = vector.broadcast %add3A_44 : f32 to vector<2000x1xf32>
    %add3A_46 = arith.addf %div3A_43, %add3A_45 : vector<2000x1xf32>
    %rsqrt3A_47 = math.rsqrt %add3A_46 : vector<2000x1xf32>
    %mul3A_48 = vector.broadcast %rsqrt3A_47 : vector<2000x1xf32> to vector<2000x128xf32>
    %mul3A_49 = arith.mulf %sub3A_36, %mul3A_48 : vector<2000x128xf32>
    %get3A_50 = arith.constant 0 : index
    %get3A_51 = arith.constant 0 : index
    %get3A_52 = vector.load %arg6[%get3A_50, %get3A_51] : memref<1x128xf32, #tpu.memory_space<vmem>>, vector<1x128xf32>
    %mul3A_53 = vector.broadcast %get3A_52 : vector<1x128xf32> to vector<2000x128xf32>
    %mul3A_54 = arith.mulf %mul3A_49, %mul3A_53 : vector<2000x128xf32>
    %get3A_55 = arith.constant 0 : index
    %get3A_56 = arith.constant 0 : index
    %get3A_57 = vector.load %arg7[%get3A_55, %get3A_56] : memref<1x128xf32, #tpu.memory_space<vmem>>, vector<1x128xf32>
    %add3A_58 = vector.broadcast %get3A_57 : vector<1x128xf32> to vector<2000x128xf32>
    %add3A_59 = arith.addf %mul3A_54, %add3A_58 : vector<2000x128xf32>
    %max3A = arith.constant 0.000000e+00 : f32
    %max3A_60 = vector.broadcast %max3A : f32 to vector<2000x128xf32>
    %max3A_61 = arith.maximumf %add3A_59, %max3A_60 : vector<2000x128xf32>
    %get3A_62 = arith.constant 0 : index
    %get3A_63 = arith.constant 0 : index
    %get3A_64 = vector.load %arg4[%get3A_62, %get3A_63] : memref<2000x128xf32, #tpu.memory_space<vmem>>, vector<2000x128xf32>
    %add3A_65 = arith.addf %max3A_61, %get3A_64 : vector<2000x128xf32>
    %swap3A = arith.constant 0 : index
    %swap3A_66 = arith.constant 0 : index
    %swap3A_67 = vector.load %arg8[%swap3A, %swap3A_66] : memref<2000x128xf32, #tpu.memory_space<vmem>>, vector<2000x128xf32>
    tpu.vector_store %arg8[%swap3A, %swap3A_66], %add3A_65 {strides = array<i32>} : memref<2000x128xf32, #tpu.memory_space<vmem>>, vector<2000x128xf32>,
    return
  }
  func.func @transform_0(%arg0: i32) -> (i32, i32, i32) {
    %c0_i32 = arith.constant 0 : i32
    %c0_i32_0 = arith.constant 0 : i32
    %c0_i32_1 = arith.constant 0 : i32
    return %c0_i32, %arg0, %c0_i32_0 : i32, i32, i32
  }
  func.func @transform_1(%arg0: i32) -> (i32, i32) {
    %c0_i32 = arith.constant 0 : i32
    %c0_i32_0 = arith.constant 0 : i32
    return %arg0, %c0_i32 : i32, i32
  }
  func.func @transform_2(%arg0: i32) -> (i32, i32, i32) {
    %c0_i32 = arith.constant 0 : i32
    %c0_i32_0 = arith.constant 0 : i32
    %c0_i32_1 = arith.constant 0 : i32
    return %c0_i32, %arg0, %c0_i32_0 : i32, i32, i32
  }
  func.func @transform_3(%arg0: i32) -> (i32, i32) {
    %c0_i32 = arith.constant 0 : i32
    %c0_i32_0 = arith.constant 0 : i32
    return %arg0, %c0_i32 : i32, i32
  }
  func.func @transform_4(%arg0: i32) -> (i32, i32) {
    %c0_i32 = arith.constant 0 : i32
    %c0_i32_0 = arith.constant 0 : i32
    %c0_i32_1 = arith.constant 0 : i32
    return %c0_i32, %c0_i32_0 : i32, i32
  }
  func.func @transform_5(%arg0: i32) -> (i32, i32) {
    %c0_i32 = arith.constant 0 : i32
    %c0_i32_0 = arith.constant 0 : i32
    %c0_i32_1 = arith.constant 0 : i32
    return %c0_i32, %c0_i32_0 : i32, i32
  }
  func.func @transform_6(%arg0: i32) -> (i32, i32) {
    %c0_i32 = arith.constant 0 : i32
    %c0_i32_0 = arith.constant 0 : i32
    %c0_i32_1 = arith.constant 0 : i32
    return %c0_i32, %c0_i32_0 : i32, i32
  }
  func.func @transform_7(%arg0: i32) -> (i32, i32) {
    %c0_i32 = arith.constant 0 : i32
    %c0_i32_0 = arith.constant 0 : i32
    return %arg0, %c0_i32 : i32, i32
  }
}

</mosaic_0001>

<sc_bundles>
// kernel: kernel.6.cloned.1.call-start
scs
__scs_entry_jumppad:
0x0: {  	(pc) =	sbr.rel $0x88, $3  }
0x1: {  	(tag) =	ssettag $0x0;
	lr =	simm.s32 $0x1  }
0x2: {  	[smem:$0x3F9B] =	sst lr;
	_ =	strace $0xD0000000  }
0x3: {  	_ = 	snop  }
0x4: {  	_ = 	snop  }
0x5: {  	_ = 	snop  }
0x6: {  	_ = 	snop  }
0x7: {  	_ = 	snop  }
__scs_overlays_trampoline_lowered:
0x8: {  	[smem:$0x3FAA] =	sst s0  }
0x9: {  	[smem:$0x3FAB] =	sst s1  }
0xa: {  	[smem:$0x3FAC] =	sst s2  }
0xb: {  	[smem:$0x3FAD] =	sst s3  }
0xc: {  	[smem:$0x3FAE] =	sst s4  }
0xd: {  	[smem:$0x3FAF] =	sst s5  }
0xe: {  	[smem:$0x3FB0] =	sst s6  }
0xf: {  	[smem:$0x3FB1] =	sst s7  }
0x10: {  	[smem:$0x3FB2] =	sst s8  }
0x11: {  	[smem:$0x3FB3] =	sst s9;
	s0 =	simm.s32 @!p0 $0x0  }
0x12: {  	s1 =	sld [smem:$0x3F99];
	s0 =	simm.s32 @p0 $0x1  }
0x13: {  	[smem:$0x3FB4] =	sst s0;
	s0 =	simm.s32 @!p1 $0x0  }
0x14: {  	s2 =	sld [smem:$0x3F98];
	s0 =	simm.s32 @p1 $0x1  }
0x15: {  	[smem:$0x3FB5] =	sst s0;
	s0 =	simm.s32 @!p2 $0x0  }
0x16: {  	s3 =	sld [smem:$0x3FDB];
	s0 =	simm.s32 @p2 $0x1  }
0x17: {  	s4 =	simm.s32 $0x1BF5;
	[smem:$0x3FB7] =	sst s0  }
0x18: {  	s0 =	sld [smem:$0x3F9A];
	_ =	swait.ge [sflag:s4], $0x0  }
0x19: {  	s7 =	sld [smem:$0x3F9B]  }
0x1a: {  	s8 =	sadd.s32 $0xFFFFE003, lr  }
0x1b: {  	s9 =	sadd.s32 $0xFFFFFEF7, lr;
	s5 =	simm.s32 $0xFFFFFFFF;
	p2 =	slt.u32 s8, $0xFFFFF086  }
0x1c: {  	p1 =	slt.u32 s9, $0xF7A;
	s5 =	simm.s32 @!p2 $0x0  }
0x1d: {  	s5 =	simm.s32 @p1 $0x1;
	p0 =	seq.s32 s7, s2  }
0x1e: {  	s7 =	smul.u32 @!p0 $0xF7A, s2;
	p2 =	seq.s32 @!p0 s5, $0x0  }
0x1f: {  	s9 =	smul.u32 $0xF7A, s1;
	s8 =	simm.s32 @!p0 $0x1BF5;
	p2 =	por !p2, p0  }
0x20: {  	[sflag:s8] =	ssyncset.s32 @!p0 $0xFFFFF086;
	s6 =	sadd.s32 @!p0 s3, s7;
	s7 =	simm.s32 @!p0 $0x108  }
0x21: {  	s3 =	sadd.s32 s3, s9;
	s6 =	sadd.s32 @!p0 $0x88, s6;
	s7 =	simm.s32 @p2 $0x1082  }
0x22: {  	[simem:s7], [sflag:s8] =	dma.local @!p0 [hbm:s6], $0xF7A  }
0x23: {  	s9 =	sor.u32 $0xD0000000, s2;
	s6 =	simm.s32 $0x108;
	_ =	swait.ge @!p0 [sflag:s8], $0x0  }
0x24: {  	s3 =	sadd.s32 $0x88, s3;
	s6 =	simm.s32 @!p1 $0x1082;
	[sflag:s4] =	ssyncset.s32 $0xFFFFF086  }
0x25: {  	[simem:s6], [sflag:s4] =	dma.local [hbm:s3], $0xF7A  }
0x26: {  	[smem:$0x3F9B] =	sst s1;
	(tag) =	ssettag s2;
	_ =	strace s9  }
0x27: {  	s1 =	sld [smem:$0x3FAB]  }
0x28: {  	s2 =	sld [smem:$0x3FAC]  }
0x29: {  	s4 =	sld [smem:$0x3FAE]  }
0x2a: {  	p0 =	seq.s32 s5, $0x0;
	s5 =	sld [smem:$0x3FAF]  }
0x2b: {  	s6 =	sld [smem:$0x3FB0]  }
0x2c: {  	s7 =	sld [smem:$0x3FB1]  }
0x2d: {  	s3 =	simm.s32 $0x108;
	s8 =	sld [smem:$0x3FB2]  }
0x2e: {  	s3 =	simm.s32 @!p0 $0x1082;
	s9 =	sld [smem:$0x3FB3]  }
0x2f: {  	lr =	sadd.s32 s0, s3;
	s0 =	sld [smem:$0x3FAA]  }
0x30: {  	s3 =	sld [smem:$0x3FAD]  }
0x31: {  	[smem:$0x3FB6] =	sst s10  }
0x32: {  	s10 =	sld [smem:$0x3FB4];
	_ =	sdelay $0x3  }
0x33: {  	p0 =	seq.s32 s10, $0x1;
	s10 =	sld [smem:$0x3FB6];
	_ =	sdelay $0x3  }
0x34: {  	[smem:$0x3FB6] =	sst s10  }
0x35: {  	s10 =	sld [smem:$0x3FB5];
	_ =	sdelay $0x3  }
0x36: {  	p1 =	seq.s32 s10, $0x1;
	s10 =	sld [smem:$0x3FB6];
	_ =	sdelay $0x3  }
0x37: {  	[smem:$0x3FB6] =	sst s10  }
0x38: {  	s10 =	sld [smem:$0x3FB7]  }
0x39: {  	_ = 	snop;
	(pc) =	sbr.ind lr, $3  }
0x3a: {  	_ = 	snop  }
0x3b: {  	_ = 	snop  }
0x3c: {  	p2 =	seq.s32 s10, $0x1;
	s10 =	sld [smem:$0x3FB6]  }
0x3d: {  	_ =	shalt  }
0x3e: {  	_ =	shalt  }
0x3f: {  	_ =	shalt  }
0x40: {  	_ =	shalt  }
0x41: {  	_ =	shalt  }
0x42: {  	_ =	shalt  }
0x43: {  	_ =	shalt  }
0x44: {  	_ =	shalt  }
0x45: {  	_ =	shalt  }
0x46: {  	_ =	shalt  }
0x47: {  	_ =	shalt  }
0x48: {  	_ =	shalt  }
0x49: {  	_ =	shalt  }
0x4a: {  	_ =	shalt  }
0x4b: {  	_ =	shalt  }
0x4c: {  	_ =	shalt  }
0x4d: {  	_ =	shalt  }
0x4e: {  	_ =	shalt  }
0x4f: {  	_ =	shalt  }
0x50: {  	_ =	shalt  }
0x51: {  	_ =	shalt  }
0x52: {  	_ =	shalt  }
0x53: {  	_ =	shalt  }
0x54: {  	_ =	shalt  }
0x55: {  	_ =	shalt  }
0x56: {  	_ =	shalt  }
0x57: {  	_ =	shalt  }
0x58: {  	_ =	shalt  }
0x59: {  	_ =	shalt  }
0x5a: {  	_ =	shalt  }
0x5b: {  	_ =	shalt  }
0x5c: {  	_ =	shalt  }
0x5d: {  	_ =	shalt  }
0x5e: {  	_ =	shalt  }
0x5f: {  	_ =	shalt  }
0x60: {  	_ =	shalt  }
0x61: {  	_ =	shalt  }
0x62: {  	_ =	shalt  }
0x63: {  	_ =	shalt  }
0x64: {  	_ =	shalt  }
0x65: {  	_ =	shalt  }
0x66: {  	_ =	shalt  }
0x67: {  	_ =	shalt  }
0x68: {  	_ =	shalt  }
0x69: {  	_ =	shalt  }
0x6a: {  	_ =	shalt  }
0x6b: {  	_ =	shalt  }
0x6c: {  	_ =	shalt  }
0x6d: {  	_ =	shalt  }
0x6e: {  	_ =	shalt  }
0x6f: {  	_ =	shalt  }
0x70: {  	_ =	shalt  }
0x71: {  	_ =	shalt  }
0x72: {  	_ =	shalt  }
0x73: {  	_ =	shalt  }
0x74: {  	_ =	shalt  }
0x75: {  	_ =	shalt  }
0x76: {  	_ =	shalt  }
0x77: {  	_ =	shalt  }
0x78: {  	_ =	shalt  }
0x79: {  	_ =	shalt  }
0x7a: {  	_ =	shalt  }
0x7b: {  	_ =	shalt  }
0x7c: {  	_ =	shalt  }
0x7d: {  	_ =	shalt  }
0x7e: {  	_ =	shalt  }
0x7f: {  	_ =	shalt  }
0x80: {  	_ =	shalt  }
0x81: {  	_ =	shalt  }
0x82: {  	_ =	shalt  }
0x83: {  	_ =	shalt  }
0x84: {  	_ =	shalt  }
0x85: {  	_ =	shalt  }
0x86: {  	_ =	shalt  }
0x87: {  	_ =	shalt  }
.Lfunc_end0:
.L_simem_size_0:
called_computation_lowered:
.L_overlay_start_0:
0x88: {  	s2 =	sld [smem:$0x3FD9]  }
0x89: {  	s3 =	sld [smem:$0x3FFE];
	_ =	sdelay $0x1  }
0x8a: {  	s1 =	srdreg.scid  }
0x8b: {  	s0 =	sand.u32 $0x1, s1  }
0x8c: {  	s17 =	sshll.u32 s0, $0xA;
	s2 =	sadd.s32 s3, s2  }
0x8d: {  	s2 =	sadd.s32 s2, s17  }
0x8e: {  	[smem:$0x3FC2] =	sst s2  }
0x8f: {  	_ = 	snop  }
0x90: {  	s2 =	sld [smem:$0x3FD0];
	(tm) =	ssettm $0x1  }
0x91: {  	s18 =	sld [smem:$0x3FFB];
	_ =	sdelay $0x3  }
0x92: {  	_ =	strace s18  }
0x93: {  	s3 =	sld [smem:$0x3FFC];
	_ =	sdelay $0x3  }
0x94: {  	_ =	strace s3  }
0x95: {  	s3 =	sld [smem:$0x3FFD];
	_ =	sdelay $0x3  }
0x96: {  	_ =	strace s3  }
0x97: {  	_ =	strace $0x8FFFFFFF  }
0x98: {  	s19 =	sld [smem:$0x3FDB];
	_ =	sdelay $0x1  }
0x99: {  	s4 =	simm.s32 $_scs_section_size  }
0x9a: {  	s5 =	simm.s32 $_size__tile_overlayer_lowered;
	s6 =	simm.s32 $_tile_overlayer_lowered  }
0x9b: {  	s22 =	simm.s32 $0x1BFF;
	s21 =	sshll.u32 s6, $0x1;
	s3 =	sadd.s32 s4, s19  }
0x9c: {  	s7 =	simm.s32 $0x0;
	s20 =	sshll.u32 s5, $0x1;
	s5 =	sadd.s32 s21, s3  }
0x9d: {  	[timem:s7], [sflag:s22] =	dma.local [hbm:s5], s20  }
0x9e: {  	_ =	swait.ge [sflag:s22], s20  }
0x9f: {  	s4 =	ssub.s32 $0x0, s20;
	[sflag:s22] =	ssyncset.done $0x0  }
0xa0: {  	[sflag:s22] =	ssyncadd.s32 s4;
	_ =	sdelay $0x1  }
0xa1: {  	s23 =	simm.s32 $0x1B8B  }
0xa2: {  	_ =	swait.ge [sflag:s23], $0x1  }
0xa3: {  	[sflag:s23] =	ssyncset.done $0x0  }
0xa4: {  	s25 =	simm.s32 $0x1B8E;
	s24 =	sld [smem:$0x3FFE];
	[sflag:s23] =	ssyncadd.s32 $0xFFFFFFFF  }
0xa5: {  	s26 =	simm.s32 $execute0_lowered;
	[smem:$0x3FD2] =	sst s25  }
0xa6: {  	s5 =	sshll.u32 s26, $0x1;
	_ =	strace $0x80000046;
	[dreg:$0x1] =	wrdreg $0xFFFFFFFF  }
0xa7: {  	s28 =	simm.s32 $_size_execute0_lowered;
	s3 =	sadd.s32 s3, s5;
	[dreg:$0x0] =	wrdreg $0x0  }
0xa8: {  	s5 =	sshll.u32 s28, $0x1;
	[dreg:$0x2] =	wrdreg s3  }
0xa9: {  	[dreg:$0x3] =	wrdreg s5  }
0xaa: {  	[dreg:$0x4] =	wrdreg $0xC0  }
0xab: {  	_ =	task [dreg:s7], $0x5FFFF  }
0xac: {  	[dreg:$0x1] =	wrdreg $0xFFFFFFFF  }
0xad: {  	[dreg:$0x0] =	wrdreg $0x60  }
0xae: {  	[dreg:$0x2] =	wrdreg s24  }
0xaf: {  	[dreg:$0x3] =	wrdreg s2  }
0xb0: {  	[dreg:$0x4] =	wrdreg $0x7A000  }
0xb1: {  	[dreg:$0x5] =	wrdreg $0x9  }
0xb2: {  	_ =	task.clear_ibuf [dreg:s7], $0x6FFFF;
	_ =	strace $0x90000046  }
0xb3: {  	s29 =	simm.s32 $0x9;
	_ =	strace $0x80000048  }
0xb4: {  	_ =	swait.ge [sflag:s29], $0x1  }
0xb5: {  	[sflag:s29] =	ssyncadd.s32 $0xFFFFFFFF  }
0xb6: {  	_ =	strace $0x90000048  }
0xb7: {  	_ =	sfence  }
0xb8: {  	s30 =	sld [smem:$0x0];
	_ =	sdelay $0x2  }
0xb9: {  	s31 =	sshll.u32 s1, $0xD;
	s1 =	sshrl.u32 s1, $0x2  }
0xba: {  	s3 =	sand.u32 $0x4000, s31;
	s1 =	sadd.s32 s1, s30  }
0xbb: {  	s0 =	sor.u32 s3, s0;
	s1 =	sshll.u32 s1, $0x11  }
0xbc: {  	s0 =	sor.u32 s1, s0  }
0xbd: {  	s0 =	sadd.s32 $0x8F2B, s0  }
0xbe: {  	[sflag:s0] =	ssyncadd.remote.s32 $0x1  }
0xbf: {  	_ =	sfence.sel $0xFFFF  }
0xc0: {  	[dreg:$0x0] =	wrdreg $0xFFFFFFFF;
	(pc) =	sbr.abs _section_cstart, $3  }
0xc1: {  	[dreg:$0x1] =	wrdreg $0xFFFFFFFF  }
0xc2: {  	_ =	task.clear_ibuf [dreg:s7], $0x2FFFF;
	_ =	strace $0x9FFFFFFF  }
0xc3: {  	(tm) =	ssettm $0x7FFFFFFF  }
tec
execute0_lowered:
.L_overlay_start_1:
0x0: {  	(tag) =	ssettag $0x1  }
0x1: {  	s1 =	rddreg [dreg:$0x0]  }
0x2: {  	s0 =	srdreg.scid;
	s2 =	rddreg [dreg:$0x1]  }
0x3: {  	s9 =	stileid.u32;
	s4 =	rddreg [dreg:$0x2];
	s7 =	simm.s32 $0x0  }
0x4: {  	s0 =	sand.u32 $0x1, s0;
	s5 =	sshrl.u32 s9, $0x3;
	s8 =	smul.u32 $0x5000, s9  }
0x5: {  	[smem:$0x7FF] =	sst s7;
	s10 =	sshll.u32 s9, $0x7;
	s23 =	smul.u32 $0x500, s9  }
0x6: {  	s3 =	sshll.u32 s0, $0x4;
	s6 =	ssub.s32 $0x2, s0;
	s5 =	smul.u32 $0x50000, s5  }
0x7: {  	_ =	strace $0x80000047;
	s12 =	sand.u32 $0x380, s10;
	s0 =	sshll.u32 s0, $0x7  }
0x8: {  	s3 =	sor.u32 s9, s3;
	s26 =	sshrl.u32 s6, $0x1;
	s0 =	sor.u32 s0, s23  }
0x9: {  	s11 =	sshrl.u32 s8, $0x2;
	s3 =	smul.u32 $0x4E2, s3;
	s0 =	sshrl.u32 s0, $0x3  }
0xa: {  	s6 =	ssub.s32 s6, s26;
	s5 =	sshrl.u32 s5, $0x2;
	s0 =	sadd.s32 s2, s0  }
0xb: {  	s5 =	sadd.s32 s5, s4;
	s8 =	smax.u32 s6, $0x1;
	[dreg:$0x15] =	wrdreg s0  }
0xc: {  	s1 =	sadd.s32 s3, s1;
	s13 =	sadd.s32 s12, s5;
	[dreg:$0x16] =	wrdreg s8  }
0xd: {  	s3 =	sadd.s32 s11, s4;
	s1 =	sadd.s32 $0xBE00, s1;
	[dreg:$0x5] =	wrdreg s13  }
0xe: {  	s14 =	sadd.s32 $0x80, s3;
	[dreg:$0x4] =	wrdreg s1  }
0xf: {  	s15 =	sadd.s32 $0x100, s3;
	[dreg:$0x6] =	wrdreg s14  }
0x10: {  	s16 =	sadd.s32 $0x180, s3;
	[dreg:$0x7] =	wrdreg s15  }
0x11: {  	s17 =	sadd.s32 $0x200, s3;
	[dreg:$0x8] =	wrdreg s16  }
0x12: {  	s18 =	sadd.s32 $0x280, s3;
	[dreg:$0x9] =	wrdreg s17  }
0x13: {  	s19 =	sadd.s32 $0x300, s3;
	[dreg:$0xa] =	wrdreg s18  }
0x14: {  	s20 =	sadd.s32 $0x380, s3;
	[dreg:$0xb] =	wrdreg s19  }
0x15: {  	s21 =	sadd.s32 $0x14000, s3;
	[dreg:$0xc] =	wrdreg s20  }
0x16: {  	s22 =	sadd.s32 $0x14080, s3;
	[dreg:$0xd] =	wrdreg s21  }
0x17: {  	s4 =	sadd.s32 $0x14100, s3;
	[dreg:$0xe] =	wrdreg s22  }
0x18: {  	s24 =	sadd.s32 $0x14180, s3;
	[dreg:$0xf] =	wrdreg s4  }
0x19: {  	s25 =	sadd.s32 $0x14200, s3;
	[dreg:$0x10] =	wrdreg s24  }
0x1a: {  	s26 =	sadd.s32 $0x14280, s3;
	[dreg:$0x11] =	wrdreg s25  }
0x1b: {  	s5 =	sadd.s32 $0x14300, s3;
	[dreg:$0x12] =	wrdreg s26  }
0x1c: {  	s7 =	sadd.s32 $0x14380, s3;
	[dreg:$0x13] =	wrdreg s5  }
0x1d: {  	s9 =	sadd.s32 $0x400, s3;
	[dreg:$0x14] =	wrdreg s7  }
0x1e: {  	s10 =	sadd.s32 $0x800, s3;
	[dreg:$0x17] =	wrdreg s9  }
0x1f: {  	s11 =	sadd.s32 $0xC00, s3;
	[dreg:$0x18] =	wrdreg s10  }
0x20: {  	s12 =	sadd.s32 $0x1000, s3;
	[dreg:$0x19] =	wrdreg s11  }
0x21: {  	s13 =	sadd.s32 $0x480, s3;
	[dreg:$0x1a] =	wrdreg s12  }
0x22: {  	s23 =	sadd.s32 $0xD80, s3;
	[dreg:$0x1b] =	wrdreg s13  }
0x23: {  	s2 =	sadd.s32 $0x1200, s3;
	[smem:$0x7E1] =	sst s23  }
0x24: {  	s6 =	sadd.s32 $0xE80, s3;
	[smem:$0x7E6] =	sst s2  }
0x25: {  	s8 =	sadd.s32 $0x700, s3;
	[smem:$0x7E9] =	sst s6  }
0x26: {  	s14 =	sadd.s32 $0x880, s3;
	[smem:$0x7EB] =	sst s8  }
0x27: {  	s15 =	sadd.s32 $0xC80, s3;
	[dreg:$0x1c] =	wrdreg s14  }
0x28: {  	s16 =	sadd.s32 $0x1080, s3;
	[dreg:$0x1d] =	wrdreg s15  }
0x29: {  	s17 =	sadd.s32 $0x500, s3;
	[dreg:$0x1e] =	wrdreg s16  }
0x2a: {  	s18 =	sadd.s32 $0x900, s3;
	[dreg:$0x1f] =	wrdreg s17  }
0x2b: {  	s19 =	sadd.s32 $0xD00, s3;
	[smem:$0x7DC] =	sst s18  }
0x2c: {  	s20 =	sadd.s32 $0x1100, s3;
	[smem:$0x7DD] =	sst s19  }
0x2d: {  	s21 =	sadd.s32 $0x580, s3;
	[smem:$0x7DE] =	sst s20  }
0x2e: {  	s22 =	sadd.s32 $0x980, s3;
	[smem:$0x7DF] =	sst s21  }
0x2f: {  	s24 =	sadd.s32 $0x1180, s3;
	[smem:$0x7E0] =	sst s22  }
0x30: {  	s25 =	sadd.s32 $0x600, s3;
	[smem:$0x7E2] =	sst s24  }
0x31: {  	s26 =	sadd.s32 $0xA00, s3;
	[smem:$0x7E3] =	sst s25  }
0x32: {  	s1 =	sadd.s32 $0xE00, s3;
	[smem:$0x7E4] =	sst s26  }
0x33: {  	s4 =	sadd.s32 $0x680, s3;
	[smem:$0x7E5] =	sst s1  }
0x34: {  	s5 =	sadd.s32 $0xA80, s3;
	[smem:$0x7E7] =	sst s4  }
0x35: {  	s7 =	sadd.s32 $0x1280, s3;
	[smem:$0x7E8] =	sst s5  }
0x36: {  	s9 =	sadd.s32 $0xB00, s3;
	[smem:$0x7EA] =	sst s7  }
0x37: {  	s10 =	sadd.s32 $0xF00, s3;
	[smem:$0x7EC] =	sst s9  }
0x38: {  	s11 =	sadd.s32 $0x1300, s3;
	[smem:$0x7ED] =	sst s10  }
0x39: {  	s12 =	sadd.s32 $0x780, s3;
	[smem:$0x7EE] =	sst s11  }
0x3a: {  	s13 =	sadd.s32 $0xB80, s3;
	[smem:$0x7EF] =	sst s12  }
0x3b: {  	s23 =	sadd.s32 $0x15080, s3;
	[smem:$0x7F0] =	sst s13  }
0x3c: {  	s14 =	sadd.s32 $0xF80, s3;
	[smem:$0x7FA] =	sst s23  }
0x3d: {  	s28 =	simm.s32 $0x1;
	s15 =	sadd.s32 $0x1380, s3;
	[smem:$0x7F1] =	sst s14  }
0x3e: {  	s29 =	simm.s32 $0x2780;
	s16 =	sadd.s32 $0x14400, s3;
	[smem:$0x7F2] =	sst s15  }
0x3f: {  	s30 =	simm.s32 $0x80;
	s17 =	sadd.s32 $0x14800, s3;
	[smem:$0x7F3] =	sst s16  }
0x40: {  	s31 =	simm.s32 $0x0;
	s18 =	sadd.s32 $0x14C00, s3;
	[smem:$0x7F4] =	sst s17  }
0x41: {  	s6 =	sadd.s32 $0x15100, s3;
	s19 =	sadd.s32 $0x15000, s3;
	[smem:$0x7F5] =	sst s18  }
0x42: {  	s8 =	sadd.s32 $0x14980, s3;
	s20 =	sadd.s32 $0x14480, s3;
	[smem:$0x7F6] =	sst s19  }
0x43: {  	s21 =	sadd.s32 $0x14880, s3;
	s22 =	sadd.s32 $0x14C80, s3;
	[smem:$0x7F7] =	sst s20  }
0x44: {  	s24 =	sadd.s32 $0x14500, s3;
	s25 =	sadd.s32 $0x14900, s3;
	[smem:$0x7F8] =	sst s21  }
0x45: {  	s26 =	sadd.s32 $0x14D00, s3;
	s7 =	sadd.s32 $0x14580, s3;
	[smem:$0x7F9] =	sst s22  }
0x46: {  	s9 =	sadd.s32 $0x14D80, s3;
	s10 =	sadd.s32 $0x15180, s3;
	[smem:$0x7FB] =	sst s24  }
0x47: {  	s11 =	sadd.s32 $0x14600, s3;
	s12 =	sadd.s32 $0x14A00, s3;
	[smem:$0x7FC] =	sst s25  }
0x48: {  	s13 =	sadd.s32 $0x14E00, s3;
	s23 =	sadd.s32 $0x14780, s3;
	[smem:$0x7FD] =	sst s26  }
0x49: {  	s14 =	sadd.s32 $0x15200, s3;
	s15 =	sadd.s32 $0x14680, s3;
	s16 =	sadd.s32 $0x14A80, s3  }
0x4a: {  	s17 =	sadd.s32 $0x14E80, s3;
	s18 =	sadd.s32 $0x15280, s3;
	s19 =	sadd.s32 $0x14700, s3  }
0x4b: {  	s20 =	sadd.s32 $0x14B00, s3;
	s21 =	sadd.s32 $0x14F00, s3;
	s22 =	sadd.s32 $0x15300, s3  }
0x4c: {  	v0 =	vimm.f32 $0.0e+00;
	v1 =	vimm.f32 $1.000000000e+00;
	s24 =	sadd.s32 $0x14B80, s3;
	s25 =	sadd.s32 $0x14F80, s3;
	s26 =	sadd.s32 $0x15380, s3  }
.LBB2_1:
0x4d: {  	s0 =	simm.s32 $0x0;
	s1 =	rddreg [dreg:$0x4]  }
0x4e: {  	[tilespmem:s0], [sflag:$0x1] =	stream.linear.gather [hbm4b:s1+s0], $0x2710, $0x38;
	[tilespmem:$0xA200] =	vst v63  }
0x4f: {  	_ =	swait.ge [sflag:s28], $0x2710  }
0x50: {  	[sflag:s28] =	ssyncset.done $0x0  }
0x51: {  	s0 =	simm.s32 $0x0;
	[sflag:s28] =	ssyncadd.s32 $0xFFFFD8F0  }
.LBB2_2:
0x52: {  	p0 =	sne.s32 s0, $0x9FC0  }
.Ltmp0:
0x53: {  	_ = 	snop;
	(pc) =	sbr.rel @p0 .LBB2_2-.Ltmp0, $3  }
0x54: {  	_ =	sdelay $0x1  }
0x55: {  	s1 =	sshra.s32 s0, $0x2  }
0x56: {  	s0 =	sadd.s32 $0x40, s0;
	[tilespmem:s1+$0x2780] =	vst v0  }
0x57: {  	s1 =	simm.s32 $0x0;
	s0 =	simm.s32 $0x40  }
.LBB2_4:
0x58: {  	p0 =	sne.s32 s0, $0x9C00;
	v2 =	vld [tilespmem:s1+$0x0];
	_ =	sdelay $0x3  }
.Ltmp1:
0x59: {  	(pc) =	sbr.rel @p0 .LBB2_4-.Ltmp1, $2  }
0x5a: {  	_ =	sdelay $0x2  }
0x5b: {  	s1 =	sshra.s32 s0, $0x2;
	s0 =	sadd.s32 $0x40, s0;
	[tilespmem:v2+s29+$0x0] =	vst.idx.add.f32.msk $0xffff, v1  }
0x5c: {  	v2 =	vld [tilespmem:s1+$0x0];
	_ =	sdelay $0x7  }
0x5d: {  	s0 =	rddreg [dreg:$0x5];
	s5 =	simm.s32 $0x400;
	[tilespmem:v2+s29+$0x0] =	vst.idx.add.f32.msk $0xffff, v1  }
0x5e: {  	[spmem:s0] =	stream.strided.scatter [tilespmem:s29], [sflag:$0x1], $0x2800, s5, s30, $0x38;
	[tilespmem:$0xA200] =	vst v63  }
0x5f: {  	_ =	swait.ge [sflag:s28], $0x2800  }
0x60: {  	[sflag:s28] =	ssyncset.done $0x0  }
0x61: {  	[sflag:s28] =	ssyncadd.s32 $0xFFFFD800  }
0x62: {  	s2 =	simm.s32 $0x4F80;
	[bflag:$0x0] =	sbarrier.arrive $0xFFFF  }
0x63: {  	[tilespmem:s2], [sflag:$0x1] =	stream.linear.gather [spmem:s3], $0x80, $0x38;
	[tilespmem:$0xA200] =	vst v63  }
0x64: {  	s5 =	simm.s32 $0x5380;
	s4 =	rddreg [dreg:$0x17]  }
0x65: {  	[tilespmem:s5], [sflag:$0x1] =	stream.linear.gather [spmem:s4], $0x80, $0x38;
	[tilespmem:$0xA200] =	vst v63  }
0x66: {  	s1 =	rddreg [dreg:$0x18];
	s2 =	simm.s32 $0x5780  }
0x67: {  	[tilespmem:s2], [sflag:$0x1] =	stream.linear.gather [spmem:s1], $0x80, $0x38;
	[tilespmem:$0xA200] =	vst v63  }
0x68: {  	s4 =	rddreg [dreg:$0x19];
	s5 =	simm.s32 $0x5B80  }
0x69: {  	[tilespmem:s5], [sflag:$0x1] =	stream.linear.gather [spmem:s4], $0x80, $0x38;
	[tilespmem:$0xA200] =	vst v63  }
0x6a: {  	s1 =	rddreg [dreg:$0x1a];
	s2 =	simm.s32 $0x5F80  }
0x6b: {  	[tilespmem:s2], [sflag:$0x1] =	stream.linear.gather [spmem:s1], $0x80, $0x38;
	[tilespmem:$0xA200] =	vst v63  }
0x6c: {  	_ =	swait.ge [sflag:s28], $0x280  }
0x6d: {  	[sflag:s28] =	ssyncset.done $0x0  }
0x6e: {  	s5 =	simm.s32 $0x5000;
	s4 =	rddreg [dreg:$0x6];
	[sflag:s28] =	ssyncadd.s32 $0xFFFFFD80  }
0x6f: {  	[tilespmem:s5], [sflag:$0x1] =	stream.linear.gather [spmem:s4], $0x80, $0x38;
	[tilespmem:$0xA200] =	vst v63  }
0x70: {  	s2 =	simm.s32 $0x5400;
	s1 =	rddreg [dreg:$0x1b]  }
0x71: {  	[tilespmem:s2], [sflag:$0x1] =	stream.linear.gather [spmem:s1], $0x80, $0x38;
	[tilespmem:$0xA200] =	vst v63  }
0x72: {  	s4 =	rddreg [dreg:$0x1c];
	s5 =	simm.s32 $0x5800  }
0x73: {  	[tilespmem:s5], [sflag:$0x1] =	stream.linear.gather [spmem:s4], $0x80, $0x38;
	[tilespmem:$0xA200] =	vst v63  }
0x74: {  	s1 =	rddreg [dreg:$0x1d];
	s2 =	simm.s32 $0x5C00  }
0x75: {  	[tilespmem:s2], [sflag:$0x1] =	stream.linear.gather [spmem:s1], $0x80, $0x38;
	[tilespmem:$0xA200] =	vst v63  }
0x76: {  	s4 =	rddreg [dreg:$0x1e];
	s5 =	simm.s32 $0x6000  }
0x77: {  	[tilespmem:s5], [sflag:$0x1] =	stream.linear.gather [spmem:s4], $0x80, $0x38;
	[tilespmem:$0xA200] =	vst v63  }
0x78: {  	_ =	swait.ge [sflag:s28], $0x280  }
0x79: {  	[sflag:s28] =	ssyncset.done $0x0;
	s1 =	rddreg [dreg:$0x7]  }
0x7a: {  	s2 =	simm.s32 $0x5080;
	s4 =	rddreg [dreg:$0x1f];
	[sflag:s28] =	ssyncadd.s32 $0xFFFFFD80  }
0x7b: {  	[tilespmem:s2], [sflag:$0x1] =	stream.linear.gather [spmem:s1], $0x80, $0x38;
	[tilespmem:$0xA200] =	vst v63  }
0x7c: {  	s5 =	simm.s32 $0x5480;
	s1 =	sld [smem:$0x7DC]  }
0x7d: {  	[tilespmem:s5], [sflag:$0x1] =	stream.linear.gather [spmem:s4], $0x80, $0x38;
	[tilespmem:$0xA200] =	vst v63  }
0x7e: {  	s2 =	simm.s32 $0x5880;
	s4 =	sld [smem:$0x7DD]  }
0x7f: {  	[tilespmem:s2], [sflag:$0x1] =	stream.linear.gather [spmem:s1], $0x80, $0x38;
	[tilespmem:$0xA200] =	vst v63  }
0x80: {  	s5 =	simm.s32 $0x5C80;
	s1 =	sld [smem:$0x7DE]  }
0x81: {  	[tilespmem:s5], [sflag:$0x1] =	stream.linear.gather [spmem:s4], $0x80, $0x38;
	[tilespmem:$0xA200] =	vst v63  }
0x82: {  	s2 =	simm.s32 $0x6080  }
0x83: {  	[tilespmem:s2], [sflag:$0x1] =	stream.linear.gather [spmem:s1], $0x80, $0x38;
	[tilespmem:$0xA200] =	vst v63  }
0x84: {  	_ =	swait.ge [sflag:s28], $0x280  }
0x85: {  	[sflag:s28] =	ssyncset.done $0x0;
	s4 =	rddreg [dreg:$0x8]  }
0x86: {  	s5 =	simm.s32 $0x5100;
	s1 =	sld [smem:$0x7DF];
	[sflag:s28] =	ssyncadd.s32 $0xFFFFFD80  }
0x87: {  	[tilespmem:s5], [sflag:$0x1] =	stream.linear.gather [spmem:s4], $0x80, $0x38;
	[tilespmem:$0xA200] =	vst v63  }
0x88: {  	s2 =	simm.s32 $0x5500;
	s4 =	sld [smem:$0x7E0]  }
0x89: {  	[tilespmem:s2], [sflag:$0x1] =	stream.linear.gather [spmem:s1], $0x80, $0x38;
	[tilespmem:$0xA200] =	vst v63  }
0x8a: {  	s5 =	simm.s32 $0x5900;
	s1 =	sld [smem:$0x7E1]  }
0x8b: {  	[tilespmem:s5], [sflag:$0x1] =	stream.linear.gather [spmem:s4], $0x80, $0x38;
	[tilespmem:$0xA200] =	vst v63  }
0x8c: {  	s2 =	simm.s32 $0x5D00;
	s4 =	sld [smem:$0x7E2]  }
0x8d: {  	[tilespmem:s2], [sflag:$0x1] =	stream.linear.gather [spmem:s1], $0x80, $0x38;
	[tilespmem:$0xA200] =	vst v63  }
0x8e: {  	s5 =	simm.s32 $0x6100  }
0x8f: {  	[tilespmem:s5], [sflag:$0x1] =	stream.linear.gather [spmem:s4], $0x80, $0x38;
	[tilespmem:$0xA200] =	vst v63  }
0x90: {  	_ =	swait.ge [sflag:s28], $0x280  }
0x91: {  	[sflag:s28] =	ssyncset.done $0x0;
	s1 =	rddreg [dreg:$0x9]  }
0x92: {  	s2 =	simm.s32 $0x5180;
	s4 =	sld [smem:$0x7E3];
	[sflag:s28] =	ssyncadd.s32 $0xFFFFFD80  }
0x93: {  	[tilespmem:s2], [sflag:$0x1] =	stream.linear.gather [spmem:s1], $0x80, $0x38;
	[tilespmem:$0xA200] =	vst v63  }
0x94: {  	s5 =	simm.s32 $0x5580;
	s1 =	sld [smem:$0x7E4]  }
0x95: {  	[tilespmem:s5], [sflag:$0x1] =	stream.linear.gather [spmem:s4], $0x80, $0x38;
	[tilespmem:$0xA200] =	vst v63  }
0x96: {  	s2 =	simm.s32 $0x5980;
	s4 =	sld [smem:$0x7E5]  }
0x97: {  	[tilespmem:s2], [sflag:$0x1] =	stream.linear.gather [spmem:s1], $0x80, $0x38;
	[tilespmem:$0xA200] =	vst v63  }
0x98: {  	s5 =	simm.s32 $0x5D80;
	s1 =	sld [smem:$0x7E6]  }
0x99: {  	[tilespmem:s5], [sflag:$0x1] =	stream.linear.gather [spmem:s4], $0x80, $0x38;
	[tilespmem:$0xA200] =	vst v63  }
0x9a: {  	s2 =	simm.s32 $0x6180  }
0x9b: {  	[tilespmem:s2], [sflag:$0x1] =	stream.linear.gather [spmem:s1], $0x80, $0x38;
	[tilespmem:$0xA200] =	vst v63  }
0x9c: {  	_ =	swait.ge [sflag:s28], $0x280  }
0x9d: {  	[sflag:s28] =	ssyncset.done $0x0;
	s4 =	rddreg [dreg:$0xa]  }
0x9e: {  	s5 =	simm.s32 $0x5200;
	s1 =	sld [smem:$0x7E7];
	[sflag:s28] =	ssyncadd.s32 $0xFFFFFD80  }
0x9f: {  	[tilespmem:s5], [sflag:$0x1] =	stream.linear.gather [spmem:s4], $0x80, $0x38;
	[tilespmem:$0xA200] =	vst v63  }
0xa0: {  	s2 =	simm.s32 $0x5600;
	s4 =	sld [smem:$0x7E8]  }
0xa1: {  	[tilespmem:s2], [sflag:$0x1] =	stream.linear.gather [spmem:s1], $0x80, $0x38;
	[tilespmem:$0xA200] =	vst v63  }
0xa2: {  	s5 =	simm.s32 $0x5A00;
	s1 =	sld [smem:$0x7E9]  }
0xa3: {  	[tilespmem:s5], [sflag:$0x1] =	stream.linear.gather [spmem:s4], $0x80, $0x38;
	[tilespmem:$0xA200] =	vst v63  }
0xa4: {  	s2 =	simm.s32 $0x5E00;
	s4 =	sld [smem:$0x7EA]  }
0xa5: {  	[tilespmem:s2], [sflag:$0x1] =	stream.linear.gather [spmem:s1], $0x80, $0x38;
	[tilespmem:$0xA200] =	vst v63  }
0xa6: {  	s5 =	simm.s32 $0x6200  }
0xa7: {  	[tilespmem:s5], [sflag:$0x1] =	stream.linear.gather [spmem:s4], $0x80, $0x38;
	[tilespmem:$0xA200] =	vst v63  }
0xa8: {  	_ =	swait.ge [sflag:s28], $0x280  }
0xa9: {  	[sflag:s28] =	ssyncset.done $0x0;
	s1 =	rddreg [dreg:$0xb]  }
0xaa: {  	s2 =	simm.s32 $0x5280;
	s4 =	sld [smem:$0x7EB];
	[sflag:s28] =	ssyncadd.s32 $0xFFFFFD80  }
0xab: {  	[tilespmem:s2], [sflag:$0x1] =	stream.linear.gather [spmem:s1], $0x80, $0x38;
	[tilespmem:$0xA200] =	vst v63  }
0xac: {  	s5 =	simm.s32 $0x5680;
	s1 =	sld [smem:$0x7EC]  }
0xad: {  	[tilespmem:s5], [sflag:$0x1] =	stream.linear.gather [spmem:s4], $0x80, $0x38;
	[tilespmem:$0xA200] =	vst v63  }
0xae: {  	s2 =	simm.s32 $0x5A80;
	s4 =	sld [smem:$0x7ED]  }
0xaf: {  	[tilespmem:s2], [sflag:$0x1] =	stream.linear.gather [spmem:s1], $0x80, $0x38;
	[tilespmem:$0xA200] =	vst v63  }
0xb0: {  	s5 =	simm.s32 $0x5E80;
	s1 =	sld [smem:$0x7EE]  }
0xb1: {  	[tilespmem:s5], [sflag:$0x1] =	stream.linear.gather [spmem:s4], $0x80, $0x38;
	[tilespmem:$0xA200] =	vst v63  }
0xb2: {  	s2 =	simm.s32 $0x6280  }
0xb3: {  	[tilespmem:s2], [sflag:$0x1] =	stream.linear.gather [spmem:s1], $0x80, $0x38;
	[tilespmem:$0xA200] =	vst v63  }
0xb4: {  	_ =	swait.ge [sflag:s28], $0x280  }
0xb5: {  	[sflag:s28] =	ssyncset.done $0x0;
	s4 =	rddreg [dreg:$0xc]  }
0xb6: {  	s5 =	simm.s32 $0x5300;
	s1 =	sld [smem:$0x7EF];
	[sflag:s28] =	ssyncadd.s32 $0xFFFFFD80  }
0xb7: {  	[tilespmem:s5], [sflag:$0x1] =	stream.linear.gather [spmem:s4], $0x80, $0x38;
	[tilespmem:$0xA200] =	vst v63  }
0xb8: {  	s2 =	simm.s32 $0x5700;
	s4 =	sld [smem:$0x7F0]  }
0xb9: {  	[tilespmem:s2], [sflag:$0x1] =	stream.linear.gather [spmem:s1], $0x80, $0x38;
	[tilespmem:$0xA200] =	vst v63  }
0xba: {  	s5 =	simm.s32 $0x5B00;
	s1 =	sld [smem:$0x7F1]  }
0xbb: {  	[tilespmem:s5], [sflag:$0x1] =	stream.linear.gather [spmem:s4], $0x80, $0x38;
	[tilespmem:$0xA200] =	vst v63  }
0xbc: {  	s2 =	simm.s32 $0x5F00;
	s4 =	sld [smem:$0x7F2]  }
0xbd: {  	[tilespmem:s2], [sflag:$0x1] =	stream.linear.gather [spmem:s1], $0x80, $0x38;
	[tilespmem:$0xA200] =	vst v63  }
0xbe: {  	s5 =	simm.s32 $0x6300  }
0xbf: {  	[tilespmem:s5], [sflag:$0x1] =	stream.linear.gather [spmem:s4], $0x80, $0x38;
	[tilespmem:$0xA200] =	vst v63  }
0xc0: {  	_ =	swait.ge [sflag:s28], $0x280  }
0xc1: {  	[sflag:s28] =	ssyncset.done $0x0;
	s1 =	rddreg [dreg:$0xd]  }
0xc2: {  	s2 =	simm.s32 $0x6380;
	s4 =	sld [smem:$0x7F3];
	[sflag:s28] =	ssyncadd.s32 $0xFFFFFD80  }
0xc3: {  	[tilespmem:s2], [sflag:$0x1] =	stream.linear.gather [spmem:s1], $0x80, $0x38;
	[tilespmem:$0xA200] =	vst v63  }
0xc4: {  	s5 =	simm.s32 $0x6780;
	s1 =	sld [smem:$0x7F4]  }
0xc5: {  	[tilespmem:s5], [sflag:$0x1] =	stream.linear.gather [spmem:s4], $0x80, $0x38;
	[tilespmem:$0xA200] =	vst v63  }
0xc6: {  	s2 =	simm.s32 $0x6B80;
	s4 =	sld [smem:$0x7F5]  }
0xc7: {  	[tilespmem:s2], [sflag:$0x1] =	stream.linear.gather [spmem:s1], $0x80, $0x38;
	[tilespmem:$0xA200] =	vst v63  }
0xc8: {  	s5 =	simm.s32 $0x6F80;
	s1 =	sld [smem:$0x7F6]  }
0xc9: {  	[tilespmem:s5], [sflag:$0x1] =	stream.linear.gather [spmem:s4], $0x80, $0x38;
	[tilespmem:$0xA200] =	vst v63  }
0xca: {  	s2 =	simm.s32 $0x7380  }
0xcb: {  	[tilespmem:s2], [sflag:$0x1] =	stream.linear.gather [spmem:s1], $0x80, $0x38;
	[tilespmem:$0xA200] =	vst v63  }
0xcc: {  	_ =	swait.ge [sflag:s28], $0x280  }
0xcd: {  	[sflag:s28] =	ssyncset.done $0x0;
	s4 =	rddreg [dreg:$0xe]  }
0xce: {  	s5 =	simm.s32 $0x6400;
	s1 =	sld [smem:$0x7F7];
	[sflag:s28] =	ssyncadd.s32 $0xFFFFFD80  }
0xcf: {  	[tilespmem:s5], [sflag:$0x1] =	stream.linear.gather [spmem:s4], $0x80, $0x38;
	[tilespmem:$0xA200] =	vst v63  }
0xd0: {  	s2 =	simm.s32 $0x6800;
	s4 =	sld [smem:$0x7F8]  }
0xd1: {  	[tilespmem:s2], [sflag:$0x1] =	stream.linear.gather [spmem:s1], $0x80, $0x38;
	[tilespmem:$0xA200] =	vst v63  }
0xd2: {  	s5 =	simm.s32 $0x6C00;
	s1 =	sld [smem:$0x7F9]  }
0xd3: {  	[tilespmem:s5], [sflag:$0x1] =	stream.linear.gather [spmem:s4], $0x80, $0x38;
	[tilespmem:$0xA200] =	vst v63  }
0xd4: {  	s2 =	simm.s32 $0x7000;
	s4 =	sld [smem:$0x7FA]  }
0xd5: {  	[tilespmem:s2], [sflag:$0x1] =	stream.linear.gather [spmem:s1], $0x80, $0x38;
	[tilespmem:$0xA200] =	vst v63  }
0xd6: {  	s5 =	simm.s32 $0x7400  }
0xd7: {  	[tilespmem:s5], [sflag:$0x1] =	stream.linear.gather [spmem:s4], $0x80, $0x38;
	[tilespmem:$0xA200] =	vst v63  }
0xd8: {  	_ =	swait.ge [sflag:s28], $0x280  }
0xd9: {  	[sflag:s28] =	ssyncset.done $0x0;
	s1 =	rddreg [dreg:$0xf]  }
0xda: {  	s2 =	simm.s32 $0x6480;
	s4 =	sld [smem:$0x7FB];
	[sflag:s28] =	ssyncadd.s32 $0xFFFFFD80  }
0xdb: {  	[tilespmem:s2], [sflag:$0x1] =	stream.linear.gather [spmem:s1], $0x80, $0x38;
	[tilespmem:$0xA200] =	vst v63  }
0xdc: {  	s5 =	simm.s32 $0x6880;
	s1 =	sld [smem:$0x7FC]  }
0xdd: {  	[tilespmem:s5], [sflag:$0x1] =	stream.linear.gather [spmem:s4], $0x80, $0x38;
	[tilespmem:$0xA200] =	vst v63  }
0xde: {  	s2 =	simm.s32 $0x6C80;
	s4 =	sld [smem:$0x7FD]  }
0xdf: {  	[tilespmem:s2], [sflag:$0x1] =	stream.linear.gather [spmem:s1], $0x80, $0x38;
	[tilespmem:$0xA200] =	vst v63  }
0xe0: {  	s5 =	simm.s32 $0x7080  }
0xe1: {  	[tilespmem:s5], [sflag:$0x1] =	stream.linear.gather [spmem:s4], $0x80, $0x38;
	[tilespmem:$0xA200] =	vst v63  }
0xe2: {  	s2 =	simm.s32 $0x7480  }
0xe3: {  	[tilespmem:s2], [sflag:$0x1] =	stream.linear.gather [spmem:s6], $0x80, $0x38;
	[tilespmem:$0xA200] =	vst v63  }
0xe4: {  	_ =	swait.ge [sflag:s28], $0x280  }
0xe5: {  	[sflag:s28] =	ssyncset.done $0x0  }
0xe6: {  	s5 =	simm.s32 $0x6500;
	s4 =	rddreg [dreg:$0x10];
	[sflag:s28] =	ssyncadd.s32 $0xFFFFFD80  }
0xe7: {  	[tilespmem:s5], [sflag:$0x1] =	stream.linear.gather [spmem:s4], $0x80, $0x38;
	[tilespmem:$0xA200] =	vst v63  }
0xe8: {  	s1 =	simm.s32 $0x6900  }
0xe9: {  	[tilespmem:s1], [sflag:$0x1] =	stream.linear.gather [spmem:s7], $0x80, $0x38;
	[tilespmem:$0xA200] =	vst v63  }
0xea: {  	s2 =	simm.s32 $0x6D00  }
0xeb: {  	[tilespmem:s2], [sflag:$0x1] =	stream.linear.gather [spmem:s8], $0x80, $0x38;
	[tilespmem:$0xA200] =	vst v63  }
0xec: {  	s4 =	simm.s32 $0x7100  }
0xed: {  	[tilespmem:s4], [sflag:$0x1] =	stream.linear.gather [spmem:s9], $0x80, $0x38;
	[tilespmem:$0xA200] =	vst v63  }
0xee: {  	s5 =	simm.s32 $0x7500  }
0xef: {  	[tilespmem:s5], [sflag:$0x1] =	stream.linear.gather [spmem:s10], $0x80, $0x38;
	[tilespmem:$0xA200] =	vst v63  }
0xf0: {  	_ =	swait.ge [sflag:s28], $0x280  }
0xf1: {  	[sflag:s28] =	ssyncset.done $0x0  }
0xf2: {  	s2 =	simm.s32 $0x6580;
	s1 =	rddreg [dreg:$0x11];
	[sflag:s28] =	ssyncadd.s32 $0xFFFFFD80  }
0xf3: {  	[tilespmem:s2], [sflag:$0x1] =	stream.linear.gather [spmem:s1], $0x80, $0x38;
	[tilespmem:$0xA200] =	vst v63  }
0xf4: {  	s4 =	simm.s32 $0x6980  }
0xf5: {  	[tilespmem:s4], [sflag:$0x1] =	stream.linear.gather [spmem:s11], $0x80, $0x38;
	[tilespmem:$0xA200] =	vst v63  }
0xf6: {  	s5 =	simm.s32 $0x6D80  }
0xf7: {  	[tilespmem:s5], [sflag:$0x1] =	stream.linear.gather [spmem:s12], $0x80, $0x38;
	[tilespmem:$0xA200] =	vst v63  }
0xf8: {  	s1 =	simm.s32 $0x7180  }
0xf9: {  	[tilespmem:s1], [sflag:$0x1] =	stream.linear.gather [spmem:s13], $0x80, $0x38;
	[tilespmem:$0xA200] =	vst v63  }
0xfa: {  	s2 =	simm.s32 $0x7580  }
0xfb: {  	[tilespmem:s2], [sflag:$0x1] =	stream.linear.gather [spmem:s14], $0x80, $0x38;
	[tilespmem:$0xA200] =	vst v63  }
0xfc: {  	_ =	swait.ge [sflag:s28], $0x280  }
0xfd: {  	[sflag:s28] =	ssyncset.done $0x0  }
0xfe: {  	s5 =	simm.s32 $0x6600;
	s4 =	rddreg [dreg:$0x12];
	[sflag:s28] =	ssyncadd.s32 $0xFFFFFD80  }
0xff: {  	[tilespmem:s5], [sflag:$0x1] =	stream.linear.gather [spmem:s4], $0x80, $0x38;
	[tilespmem:$0xA200] =	vst v63  }
0x100: {  	s1 =	simm.s32 $0x6A00  }
0x101: {  	[tilespmem:s1], [sflag:$0x1] =	stream.linear.gather [spmem:s15], $0x80, $0x38;
	[tilespmem:$0xA200] =	vst v63  }
0x102: {  	s2 =	simm.s32 $0x6E00  }
0x103: {  	[tilespmem:s2], [sflag:$0x1] =	stream.linear.gather [spmem:s16], $0x80, $0x38;
	[tilespmem:$0xA200] =	vst v63  }
0x104: {  	s4 =	simm.s32 $0x7200  }
0x105: {  	[tilespmem:s4], [sflag:$0x1] =	stream.linear.gather [spmem:s17], $0x80, $0x38;
	[tilespmem:$0xA200] =	vst v63  }
0x106: {  	s5 =	simm.s32 $0x7600  }
0x107: {  	[tilespmem:s5], [sflag:$0x1] =	stream.linear.gather [spmem:s18], $0x80, $0x38;
	[tilespmem:$0xA200] =	vst v63  }
0x108: {  	_ =	swait.ge [sflag:s28], $0x280  }
0x109: {  	[sflag:s28] =	ssyncset.done $0x0  }
0x10a: {  	s2 =	simm.s32 $0x6680;
	s1 =	rddreg [dreg:$0x13];
	[sflag:s28] =	ssyncadd.s32 $0xFFFFFD80  }
0x10b: {  	[tilespmem:s2], [sflag:$0x1] =	stream.linear.gather [spmem:s1], $0x80, $0x38;
	[tilespmem:$0xA200] =	vst v63  }
0x10c: {  	s4 =	simm.s32 $0x6A80  }
0x10d: {  	[tilespmem:s4], [sflag:$0x1] =	stream.linear.gather [spmem:s19], $0x80, $0x38;
	[tilespmem:$0xA200] =	vst v63  }
0x10e: {  	s5 =	simm.s32 $0x6E80  }
0x10f: {  	[tilespmem:s5], [sflag:$0x1] =	stream.linear.gather [spmem:s20], $0x80, $0x38;
	[tilespmem:$0xA200] =	vst v63  }
0x110: {  	s1 =	simm.s32 $0x7280  }
0x111: {  	[tilespmem:s1], [sflag:$0x1] =	stream.linear.gather [spmem:s21], $0x80, $0x38;
	[tilespmem:$0xA200] =	vst v63  }
0x112: {  	s2 =	simm.s32 $0x7680  }
0x113: {  	[tilespmem:s2], [sflag:$0x1] =	stream.linear.gather [spmem:s22], $0x80, $0x38;
	[tilespmem:$0xA200] =	vst v63  }
0x114: {  	_ =	swait.ge [sflag:s28], $0x280  }
0x115: {  	[sflag:s28] =	ssyncset.done $0x0  }
0x116: {  	s5 =	simm.s32 $0x6700;
	s4 =	rddreg [dreg:$0x14];
	[sflag:s28] =	ssyncadd.s32 $0xFFFFFD80  }
0x117: {  	[tilespmem:s5], [sflag:$0x1] =	stream.linear.gather [spmem:s4], $0x80, $0x38;
	[tilespmem:$0xA200] =	vst v63  }
0x118: {  	s2 =	simm.s32 $0x6B00  }
0x119: {  	[tilespmem:s2], [sflag:$0x1] =	stream.linear.gather [spmem:s23], $0x80, $0x38;
	[tilespmem:$0xA200] =	vst v63  }
0x11a: {  	s4 =	simm.s32 $0x6F00  }
0x11b: {  	[tilespmem:s4], [sflag:$0x1] =	stream.linear.gather [spmem:s24], $0x80, $0x38;
	[tilespmem:$0xA200] =	vst v63  }
0x11c: {  	s5 =	simm.s32 $0x7300  }
0x11d: {  	[tilespmem:s5], [sflag:$0x1] =	stream.linear.gather [spmem:s25], $0x80, $0x38;
	[tilespmem:$0xA200] =	vst v63  }
0x11e: {  	s1 =	simm.s32 $0x7700  }
0x11f: {  	[tilespmem:s1], [sflag:$0x1] =	stream.linear.gather [spmem:s26], $0x80, $0x38;
	[tilespmem:$0xA200] =	vst v63  }
0x120: {  	s2 =	simm.s32 $0x0;
	_ =	swait.ge [sflag:s28], $0x280  }
0x121: {  	s0 =	sand.u32 $0x1C00, s2;
	s4 =	sand.u32 $0x70, s2;
	[sflag:s28] =	ssyncset.done $0x0  }
0x122: {  	s0 =	sor.u32 s4, s0;
	[sflag:s28] =	ssyncadd.s32 $0xFFFFFD80  }
0x123: {  	v2 =	vld [tilespmem:s0+$0x5000]  }
0x124: {  	v3 =	vld [tilespmem:s0+$0x4F80];
	_ =	sdelay $0x1  }
0x125: {  	v4 =	vld [tilespmem:s0+$0x5080];
	_ =	sdelay $0x1  }
0x126: {  	v5 =	vld [tilespmem:s0+$0x5100]  }
0x127: {  	v2 =	vadd.f32 v2, v3  }
0x128: {  	v3 =	vld [tilespmem:s0+$0x5180]  }
0x129: {  	v2 =	vadd.f32 v4, v2  }
0x12a: {  	v56 =	vld [tilespmem:s0+$0x5200]  }
0x12b: {  	v2 =	vadd.f32 v5, v2  }
0x12c: {  	v57 =	vld [tilespmem:s0+$0x5280]  }
0x12d: {  	v2 =	vadd.f32 v3, v2  }
0x12e: {  	v3 =	vld [tilespmem:s0+$0x5300]  }
0x12f: {  	v2 =	vadd.f32 v56, v2  }
0x130: {  	v58 =	vld [tilespmem:s0+$0x6380]  }
0x131: {  	v2 =	vadd.f32 v57, v2  }
0x132: {  	v59 =	vld [tilespmem:s0+$0x6400]  }
0x133: {  	v2 =	vadd.f32 v3, v2  }
0x134: {  	v3 =	vld [tilespmem:s0+$0x6480]  }
0x135: {  	v2 =	vadd.f32 v58, v2  }
0x136: {  	v60 =	vld [tilespmem:s0+$0x6500]  }
0x137: {  	v2 =	vadd.f32 v59, v2  }
0x138: {  	v61 =	vld [tilespmem:s0+$0x6580]  }
0x139: {  	v2 =	vadd.f32 v3, v2  }
0x13a: {  	v3 =	vld [tilespmem:s0+$0x6600]  }
0x13b: {  	v2 =	vadd.f32 v60, v2  }
0x13c: {  	v62 =	vld [tilespmem:s0+$0x6680]  }
0x13d: {  	v2 =	vadd.f32 v61, v2  }
0x13e: {  	v63 =	vld [tilespmem:s0+$0x6700]  }
0x13f: {  	v2 =	vadd.f32 v3, v2;
	_ =	sdelay $0x1  }
0x140: {  	v2 =	vadd.f32 v62, v2;
	_ =	sdelay $0x1  }
0x141: {  	s2 =	simm.s32 $0x80;
	s5 =	simm.s32 $0x10;
	v2 =	vadd.f32 v63, v2  }
0x142: {  	s4 =	sand.u32 $0x1C00, s2;
	s1 =	simm.s32 $0x7780;
	s0 =	sand.u32 $0x70, s5  }
0x143: {  	s0 =	sor.u32 s0, s4;
	s4 =	simm.s32 $0x20;
	[tilespmem:s1+$0x0] =	vst v2  }
.LBB2_6:
0x144: {  	p0 =	sne.s32 s4, $0x270;
	v2 =	vld [tilespmem:s0+$0x5000]  }
0x145: {  	v3 =	vld [tilespmem:s0+$0x4F80];
	_ =	sdelay $0x1  }
0x146: {  	v4 =	vld [tilespmem:s0+$0x5080];
	_ =	sdelay $0x1  }
0x147: {  	v5 =	vld [tilespmem:s0+$0x5100]  }
0x148: {  	v2 =	vadd.f32 v2, v3  }
0x149: {  	v3 =	vld [tilespmem:s0+$0x5180]  }
0x14a: {  	v2 =	vadd.f32 v4, v2  }
0x14b: {  	v4 =	vld [tilespmem:s0+$0x5200]  }
0x14c: {  	v2 =	vadd.f32 v5, v2  }
0x14d: {  	v5 =	vld [tilespmem:s0+$0x5280]  }
0x14e: {  	v2 =	vadd.f32 v3, v2  }
0x14f: {  	v3 =	vld [tilespmem:s0+$0x5300]  }
0x150: {  	v2 =	vadd.f32 v4, v2  }
0x151: {  	v4 =	vld [tilespmem:s0+$0x6380]  }
0x152: {  	v2 =	vadd.f32 v5, v2  }
0x153: {  	v5 =	vld [tilespmem:s0+$0x6400]  }
0x154: {  	v2 =	vadd.f32 v3, v2  }
0x155: {  	v3 =	vld [tilespmem:s0+$0x6480]  }
0x156: {  	v2 =	vadd.f32 v4, v2  }
0x157: {  	v4 =	vld [tilespmem:s0+$0x6500]  }
0x158: {  	v2 =	vadd.f32 v5, v2  }
0x159: {  	v5 =	vld [tilespmem:s0+$0x6580]  }
0x15a: {  	v2 =	vadd.f32 v3, v2  }
0x15b: {  	v3 =	vld [tilespmem:s0+$0x6600]  }
0x15c: {  	v2 =	vadd.f32 v4, v2  }
0x15d: {  	v4 =	vld [tilespmem:s0+$0x6680]  }
0x15e: {  	v2 =	vadd.f32 v5, v2  }
0x15f: {  	v5 =	vld [tilespmem:s0+$0x6700]  }
0x160: {  	v2 =	vadd.f32 v3, v2;
	_ =	sdelay $0x1  }
.Ltmp2:
0x161: {  	v2 =	vadd.f32 v4, v2;
	(pc) =	sbr.rel @p0 .LBB2_6-.Ltmp2, $4  }
0x162: {  	_ = 	snop  }
0x163: {  	s2 =	sadd.s32 $0x80, s2;
	v2 =	vadd.f32 v5, v2  }
0x164: {  	s1 =	sadd.s32 $0x10, s1;
	s5 =	sand.u32 $0x1C00, s2;
	s0 =	sand.u32 $0x70, s4  }
0x165: {  	s4 =	sadd.s32 $0x10, s4;
	s0 =	sor.u32 s0, s5;
	[tilespmem:s1+$0x0] =	vst v2  }
0x166: {  	v2 =	vld [tilespmem:s0+$0x5000]  }
0x167: {  	v3 =	vld [tilespmem:s0+$0x4F80];
	_ =	sdelay $0x1  }
0x168: {  	v4 =	vld [tilespmem:s0+$0x5080];
	_ =	sdelay $0x1  }
0x169: {  	v5 =	vld [tilespmem:s0+$0x5100]  }
0x16a: {  	v2 =	vadd.f32 v2, v3  }
0x16b: {  	v3 =	vld [tilespmem:s0+$0x5180]  }
0x16c: {  	v2 =	vadd.f32 v4, v2  }
0x16d: {  	v56 =	vld [tilespmem:s0+$0x5200]  }
0x16e: {  	v2 =	vadd.f32 v5, v2  }
0x16f: {  	v57 =	vld [tilespmem:s0+$0x5280]  }
0x170: {  	v2 =	vadd.f32 v3, v2  }
0x171: {  	v3 =	vld [tilespmem:s0+$0x5300]  }
0x172: {  	v2 =	vadd.f32 v56, v2  }
0x173: {  	v58 =	vld [tilespmem:s0+$0x6380]  }
0x174: {  	v2 =	vadd.f32 v57, v2  }
0x175: {  	v59 =	vld [tilespmem:s0+$0x6400]  }
0x176: {  	v2 =	vadd.f32 v3, v2  }
0x177: {  	v3 =	vld [tilespmem:s0+$0x6480]  }
0x178: {  	v2 =	vadd.f32 v58, v2  }
0x179: {  	v60 =	vld [tilespmem:s0+$0x6500]  }
0x17a: {  	v2 =	vadd.f32 v59, v2  }
0x17b: {  	v61 =	vld [tilespmem:s0+$0x6580]  }
0x17c: {  	v2 =	vadd.f32 v3, v2  }
0x17d: {  	v3 =	vld [tilespmem:s0+$0x6600]  }
0x17e: {  	v2 =	vadd.f32 v60, v2  }
0x17f: {  	v62 =	vld [tilespmem:s0+$0x6680]  }
0x180: {  	v2 =	vadd.f32 v61, v2  }
0x181: {  	v63 =	vld [tilespmem:s0+$0x6700]  }
0x182: {  	v2 =	vadd.f32 v3, v2;
	_ =	sdelay $0x1  }
0x183: {  	v2 =	vadd.f32 v62, v2;
	_ =	sdelay $0x1  }
0x184: {  	v2 =	vadd.f32 v63, v2  }
0x185: {  	s5 =	sadd.s32 $0x10, s1  }
0x186: {  	s1 =	rddreg [dreg:$0x15];
	s4 =	simm.s32 $0x100;
	s2 =	simm.s32 $0x7780;
	[tilespmem:s5+$0x0] =	vst v2  }
0x187: {  	[hbm4b:s1+s30] =	stream.strided.scatter [tilespmem:s2], [sflag:$0x1], $0x280, s4, s30, $0x38;
	[tilespmem:$0xA200] =	vst v63  }
0x188: {  	_ =	swait.ge [sflag:s28], $0x280  }
0x189: {  	s31 =	sadd.s32 $0x1, s31;
	s5 =	rddreg [dreg:$0x16]  }
0x18a: {  	p0 =	sne.s32 s31, s5  }
.Ltmp3:
0x18b: {  	_ = 	snop;
	(pc) =	sbr.rel @p0 .LBB2_1-.Ltmp3, $3  }
0x18c: {  	_ =	sdelay $0x1  }
0x18d: {  	[sflag:s28] =	ssyncset.done $0x0  }
0x18e: {  	[sflag:s28] =	ssyncadd.s32 $0xFFFFFD80  }
0x18f: {  	_ =	sfence.sel $0x180000  }
0x190: {  	[bflag:$0x0] =	sbarrier.arrive $0xFFFF  }
0x191: {  	_ =	strace $0x90000047  }
0x192: {  	s0 =	stileid.u32;
	[bflag:$0x2] =	sbarrier.arrive $0xFFFF  }
0x193: {  	p0 =	sne.s32 s0, $0x0;
	s0 =	rddreg [dreg:$0x3]  }
0x194: {  	s0 =	sadd.s32 @!p0 $0x100000, s0  }
0x195: {  	[sflag:s0] =	ssyncadd.tile.s32 @!p0 $0x1;
	_ =	shalt  }
.Lfunc_end2:
_tile_overlayer_lowered:
.L_overlay_start_2:
0x196: {  	(tag) =	ssettag $0x2  }
0x197: {  	s0 =	rddreg [dreg:$0x0];
	s2 =	stileid.u32  }
0x198: {  	s1 =	rddreg [dreg:$0x1];
	p0 =	sne.s32 s2, $0x0  }
0x199: {  	s3 =	rddreg [dreg:$0x2];
	[bflag:$0x3] =	sbarrier.arrive $0xFFFF;
	s2 =	simm.s32 @!p0 $0x1C01  }
0x19a: {  	[timem:s3], [sflag:s2] =	dma.local @!p0 [hbm:s0], s1  }
0x19b: {  	s0 =	simm.s32 @!p0 $0x1  }
0x19c: {  	_ =	swait.ge @!p0 [sflag:s0], s1  }
0x19d: {  	s1 =	ssub.s32 @!p0 $0x0, s1;
	[sflag:s0] =	ssyncset.done @!p0 $0x0  }
0x19e: {  	[sflag:s0] =	ssyncadd.s32 @!p0 s1  }
0x19f: {  	[bflag:$0x3] =	sbarrier.arrive $0xFFFF  }
0x1a0: {  	_ =	shalt  }

// kernel: kernel.9.cloned.1.call-start
scs
__scs_entry_jumppad:
0x0: {  	(pc) =	sbr.rel $0x88, $3  }
0x1: {  	(tag) =	ssettag $0x0;
	lr =	simm.s32 $0x1  }
0x2: {  	[smem:$0x3F9B] =	sst lr;
	_ =	strace $0xD0000000  }
0x3: {  	_ = 	snop  }
0x4: {  	_ = 	snop  }
0x5: {  	_ = 	snop  }
0x6: {  	_ = 	snop  }
0x7: {  	_ = 	snop  }
__scs_overlays_trampoline_lowered:
0x8: {  	[smem:$0x3FAA] =	sst s0  }
0x9: {  	[smem:$0x3FAB] =	sst s1  }
0xa: {  	[smem:$0x3FAC] =	sst s2  }
0xb: {  	[smem:$0x3FAD] =	sst s3  }
0xc: {  	[smem:$0x3FAE] =	sst s4  }
0xd: {  	[smem:$0x3FAF] =	sst s5  }
0xe: {  	[smem:$0x3FB0] =	sst s6  }
0xf: {  	[smem:$0x3FB1] =	sst s7  }
0x10: {  	[smem:$0x3FB2] =	sst s8  }
0x11: {  	[smem:$0x3FB3] =	sst s9;
	s0 =	simm.s32 @!p0 $0x0  }
0x12: {  	s1 =	sld [smem:$0x3F99];
	s0 =	simm.s32 @p0 $0x1  }
0x13: {  	[smem:$0x3FB4] =	sst s0;
	s0 =	simm.s32 @!p1 $0x0  }
0x14: {  	s2 =	sld [smem:$0x3F98];
	s0 =	simm.s32 @p1 $0x1  }
0x15: {  	[smem:$0x3FB5] =	sst s0;
	s0 =	simm.s32 @!p2 $0x0  }
0x16: {  	s3 =	sld [smem:$0x3FDB];
	s0 =	simm.s32 @p2 $0x1  }
0x17: {  	s4 =	simm.s32 $0x1BF5;
	[smem:$0x3FB7] =	sst s0  }
0x18: {  	s0 =	sld [smem:$0x3F9A];
	_ =	swait.ge [sflag:s4], $0x0  }
0x19: {  	s7 =	sld [smem:$0x3F9B]  }
0x1a: {  	s8 =	sadd.s32 $0xFFFFE003, lr  }
0x1b: {  	s9 =	sadd.s32 $0xFFFFFEF7, lr;
	s5 =	simm.s32 $0xFFFFFFFF;
	p2 =	slt.u32 s8, $0xFFFFF086  }
0x1c: {  	p1 =	slt.u32 s9, $0xF7A;
	s5 =	simm.s32 @!p2 $0x0  }
0x1d: {  	s5 =	simm.s32 @p1 $0x1;
	p0 =	seq.s32 s7, s2  }
0x1e: {  	s7 =	smul.u32 @!p0 $0xF7A, s2;
	p2 =	seq.s32 @!p0 s5, $0x0  }
0x1f: {  	s9 =	smul.u32 $0xF7A, s1;
	s8 =	simm.s32 @!p0 $0x1BF5;
	p2 =	por !p2, p0  }
0x20: {  	[sflag:s8] =	ssyncset.s32 @!p0 $0xFFFFF086;
	s6 =	sadd.s32 @!p0 s3, s7;
	s7 =	simm.s32 @!p0 $0x108  }
0x21: {  	s3 =	sadd.s32 s3, s9;
	s6 =	sadd.s32 @!p0 $0x88, s6;
	s7 =	simm.s32 @p2 $0x1082  }
0x22: {  	[simem:s7], [sflag:s8] =	dma.local @!p0 [hbm:s6], $0xF7A  }
0x23: {  	s9 =	sor.u32 $0xD0000000, s2;
	s6 =	simm.s32 $0x108;
	_ =	swait.ge @!p0 [sflag:s8], $0x0  }
0x24: {  	s3 =	sadd.s32 $0x88, s3;
	s6 =	simm.s32 @!p1 $0x1082;
	[sflag:s4] =	ssyncset.s32 $0xFFFFF086  }
0x25: {  	[simem:s6], [sflag:s4] =	dma.local [hbm:s3], $0xF7A  }
0x26: {  	[smem:$0x3F9B] =	sst s1;
	(tag) =	ssettag s2;
	_ =	strace s9  }
0x27: {  	s1 =	sld [smem:$0x3FAB]  }
0x28: {  	s2 =	sld [smem:$0x3FAC]  }
0x29: {  	s4 =	sld [smem:$0x3FAE]  }
0x2a: {  	p0 =	seq.s32 s5, $0x0;
	s5 =	sld [smem:$0x3FAF]  }
0x2b: {  	s6 =	sld [smem:$0x3FB0]  }
0x2c: {  	s7 =	sld [smem:$0x3FB1]  }
0x2d: {  	s3 =	simm.s32 $0x108;
	s8 =	sld [smem:$0x3FB2]  }
0x2e: {  	s3 =	simm.s32 @!p0 $0x1082;
	s9 =	sld [smem:$0x3FB3]  }
0x2f: {  	lr =	sadd.s32 s0, s3;
	s0 =	sld [smem:$0x3FAA]  }
0x30: {  	s3 =	sld [smem:$0x3FAD]  }
0x31: {  	[smem:$0x3FB6] =	sst s10  }
0x32: {  	s10 =	sld [smem:$0x3FB4];
	_ =	sdelay $0x3  }
0x33: {  	p0 =	seq.s32 s10, $0x1;
	s10 =	sld [smem:$0x3FB6];
	_ =	sdelay $0x3  }
0x34: {  	[smem:$0x3FB6] =	sst s10  }
0x35: {  	s10 =	sld [smem:$0x3FB5];
	_ =	sdelay $0x3  }
0x36: {  	p1 =	seq.s32 s10, $0x1;
	s10 =	sld [smem:$0x3FB6];
	_ =	sdelay $0x3  }
0x37: {  	[smem:$0x3FB6] =	sst s10  }
0x38: {  	s10 =	sld [smem:$0x3FB7]  }
0x39: {  	_ = 	snop;
	(pc) =	sbr.ind lr, $3  }
0x3a: {  	_ = 	snop  }
0x3b: {  	_ = 	snop  }
0x3c: {  	p2 =	seq.s32 s10, $0x1;
	s10 =	sld [smem:$0x3FB6]  }
0x3d: {  	_ =	shalt  }
0x3e: {  	_ =	shalt  }
0x3f: {  	_ =	shalt  }
0x40: {  	_ =	shalt  }
0x41: {  	_ =	shalt  }
0x42: {  	_ =	shalt  }
0x43: {  	_ =	shalt  }
0x44: {  	_ =	shalt  }
0x45: {  	_ =	shalt  }
0x46: {  	_ =	shalt  }
0x47: {  	_ =	shalt  }
0x48: {  	_ =	shalt  }
0x49: {  	_ =	shalt  }
0x4a: {  	_ =	shalt  }
0x4b: {  	_ =	shalt  }
0x4c: {  	_ =	shalt  }
0x4d: {  	_ =	shalt  }
0x4e: {  	_ =	shalt  }
0x4f: {  	_ =	shalt  }
0x50: {  	_ =	shalt  }
0x51: {  	_ =	shalt  }
0x52: {  	_ =	shalt  }
0x53: {  	_ =	shalt  }
0x54: {  	_ =	shalt  }
0x55: {  	_ =	shalt  }
0x56: {  	_ =	shalt  }
0x57: {  	_ =	shalt  }
0x58: {  	_ =	shalt  }
0x59: {  	_ =	shalt  }
0x5a: {  	_ =	shalt  }
0x5b: {  	_ =	shalt  }
0x5c: {  	_ =	shalt  }
0x5d: {  	_ =	shalt  }
0x5e: {  	_ =	shalt  }
0x5f: {  	_ =	shalt  }
0x60: {  	_ =	shalt  }
0x61: {  	_ =	shalt  }
0x62: {  	_ =	shalt  }
0x63: {  	_ =	shalt  }
0x64: {  	_ =	shalt  }
0x65: {  	_ =	shalt  }
0x66: {  	_ =	shalt  }
0x67: {  	_ =	shalt  }
0x68: {  	_ =	shalt  }
0x69: {  	_ =	shalt  }
0x6a: {  	_ =	shalt  }
0x6b: {  	_ =	shalt  }
0x6c: {  	_ =	shalt  }
0x6d: {  	_ =	shalt  }
0x6e: {  	_ =	shalt  }
0x6f: {  	_ =	shalt  }
0x70: {  	_ =	shalt  }
0x71: {  	_ =	shalt  }
0x72: {  	_ =	shalt  }
0x73: {  	_ =	shalt  }
0x74: {  	_ =	shalt  }
0x75: {  	_ =	shalt  }
0x76: {  	_ =	shalt  }
0x77: {  	_ =	shalt  }
0x78: {  	_ =	shalt  }
0x79: {  	_ =	shalt  }
0x7a: {  	_ =	shalt  }
0x7b: {  	_ =	shalt  }
0x7c: {  	_ =	shalt  }
0x7d: {  	_ =	shalt  }
0x7e: {  	_ =	shalt  }
0x7f: {  	_ =	shalt  }
0x80: {  	_ =	shalt  }
0x81: {  	_ =	shalt  }
0x82: {  	_ =	shalt  }
0x83: {  	_ =	shalt  }
0x84: {  	_ =	shalt  }
0x85: {  	_ =	shalt  }
0x86: {  	_ =	shalt  }
0x87: {  	_ =	shalt  }
.Lfunc_end0:
.L_simem_size_0:
called_computation.1_lowered:
.L_overlay_start_0:
0x88: {  	s2 =	sld [smem:$0x3FD9]  }
0x89: {  	s3 =	sld [smem:$0x3FFE];
	_ =	sdelay $0x1  }
0x8a: {  	s1 =	srdreg.scid  }
0x8b: {  	s0 =	sand.u32 $0x1, s1  }
0x8c: {  	s17 =	sshll.u32 s0, $0xA;
	s2 =	sadd.s32 s3, s2  }
0x8d: {  	s2 =	sadd.s32 s2, s17  }
0x8e: {  	[smem:$0x3FC2] =	sst s2  }
0x8f: {  	_ = 	snop  }
0x90: {  	s2 =	sld [smem:$0x3FD0];
	(tm) =	ssettm $0x1  }
0x91: {  	s18 =	sld [smem:$0x3FFB];
	_ =	sdelay $0x3  }
0x92: {  	_ =	strace s18  }
0x93: {  	s3 =	sld [smem:$0x3FFC];
	_ =	sdelay $0x3  }
0x94: {  	_ =	strace s3  }
0x95: {  	s3 =	sld [smem:$0x3FFD];
	_ =	sdelay $0x3  }
0x96: {  	_ =	strace s3  }
0x97: {  	_ =	strace $0x8FFFFFFF  }
0x98: {  	s19 =	sld [smem:$0x3FDB];
	_ =	sdelay $0x1  }
0x99: {  	s4 =	simm.s32 $_scs_section_size  }
0x9a: {  	s5 =	simm.s32 $_size__tile_overlayer_lowered;
	s6 =	simm.s32 $_tile_overlayer_lowered  }
0x9b: {  	s22 =	simm.s32 $0x1BFF;
	s21 =	sshll.u32 s6, $0x1;
	s3 =	sadd.s32 s4, s19  }
0x9c: {  	s7 =	simm.s32 $0x0;
	s20 =	sshll.u32 s5, $0x1;
	s5 =	sadd.s32 s21, s3  }
0x9d: {  	[timem:s7], [sflag:s22] =	dma.local [hbm:s5], s20  }
0x9e: {  	_ =	swait.ge [sflag:s22], s20  }
0x9f: {  	s4 =	ssub.s32 $0x0, s20;
	[sflag:s22] =	ssyncset.done $0x0  }
0xa0: {  	[sflag:s22] =	ssyncadd.s32 s4;
	_ =	sdelay $0x1  }
0xa1: {  	s23 =	simm.s32 $0x1B8B  }
0xa2: {  	_ =	swait.ge [sflag:s23], $0x1  }
0xa3: {  	[sflag:s23] =	ssyncset.done $0x0  }
0xa4: {  	s25 =	simm.s32 $0x1B8E;
	s24 =	sld [smem:$0x3FFE];
	[sflag:s23] =	ssyncadd.s32 $0xFFFFFFFF  }
0xa5: {  	s26 =	simm.s32 $execute0_lowered;
	[smem:$0x3FD2] =	sst s25  }
0xa6: {  	s5 =	sshll.u32 s26, $0x1;
	_ =	strace $0x80000049;
	[dreg:$0x1] =	wrdreg $0xFFFFFFFF  }
0xa7: {  	s28 =	simm.s32 $_size_execute0_lowered;
	s3 =	sadd.s32 s3, s5;
	[dreg:$0x0] =	wrdreg $0x0  }
0xa8: {  	s5 =	sshll.u32 s28, $0x1;
	[dreg:$0x2] =	wrdreg s3  }
0xa9: {  	[dreg:$0x3] =	wrdreg s5  }
0xaa: {  	[dreg:$0x4] =	wrdreg $0xC0  }
0xab: {  	_ =	task [dreg:s7], $0x5FFFF  }
0xac: {  	[dreg:$0x1] =	wrdreg $0xFFFFFFFF  }
0xad: {  	[dreg:$0x0] =	wrdreg $0x60  }
0xae: {  	[dreg:$0x2] =	wrdreg s2  }
0xaf: {  	[dreg:$0x3] =	wrdreg s24  }
0xb0: {  	[dreg:$0x4] =	wrdreg $0xB1000  }
0xb1: {  	[dreg:$0x5] =	wrdreg $0x9  }
0xb2: {  	_ =	task.clear_ibuf [dreg:s7], $0x6FFFF;
	_ =	strace $0x90000049  }
0xb3: {  	s29 =	simm.s32 $0x9;
	_ =	strace $0x8000004B  }
0xb4: {  	_ =	swait.ge [sflag:s29], $0x1  }
0xb5: {  	[sflag:s29] =	ssyncadd.s32 $0xFFFFFFFF  }
0xb6: {  	_ =	strace $0x9000004B  }
0xb7: {  	_ =	sfence  }
0xb8: {  	s30 =	sld [smem:$0x0];
	_ =	sdelay $0x2  }
0xb9: {  	s31 =	sshll.u32 s1, $0xD;
	s1 =	sshrl.u32 s1, $0x2  }
0xba: {  	s3 =	sand.u32 $0x4000, s31;
	s1 =	sadd.s32 s1, s30  }
0xbb: {  	s0 =	sor.u32 s3, s0;
	s1 =	sshll.u32 s1, $0x11  }
0xbc: {  	s0 =	sor.u32 s1, s0  }
0xbd: {  	s0 =	sadd.s32 $0x8F2B, s0  }
0xbe: {  	[sflag:s0] =	ssyncadd.remote.s32 $0x1  }
0xbf: {  	_ =	sfence.sel $0xFFFF  }
0xc0: {  	[dreg:$0x0] =	wrdreg $0xFFFFFFFF;
	(pc) =	sbr.abs _section_cstart, $3  }
0xc1: {  	[dreg:$0x1] =	wrdreg $0xFFFFFFFF  }
0xc2: {  	_ =	task.clear_ibuf [dreg:s7], $0x2FFFF;
	_ =	strace $0x9FFFFFFF  }
0xc3: {  	(tm) =	ssettm $0x7FFFFFFF  }
tec
execute0_lowered:
.L_overlay_start_1:
0x0: {  	(tag) =	ssettag $0x1  }
0x1: {  	s0 =	srdreg.scid;
	s1 =	rddreg [dreg:$0x0]  }
0x2: {  	s16 =	stileid.u32;
	s5 =	rddreg [dreg:$0x1]  }
0x3: {  	s3 =	rddreg [dreg:$0x2];
	s4 =	simm.s32 $0x0;
	s28 =	simm.s32 $0x2780  }
0x4: {  	s29 =	simm.s32 $0x6880;
	s30 =	simm.s32 $0x2800;
	s6 =	smul.u32 $0x14000, s16  }
0x5: {  	s31 =	simm.s32 $0x5;
	s0 =	sand.u32 $0x1, s0;
	s11 =	smul.u32 $0x50000, s16  }
0x6: {  	[smem:$0x7FF] =	sst s4;
	s15 =	sadd.s32 $0xBE00, s5;
	s22 =	smul.u32 $0x2710, s16  }
0x7: {  	s26 =	sshll.u32 s16, $0x6;
	s2 =	sshll.u32 s0, $0x4;
	s7 =	smul.u32 $0x140000, s0  }
0x8: {  	_ =	strace $0x8000004A;
	s18 =	ssub.s32 $0x2, s0;
	s0 =	smul.u32 $0x27100, s0  }
0x9: {  	s17 =	sor.u32 $0x1C07, s26;
	s26 =	simm.s32 $0x2880;
	s2 =	sor.u32 s16, s2  }
0xa: {  	s9 =	sshrl.u32 s6, $0x3;
	s10 =	sshrl.u32 s18, $0x1;
	s20 =	sshrl.u32 s11, $0x2  }
0xb: {  	s16 =	simm.s32 $0x7;
	s2 =	smul.u32 $0x2710, s2;
	s6 =	sadd.s32 s6, s7  }
0xc: {  	s9 =	sadd.s32 s9, s5;
	s7 =	ssub.s32 s18, s10;
	s21 =	sadd.s32 s20, s3  }
0xd: {  	s0 =	sadd.s32 s22, s0;
	s22 =	simm.s32 $0x1;
	s20 =	simm.s32 $0x4  }
0xe: {  	s6 =	sshrl.u32 s6, $0x3;
	s9 =	sadd.s32 $0x65C00, s9;
	s13 =	smax.u32 s7, $0x1  }
0xf: {  	s18 =	sshrl.u32 s21, $0x3;
	s21 =	simm.s32 $0xA900;
	s2 =	sshrl.u32 s2, $0x3  }
0x10: {  	[dreg:$0x5] =	wrdreg s9;
	s8 =	sadd.s32 s2, s5;
	s5 =	sadd.s32 s6, s5  }
0x11: {  	s6 =	sadd.s32 s15, s2;
	s2 =	sadd.s32 $0x280, s0;
	s0 =	sadd.s32 $0x200, s0  }
0x12: {  	s19 =	sadd.s32 $0x2000, s8;
	s23 =	sadd.s32 $0x4E0, s6;
	s24 =	sadd.s32 $0x10, s6  }
0x13: {  	s25 =	sadd.s32 $0x20, s6;
	s11 =	sadd.s32 $0x30, s6;
	[dreg:$0x4] =	wrdreg s19  }
0x14: {  	s12 =	sadd.s32 $0x8DC00, s5;
	s2 =	sshrl.u32 s2, $0x3;
	[dreg:$0x6] =	wrdreg s23  }
0x15: {  	s0 =	sshrl.u32 s0, $0x3;
	s5 =	simm.s32 $0x0;
	[dreg:$0x7] =	wrdreg s24  }
0x16: {  	[dreg:$0x8] =	wrdreg s25;
	s14 =	sadd.s32 s2, s15;
	s15 =	sadd.s32 s0, s15  }
0x17: {  	s19 =	simm.s32 $0x10;
	s23 =	simm.s32 $0xA880;
	s24 =	simm.s32 $0x3  }
0x18: {  	s25 =	simm.s32 $0x80;
	s0 =	simm.s32 $0x2;
	s2 =	simm.s32 $0x6  }
.LBB2_1:
0x19: {  	s7 =	rddreg [dreg:$0x4]  }
0x1a: {  	[tilespmem:s4], [sflag:$0x7] =	stream.linear.gather [hbm4b:s7+s4], $0x2710, $0x38;
	[tilespmem:$0x1F100] =	vst v63  }
0x1b: {  	_ =	swait.ge [sflag:s16], $0x2710  }
0x1c: {  	[sflag:s16] =	ssyncset.done $0x0  }
0x1d: {  	s9 =	rddreg [dreg:$0x5];
	[sflag:s16] =	ssyncadd.s32 $0xFFFFD8F0  }
0x1e: {  	[spmem:s18], [sflag:s17] =	dma.local [hbm:s9], $0x2800  }
0x1f: {  	_ =	swait.ge [sflag:s16], $0x2800  }
0x20: {  	[sflag:s16] =	ssyncset.done $0x0  }
0x21: {  	[sflag:s16] =	ssyncadd.s32 $0xFFFFD800  }
0x22: {  	s10 =	simm.s32 $0x2700;
	[bflag:$0x0] =	sbarrier.arrive $0xFFFF  }
0x23: {  	[tilespmem:s21], [sflag:$0x1] =	stream.indirect.gather [hbm4b:s1+s19], $0x80, s10, s19, $0xb8;
	[tilespmem:$0x1F100] =	vst v63  }
0x24: {  	_ =	swait.ge [sflag:s22], $0x800  }
0x25: {  	[sflag:s22] =	ssyncset.done $0x0  }
0x26: {  	s8 =	rddreg [dreg:$0x6];
	[sflag:s22] =	ssyncadd.s32 $0xFFFFF800  }
0x27: {  	[tilespmem:s23], [sflag:$0x3] =	stream.linear.gather [hbm4b:s8+s4], $0x10, $0x38;
	[tilespmem:$0x1F100] =	vst v63  }
0x28: {  	_ =	swait.ge [sflag:s24], $0x10  }
0x29: {  	[sflag:s24] =	ssyncset.done $0x0  }
0x2a: {  	[sflag:s24] =	ssyncadd.s32 $0xFFFFFFF0  }
0x2b: {  	[spmem:s3] =	stream.indirect.scatter.add.f32 [tilespmem:s21], [sflag:$0x7], $0x80, s23, s19, $0xb8;
	[tilespmem:$0x1F100] =	vst v63  }
0x2c: {  	_ =	swait.ge [sflag:s16], $0x800  }
0x2d: {  	[sflag:s16] =	ssyncset.done $0x0  }
0x2e: {  	[sflag:s16] =	ssyncadd.s32 $0xFFFFF800  }
0x2f: {  	[tilespmem:s26], [sflag:$0x1] =	stream.indirect.gather [hbm4b:s1+s25], $0x80, s4, s25, $0xb8;
	[tilespmem:$0x1F100] =	vst v63  }
0x30: {  	_ = 	snop  }
0x31: {  	[tilespmem:s28], [sflag:$0x3] =	stream.linear.gather [hbm4b:s6+s4], $0x80, $0x38;
	[tilespmem:$0x1F100] =	vst v63  }
0x32: {  	_ = 	snop  }
0x33: {  	[tilespmem:s29], [sflag:$0x2] =	stream.indirect.gather [hbm4b:s1+s25], $0x80, s25, s25, $0xb8;
	[tilespmem:$0x1F100] =	vst v63  }
0x34: {  	s9 =	rddreg [dreg:$0x7]  }
0x35: {  	[tilespmem:s30], [sflag:$0x4] =	stream.linear.gather [hbm4b:s9+s4], $0x80, $0x38;
	[tilespmem:$0x1F100] =	vst v63  }
0x36: {  	_ =	swait.ge [sflag:s22], $0x4000  }
0x37: {  	[sflag:s22] =	ssyncset.done $0x0  }
0x38: {  	[sflag:s22] =	ssyncadd.s32 $0xFFFFC000  }
0x39: {  	_ =	swait.ge [sflag:s24], $0x80  }
0x3a: {  	[sflag:s24] =	ssyncset.done $0x0  }
0x3b: {  	[sflag:s24] =	ssyncadd.s32 $0xFFFFFF80  }
0x3c: {  	[spmem:s3] =	stream.indirect.scatter.add.f32 [tilespmem:s26], [sflag:$0x5], $0x80, s28, s25, $0xb8;
	[tilespmem:$0x1F100] =	vst v63  }
0x3d: {  	_ =	swait.ge [sflag:s31], $0x4000  }
0x3e: {  	[sflag:s31] =	ssyncset.done $0x0  }
0x3f: {  	s10 =	simm.s32 $0x100;
	[sflag:s31] =	ssyncadd.s32 $0xFFFFC000  }
0x40: {  	[tilespmem:s26], [sflag:$0x1] =	stream.indirect.gather [hbm4b:s1+s25], $0x80, s10, s25, $0xb8;
	[tilespmem:$0x1F100] =	vst v63  }
0x41: {  	s8 =	rddreg [dreg:$0x8]  }
0x42: {  	[tilespmem:s28], [sflag:$0x3] =	stream.linear.gather [hbm4b:s8+s4], $0x80, $0x38;
	[tilespmem:$0x1F100] =	vst v63  }
0x43: {  	_ =	swait.ge [sflag:s0], $0x4000  }
0x44: {  	[sflag:s0] =	ssyncset.done $0x0  }
0x45: {  	[sflag:s0] =	ssyncadd.s32 $0xFFFFC000  }
0x46: {  	_ =	swait.ge [sflag:s20], $0x80  }
0x47: {  	[sflag:s20] =	ssyncset.done $0x0  }
0x48: {  	[sflag:s20] =	ssyncadd.s32 $0xFFFFFF80  }
0x49: {  	[spmem:s3] =	stream.indirect.scatter.add.f32 [tilespmem:s29], [sflag:$0x6], $0x80, s30, s25, $0xb8;
	[tilespmem:$0x1F100] =	vst v63  }
0x4a: {  	_ =	swait.ge [sflag:s2], $0x4000  }
0x4b: {  	[sflag:s2] =	ssyncset.done $0x0  }
0x4c: {  	s9 =	simm.s32 $0x180;
	[sflag:s2] =	ssyncadd.s32 $0xFFFFC000  }
0x4d: {  	[tilespmem:s29], [sflag:$0x2] =	stream.indirect.gather [hbm4b:s1+s25], $0x80, s9, s25, $0xb8;
	[tilespmem:$0x1F100] =	vst v63  }
0x4e: {  	_ = 	snop  }
0x4f: {  	[tilespmem:s30], [sflag:$0x4] =	stream.linear.gather [hbm4b:s11+s4], $0x80, $0x38;
	[tilespmem:$0x1F100] =	vst v63  }
0x50: {  	_ =	swait.ge [sflag:s22], $0x4000  }
0x51: {  	[sflag:s22] =	ssyncset.done $0x0  }
0x52: {  	[sflag:s22] =	ssyncadd.s32 $0xFFFFC000  }
0x53: {  	_ =	swait.ge [sflag:s24], $0x80  }
0x54: {  	[sflag:s24] =	ssyncset.done $0x0  }
0x55: {  	[sflag:s24] =	ssyncadd.s32 $0xFFFFFF80  }
0x56: {  	[spmem:s3] =	stream.indirect.scatter.add.f32 [tilespmem:s26], [sflag:$0x5], $0x80, s28, s25, $0xb8;
	[tilespmem:$0x1F100] =	vst v63  }
0x57: {  	_ =	swait.ge [sflag:s31], $0x4000  }
0x58: {  	[sflag:s31] =	ssyncset.done $0x0  }
0x59: {  	s10 =	simm.s32 $0x200;
	[sflag:s31] =	ssyncadd.s32 $0xFFFFC000  }
0x5a: {  	[tilespmem:s26], [sflag:$0x1] =	stream.indirect.gather [hbm4b:s1+s25], $0x80, s10, s25, $0xb8;
	[tilespmem:$0x1F100] =	vst v63  }
0x5b: {  	s8 =	sadd.s32 $0x0, s15  }
0x5c: {  	[tilespmem:s28], [sflag:$0x3] =	stream.linear.gather [hbm4b:s8+s4], $0x80, $0x38;
	[tilespmem:$0x1F100] =	vst v63  }
0x5d: {  	_ =	swait.ge [sflag:s0], $0x4000  }
0x5e: {  	[sflag:s0] =	ssyncset.done $0x0  }
0x5f: {  	[sflag:s0] =	ssyncadd.s32 $0xFFFFC000  }
0x60: {  	_ =	swait.ge [sflag:s20], $0x80  }
0x61: {  	[sflag:s20] =	ssyncset.done $0x0  }
0x62: {  	[sflag:s20] =	ssyncadd.s32 $0xFFFFFF80  }
0x63: {  	[spmem:s3] =	stream.indirect.scatter.add.f32 [tilespmem:s29], [sflag:$0x6], $0x80, s30, s25, $0xb8;
	[tilespmem:$0x1F100] =	vst v63  }
0x64: {  	_ =	swait.ge [sflag:s2], $0x4000  }
0x65: {  	[sflag:s2] =	ssyncset.done $0x0  }
0x66: {  	s9 =	simm.s32 $0x280;
	[sflag:s2] =	ssyncadd.s32 $0xFFFFC000  }
0x67: {  	[tilespmem:s29], [sflag:$0x2] =	stream.indirect.gather [hbm4b:s1+s25], $0x80, s9, s25, $0xb8;
	[tilespmem:$0x1F100] =	vst v63  }
0x68: {  	s10 =	sadd.s32 $0x0, s14  }
0x69: {  	[tilespmem:s30], [sflag:$0x4] =	stream.linear.gather [hbm4b:s10+s4], $0x80, $0x38;
	[tilespmem:$0x1F100] =	vst v63  }
0x6a: {  	_ =	swait.ge [sflag:s22], $0x4000  }
0x6b: {  	[sflag:s22] =	ssyncset.done $0x0  }
0x6c: {  	[sflag:s22] =	ssyncadd.s32 $0xFFFFC000  }
0x6d: {  	_ =	swait.ge [sflag:s24], $0x80  }
0x6e: {  	[sflag:s24] =	ssyncset.done $0x0  }
0x6f: {  	s7 =	simm.s32 $0x20;
	s8 =	simm.s32 $0x380;
	[sflag:s24] =	ssyncadd.s32 $0xFFFFFF80  }
.LBB2_2:
0x70: {  	[spmem:s3] =	stream.indirect.scatter.add.f32 [tilespmem:s26], [sflag:$0x5], $0x80, s28, s25, $0xb8;
	[tilespmem:$0x1F100] =	vst v63  }
0x71: {  	s9 =	smov.u32 s7  }
0x72: {  	p0 =	sne.s32 s7, $0x480;
	s7 =	sadd.s32 $0x20, s7;
	_ =	swait.ge [sflag:s31], $0x4000  }
0x73: {  	[sflag:s31] =	ssyncset.done $0x0  }
0x74: {  	s10 =	sadd.s32 $0xFFFFFF80, s8;
	[sflag:s31] =	ssyncadd.s32 $0xFFFFC000  }
0x75: {  	[tilespmem:s26], [sflag:$0x1] =	stream.indirect.gather [hbm4b:s1+s25], $0x80, s10, s25, $0xb8;
	[tilespmem:$0x1F100] =	vst v63  }
0x76: {  	s10 =	sadd.s32 s9, s15  }
0x77: {  	[tilespmem:s28], [sflag:$0x3] =	stream.linear.gather [hbm4b:s10+s4], $0x80, $0x38;
	[tilespmem:$0x1F100] =	vst v63  }
0x78: {  	_ =	swait.ge [sflag:s0], $0x4000  }
0x79: {  	[sflag:s0] =	ssyncset.done $0x0  }
0x7a: {  	[sflag:s0] =	ssyncadd.s32 $0xFFFFC000  }
0x7b: {  	_ =	swait.ge [sflag:s20], $0x80  }
0x7c: {  	[sflag:s20] =	ssyncset.done $0x0  }
0x7d: {  	[sflag:s20] =	ssyncadd.s32 $0xFFFFFF80  }
0x7e: {  	[spmem:s3] =	stream.indirect.scatter.add.f32 [tilespmem:s29], [sflag:$0x6], $0x80, s30, s25, $0xb8;
	[tilespmem:$0x1F100] =	vst v63  }
0x7f: {  	_ =	swait.ge [sflag:s2], $0x4000  }
0x80: {  	[sflag:s2] =	ssyncset.done $0x0  }
0x81: {  	[sflag:s2] =	ssyncadd.s32 $0xFFFFC000  }
0x82: {  	[tilespmem:s29], [sflag:$0x2] =	stream.indirect.gather [hbm4b:s1+s25], $0x80, s8, s25, $0xb8;
	[tilespmem:$0x1F100] =	vst v63  }
0x83: {  	s9 =	sadd.s32 s9, s14  }
0x84: {  	[tilespmem:s30], [sflag:$0x4] =	stream.linear.gather [hbm4b:s9+s4], $0x80, $0x38;
	[tilespmem:$0x1F100] =	vst v63  }
0x85: {  	_ =	swait.ge [sflag:s22], $0x4000  }
.Ltmp0:
0x86: {  	[sflag:s22] =	ssyncset.done $0x0;
	(pc) =	sbr.rel @p0 .LBB2_2-.Ltmp0, $4  }
0x87: {  	[sflag:s22] =	ssyncadd.s32 $0xFFFFC000  }
0x88: {  	_ =	swait.ge [sflag:s24], $0x80  }
0x89: {  	[sflag:s24] =	ssyncset.done $0x0  }
0x8a: {  	s8 =	sadd.s32 $0x100, s8;
	[sflag:s24] =	ssyncadd.s32 $0xFFFFFF80  }
0x8b: {  	[spmem:s3] =	stream.indirect.scatter.add.f32 [tilespmem:s26], [sflag:$0x5], $0x80, s28, s25, $0xb8;
	[tilespmem:$0x1F100] =	vst v63  }
0x8c: {  	_ =	swait.ge [sflag:s0], $0x4000  }
0x8d: {  	[sflag:s0] =	ssyncset.done $0x0  }
0x8e: {  	[sflag:s0] =	ssyncadd.s32 $0xFFFFC000  }
0x8f: {  	_ =	swait.ge [sflag:s20], $0x80  }
0x90: {  	[sflag:s20] =	ssyncset.done $0x0  }
0x91: {  	[sflag:s20] =	ssyncadd.s32 $0xFFFFFF80  }
0x92: {  	[spmem:s3] =	stream.indirect.scatter.add.f32 [tilespmem:s29], [sflag:$0x6], $0x80, s30, s25, $0xb8;
	[tilespmem:$0x1F100] =	vst v63  }
0x93: {  	_ =	swait.ge [sflag:s31], $0x4000  }
0x94: {  	[sflag:s31] =	ssyncset.done $0x0  }
0x95: {  	[sflag:s31] =	ssyncadd.s32 $0xFFFFC000  }
0x96: {  	_ =	swait.ge [sflag:s2], $0x4000  }
0x97: {  	s5 =	sadd.s32 $0x1, s5;
	[sflag:s2] =	ssyncset.done $0x0  }
0x98: {  	p0 =	sne.s32 s5, s13;
	[sflag:s2] =	ssyncadd.s32 $0xFFFFC000  }
.Ltmp1:
0x99: {  	[bflag:$0x0] =	sbarrier.arrive $0xFFFF;
	(pc) =	sbr.rel @p0 .LBB2_1-.Ltmp1, $4  }
0x9a: {  	[hbm:s12], [sflag:s17] =	dma.local [spmem:s18], $0x2800  }
0x9b: {  	_ =	swait.ge [sflag:s16], $0x2800  }
0x9c: {  	[sflag:s16] =	ssyncset.done $0x0  }
0x9d: {  	[sflag:s16] =	ssyncadd.s32 $0xFFFFD800  }
0x9e: {  	_ =	sfence.sel $0x180000  }
0x9f: {  	[bflag:$0x0] =	sbarrier.arrive $0xFFFF  }
0xa0: {  	_ =	strace $0x9000004A  }
0xa1: {  	s0 =	stileid.u32;
	[bflag:$0x2] =	sbarrier.arrive $0xFFFF  }
0xa2: {  	p0 =	sne.s32 s0, $0x0;
	s0 =	rddreg [dreg:$0x3]  }
0xa3: {  	s0 =	sadd.s32 @!p0 $0x100000, s0  }
0xa4: {  	[sflag:s0] =	ssyncadd.tile.s32 @!p0 $0x1;
	_ =	shalt  }
.Lfunc_end2:
_tile_overlayer_lowered:
.L_overlay_start_2:
0xa5: {  	(tag) =	ssettag $0x2  }
0xa6: {  	s0 =	rddreg [dreg:$0x0];
	s2 =	stileid.u32  }
0xa7: {  	s1 =	rddreg [dreg:$0x1];
	p0 =	sne.s32 s2, $0x0  }
0xa8: {  	s3 =	rddreg [dreg:$0x2];
	[bflag:$0x3] =	sbarrier.arrive $0xFFFF;
	s2 =	simm.s32 @!p0 $0x1C07  }
0xa9: {  	[timem:s3], [sflag:s2] =	dma.local @!p0 [hbm:s0], s1  }
0xaa: {  	s0 =	simm.s32 @!p0 $0x7  }
0xab: {  	_ =	swait.ge @!p0 [sflag:s0], s1  }
0xac: {  	s1 =	ssub.s32 @!p0 $0x0, s1;
	[sflag:s0] =	ssyncset.done @!p0 $0x0  }
0xad: {  	[sflag:s0] =	ssyncadd.s32 @!p0 s1  }
0xae: {  	[bflag:$0x3] =	sbarrier.arrive $0xFFFF  }
0xaf: {  	_ =	shalt  }

</sc_bundles>
